<compile_context>
chip_gen: v7x
topology: tpu7x:2x2x1
jax: 0.10.2.dev20260603
libtpu: 0.0.44.dev20260713+nightly
codegen_flags: <defaults>
</compile_context>

<pallas_src>
import functools

import jax
import jax.numpy as jnp
from jax import lax
from jax.experimental import pallas as pl
from jax.experimental.pallas import tpu as pltpu
from jax.experimental.pallas import tpu_sc as plsc

N = 10000
D = 128
E = 320000
NC = 2
NS = 16
NW = NC * NS
CHUNK = 80
NCHUNK0 = 164
NCHUNK1 = 88
EPT0 = CHUNK * NCHUNK0
EPT1 = CHUNK * NCHUNK1
E_PAD = NS * (EPT0 + EPT1)
N_ACC = N + 8
ZT = 10
ZR = N // ZT
ND_PAD = 10240
DPT = ND_PAD // NS


def _sc_mesh():
    return plsc.VectorSubcoreMesh(core_axis_name="c", subcore_axis_name="s")


def _sc_degree(dst1d, zdeg):

    @functools.partial(
        pl.kernel,
        out_type=jax.ShapeDtypeStruct((NC * ND_PAD,), jnp.float32),
        mesh=_sc_mesh(),
        scratch_types=[
            [pltpu.VMEM((CHUNK,), jnp.int32) for _ in range(4)],
            pltpu.VMEM((CHUNK,), jnp.float32),
            pltpu.VMEM_SHARED((ND_PAD,), jnp.float32),
            pltpu.SemaphoreType.DMA,
            pltpu.SemaphoreType.DMA,
        ],
    )
    def run(dst_hbm, z_hbm, out_hbm, dbufs, ones, acc, isem, ssem):
        c = lax.axis_index("c")
        s = lax.axis_index("s")
        base = jnp.where(c == 0, s * EPT0, NS * EPT0 + s * EPT1)
        ngrp = jnp.where(c == 0, NCHUNK0 // 4, NCHUNK1 // 4)
        for k in range(4):
            pltpu.async_copy(dst_hbm.at[pl.ds(base + k * CHUNK, CHUNK)],
                             dbufs[k], isem)
        pltpu.sync_copy(z_hbm.at[pl.ds(c * ND_PAD + s * DPT, DPT)],
                        acc.at[pl.ds(s * DPT, DPT)])
        for j in range(CHUNK // 16):
            ones[pl.ds(j * 16, 16)] = jnp.full((16,), 1.0, jnp.float32)
        plsc.subcore_barrier()

        @pl.loop(0, ngrp)
        def _(j):
            b = base + (4 * j) * CHUNK
            for k in range(4):
                pltpu.make_async_copy(dst_hbm.at[pl.ds(b + k * CHUNK, CHUNK)],
                                      dbufs[k], isem).wait()
                pltpu.async_copy(ones, acc.at[dbufs[k]], ssem, add=True)
            for k in range(4):
                pltpu.make_async_copy(ones, acc.at[dbufs[k]], ssem).wait()

            @pl.when(j + 1 < ngrp)
            def _():
                for k in range(4):
                    pltpu.async_copy(
                        dst_hbm.at[pl.ds(b + (4 + k) * CHUNK, CHUNK)],
                        dbufs[k], isem)

        plsc.subcore_barrier()
        pltpu.sync_copy(acc.at[pl.ds(s * DPT, DPT)],
                        out_hbm.at[pl.ds(c * ND_PAD + s * DPT, DPT)])

    return run(dst1d, zdeg)


def _sc_aggregate(g, src1d, dst1d, zrows):

    @functools.partial(
        pl.kernel,
        out_type=jax.ShapeDtypeStruct((NC * N, D), jnp.float32),
        mesh=_sc_mesh(),
        scratch_types=[
            pltpu.VMEM((CHUNK,), jnp.int32),
            pltpu.VMEM((CHUNK,), jnp.int32),
            pltpu.VMEM((CHUNK,), jnp.int32),
            pltpu.VMEM((CHUNK,), jnp.int32),
            pltpu.VMEM((CHUNK, D), jnp.float32),
            pltpu.VMEM((CHUNK, D), jnp.float32),
            pltpu.VMEM_SHARED((N_ACC, D), jnp.float32),
            pltpu.SemaphoreType.DMA,
            pltpu.SemaphoreType.DMA,
            pltpu.SemaphoreType.DMA,
            pltpu.SemaphoreType.DMA,
        ],
    )
    def run(g_hbm, src_hbm, dst_hbm, z_hbm, out_hbm,
            sidx0, didx0, sidx1, didx1, rows0, rows1, acc, is0, is1, gs0, gs1):
        c = lax.axis_index("c")
        s = lax.axis_index("s")
        base = jnp.where(c == 0, s * EPT0, NS * EPT0 + s * EPT1)
        nchunk = jnp.where(c == 0, NCHUNK0, NCHUNK1)

        def load_idx(b, sbuf, dbuf, sem):
            pltpu.async_copy(src_hbm.at[pl.ds(b, CHUNK)], sbuf, sem)
            pltpu.async_copy(dst_hbm.at[pl.ds(b, CHUNK)], dbuf, sem)

        def wait_idx(b, sbuf, dbuf, sem):
            pltpu.make_async_copy(src_hbm.at[pl.ds(b, CHUNK)], sbuf, sem).wait()
            pltpu.make_async_copy(dst_hbm.at[pl.ds(b, CHUNK)], dbuf, sem).wait()

        load_idx(base, sidx0, didx0, is0)
        wait_idx(base, sidx0, didx0, is0)
        pltpu.async_copy(g_hbm.at[sidx0], rows0, gs0)
        load_idx(base + CHUNK, sidx1, didx1, is1)

        @pl.when(s < ZT)
        def _():
            pltpu.sync_copy(z_hbm.at[pl.ds(c * N + s * ZR, ZR)],
                            acc.at[pl.ds(s * ZR, ZR)])

        plsc.subcore_barrier()

        @pl.loop(0, nchunk // 2)
        def _(j):
            b0 = base + (2 * j) * CHUNK
            b1 = b0 + CHUNK
            wait_idx(b1, sidx1, didx1, is1)
            pltpu.async_copy(g_hbm.at[sidx1], rows1, gs1)
            pltpu.make_async_copy(g_hbm.at[sidx0], rows0, gs0).wait()
            pltpu.sync_copy(rows0, acc.at[didx0], add=True)

            @pl.when(2 * j + 2 < nchunk)
            def _():
                load_idx(b0 + 2 * CHUNK, sidx0, didx0, is0)

            pltpu.make_async_copy(g_hbm.at[sidx1], rows1, gs1).wait()
            pltpu.sync_copy(rows1, acc.at[didx1], add=True)

            @pl.when(2 * j + 3 < nchunk)
            def _():
                load_idx(b1 + 2 * CHUNK, sidx1, didx1, is1)

            @pl.when(2 * j + 2 < nchunk)
            def _():
                wait_idx(b0 + 2 * CHUNK, sidx0, didx0, is0)
                pltpu.async_copy(g_hbm.at[sidx0], rows0, gs0)

        plsc.subcore_barrier()

        @pl.when(s < ZT)
        def _():
            pltpu.sync_copy(acc.at[pl.ds(s * ZR, ZR)],
                            out_hbm.at[pl.ds(c * N + s * ZR, ZR)])

    return run(g, src1d, dst1d, zrows)


R = 2000
G = N // R


def _row_spec():
    return pl.BlockSpec((R, D), lambda i: (i, 0))


def _deg_spec():
    return pl.BlockSpec((R, 2), lambda i: (i, 0))


def _w_spec():
    return pl.BlockSpec((D, D), lambda i: (0, 0))


def _b_spec():
    return pl.BlockSpec((1, D), lambda i: (0, 0))


def _dinv_of(deg_blk):
    return lax.rsqrt(deg_blk[:, 0] + deg_blk[:, 1] + 1.0)


def _tc_pre(deg2, x, w):

    def body(deg_ref, x_ref, w_ref, g_ref):
        dinv = _dinv_of(deg_ref[...])
        h = jnp.dot(x_ref[...], w_ref[...], preferred_element_type=jnp.float32)
        g_ref[...] = h * dinv[:, None]

    return pl.pallas_call(
        body,
        grid=(G,),
        in_specs=[_deg_spec(), _row_spec(), _w_spec()],
        out_specs=_row_spec(),
        out_shape=jax.ShapeDtypeStruct((N, D), jnp.float32),
    )(deg2, x, w)


def _tc_mid(deg2, parts, gprev, b, w):

    def body(deg_ref, p0_ref, p1_ref, gp_ref, b_ref, w_ref, g_ref):
        dinv = _dinv_of(deg_ref[...])
        t = (p0_ref[...] + p1_ref[...] + gp_ref[...]) * dinv[:, None] + b_ref[...]
        z = jnp.maximum(t, 0.0)
        h = jnp.dot(z, w_ref[...], preferred_element_type=jnp.float32)
        g_ref[...] = h * dinv[:, None]

    p1_spec = pl.BlockSpec((R, D), lambda i: (G + i, 0))
    return pl.pallas_call(
        body,
        grid=(G,),
        in_specs=[_deg_spec(), _row_spec(), p1_spec, _row_spec(), _b_spec(), _w_spec()],
        out_specs=_row_spec(),
        out_shape=jax.ShapeDtypeStruct((N, D), jnp.float32),
    )(deg2, parts, parts, gprev, b, w)


def _tc_post(deg2, parts, g3, b):

    def body(deg_ref, p0_ref, p1_ref, g_ref, b_ref, o_ref):
        dinv = _dinv_of(deg_ref[...])
        o_ref[...] = (p0_ref[...] + p1_ref[...] + g_ref[...]) * dinv[:, None] + b_ref[...]

    p1_spec = pl.BlockSpec((R, D), lambda i: (G + i, 0))
    return pl.pallas_call(
        body,
        grid=(G,),
        in_specs=[_deg_spec(), _row_spec(), p1_spec, _row_spec(), _b_spec()],
        out_specs=_row_spec(),
        out_shape=jax.ShapeDtypeStruct((N, D), jnp.float32),
    )(deg2, parts, parts, g3, b)


def kernel(x, edge_index, W1, b1, W2, b2, W3, b3):
    ei = edge_index.astype(jnp.int32)
    npad = E_PAD - E
    src1d = jnp.concatenate([ei[0], jnp.zeros((npad,), jnp.int32)])
    dst1d = jnp.concatenate([ei[1], jnp.full((npad,), N, jnp.int32)])
    zdeg = jnp.zeros((NC * ND_PAD,), jnp.float32)
    zrows = jnp.zeros((NC * N, D), jnp.float32)

    degp = _sc_degree(dst1d, zdeg)
    deg2 = degp.reshape(NC, ND_PAD)[:, :N].T

    b1r = b1.reshape(1, D)
    b2r = b2.reshape(1, D)
    b3r = b3.reshape(1, D)

    g1 = _tc_pre(deg2, x, W1)
    p = _sc_aggregate(g1, src1d, dst1d, zrows)
    g2 = _tc_mid(deg2, p, g1, b1r, W2)
    q = _sc_aggregate(g2, src1d, dst1d, zrows)
    g3 = _tc_mid(deg2, q, g2, b2r, W3)
    r = _sc_aggregate(g3, src1d, dst1d, zrows)
    return _tc_post(deg2, r, g3, b3r)

# --- scband reference (transcript-rebuilt; emitter-appended) ---
"""Pipeline reference for scband-pressure-gnn-76398878261538 (READ-ONLY COPY).

The authoritative reference and input builder live on the scoring server;
editing this copy changes nothing except your own understanding.
"""

import jax, jax.numpy as jnp
import numpy as np

N = 10000
E = 320000
D = 128


def gcn_conv(x, edge_index, W, b):
    n = x.shape[0]
    src = edge_index[0]
    dst = edge_index[1]
    # add self loops (GCNConv default)
    loop = jnp.arange(n, dtype=src.dtype)
    src = jnp.concatenate([src, loop])
    dst = jnp.concatenate([dst, loop])
    # symmetric normalization D^{-1/2} A_hat D^{-1/2}
    deg = jnp.zeros((n,), dtype=x.dtype).at[dst].add(1.0)
    dinv = jnp.where(deg > 0, 1.0 / jnp.sqrt(deg), 0.0)
    norm = dinv[src] * dinv[dst]
    h = x @ W
    msg = h[src] * norm[:, None]
    out = jnp.zeros((n, W.shape[1]), dtype=x.dtype).at[dst].add(msg)
    return out + b


def setup_inputs(seed: int = 0) -> dict:
    key = jax.random.key(seed)
    ks = jax.random.split(key, 5)
    x = jax.random.normal(ks[0], (N, D), dtype=jnp.float32)
    edge_index = jax.random.randint(ks[1], (2, E), 0, N, dtype=jnp.int64)
    s = 1.0 / np.sqrt(D)
    W1 = jax.random.normal(ks[2], (D, D), dtype=jnp.float32) * s
    W2 = jax.random.normal(ks[3], (D, D), dtype=jnp.float32) * s
    W3 = jax.random.normal(ks[4], (D, D), dtype=jnp.float32) * s
    b1 = jnp.zeros((D,), dtype=jnp.float32)
    b2 = jnp.zeros((D,), dtype=jnp.float32)
    b3 = jnp.zeros((D,), dtype=jnp.float32)
    return {"x": x, "edge_index": edge_index, "W1": W1, "b1": b1, "W2": W2, "b2": b2, "W3": W3, "b3": b3}


def reference(x, edge_index, W1, b1, W2, b2, W3, b3):
    # PressureGNN built via add_layer(GCNConv, ...) x3 with ReLU activations
    # (the bare constructor creates an empty stack; this is the canonical build).
    h = jax.nn.relu(gcn_conv(x, edge_index, W1, b1))
    h = jax.nn.relu(gcn_conv(h, edge_index, W2, b2))
    h = gcn_conv(h, edge_index, W3, b3)
    return h

if __name__ == "__main__":
    import jax
    _d = setup_inputs()
    print(jax.jit(kernel)(*tuple(_d.values())))

</pallas_src>

<mosaic_0001>
#map = affine_map<(d0, d1) -> (0, 0)>
#map1 = affine_map<(d0, d1) -> (0)>
module attributes {stable_mosaic.version = 14 : i64} {
  func.func @run(%arg0: i32, %arg1: i32, %arg2: memref<10000x128xf32, #tpu.memory_space<hbm>>, %arg3: memref<322560xi32, #tpu.memory_space<hbm>>, %arg4: memref<322560xi32, #tpu.memory_space<hbm>>, %arg5: memref<20000x128xf32, #tpu.memory_space<hbm>>, %arg6: memref<20000x128xf32, #tpu.memory_space<hbm>>, %arg7: memref<80xi32, #tpu.memory_space<vmem>>, %arg8: memref<80xi32, #tpu.memory_space<vmem>>, %arg9: memref<80xi32, #tpu.memory_space<vmem>>, %arg10: memref<80xi32, #tpu.memory_space<vmem>>, %arg11: memref<80x128xf32, #tpu.memory_space<vmem>>, %arg12: memref<80x128xf32, #tpu.memory_space<vmem>>, %arg13: memref<10008x128xf32, #tpu.memory_space<vmem_shared>>, %arg14: memref<!tpu.dma_semaphore, #tpu.memory_space<semaphore_mem>>, %arg15: memref<!tpu.dma_semaphore, #tpu.memory_space<semaphore_mem>>, %arg16: memref<!tpu.dma_semaphore, #tpu.memory_space<semaphore_mem>>, %arg17: memref<!tpu.dma_semaphore, #tpu.memory_space<semaphore_mem>>) attributes {dimension_semantics = [#tpu.dimension_semantics<core_parallel>, #tpu.dimension_semantics<subcore_parallel>], iteration_bounds = array<i64: 2, 16>, scalar_prefetch = 0 : i64, scratch_operands = 11 : i64, tpu.core_type = #tpu.core_type<sc_vector_subcore>, window_params = [{transform_indices = #map}, {transform_indices = #map1}, {transform_indices = #map1}, {transform_indices = #map}, {transform_indices = #map}]} {
    %eq3A = arith.constant 0 : i32
    %eq3A_0 = arith.cmpi eq, %arg0, %eq3A : i32
    %mul3A = arith.constant 13120 : i32
    %mul3A_1 = arith.muli %arg1, %mul3A : i32
    %mul3A_2 = arith.constant 7040 : i32
    %mul3A_3 = arith.muli %arg1, %mul3A_2 : i32
    %add3A = arith.constant 209920 : i32
    %add3A_4 = arith.addi %add3A, %mul3A_3 : i32
    %select_n3A = arith.select %eq3A_0, %mul3A_1, %add3A_4 : i32
    %eq3A_5 = arith.constant 0 : i32
    %eq3A_6 = arith.cmpi eq, %arg0, %eq3A_5 : i32
    %jit3A = arith.constant 164 : i32
    %jit3A_7 = arith.constant 88 : i32
    %select_n3A_8 = arith.select %eq3A_6, %jit3A, %jit3A_7 : i32
    %dma_start3A = tpu.memref_slice %arg3[%select_n3A] : memref<322560xi32, #tpu.memory_space<hbm>> -> memref<80xi32, #tpu.memory_space<hbm>>
    %dma_start3A_9 = tpu.memref_slice %arg3[%select_n3A] : memref<322560xi32, #tpu.memory_space<hbm>> -> memref<80xi32, #tpu.memory_space<hbm>>
    tpu.enqueue_dma source(%dma_start3A_9 : memref<80xi32, #tpu.memory_space<hbm>>) target(%arg7 : memref<80xi32, #tpu.memory_space<vmem>>) target_semaphore(%arg14 : memref<!tpu.dma_semaphore, #tpu.memory_space<semaphore_mem>>)
    %dma_start3A_10 = tpu.memref_slice %arg4[%select_n3A] : memref<322560xi32, #tpu.memory_space<hbm>> -> memref<80xi32, #tpu.memory_space<hbm>>
    %dma_start3A_11 = tpu.memref_slice %arg4[%select_n3A] : memref<322560xi32, #tpu.memory_space<hbm>> -> memref<80xi32, #tpu.memory_space<hbm>>
    tpu.enqueue_dma source(%dma_start3A_11 : memref<80xi32, #tpu.memory_space<hbm>>) target(%arg8 : memref<80xi32, #tpu.memory_space<vmem>>) target_semaphore(%arg14 : memref<!tpu.dma_semaphore, #tpu.memory_space<semaphore_mem>>)
    %dma_wait3A = tpu.memref_slice %arg3[%select_n3A] : memref<322560xi32, #tpu.memory_space<hbm>> -> memref<80xi32, #tpu.memory_space<hbm>>
    %dma_wait3A_12 = tpu.memref_slice %arg3[%select_n3A] : memref<322560xi32, #tpu.memory_space<hbm>> -> memref<80xi32, #tpu.memory_space<hbm>>
    tpu.wait_dma2 semaphore(%arg14 : memref<!tpu.dma_semaphore, #tpu.memory_space<semaphore_mem>>) src(%dma_wait3A_12 : memref<80xi32, #tpu.memory_space<hbm>>) dst(%arg7 : memref<80xi32, #tpu.memory_space<vmem>>)
    %dma_wait3A_13 = tpu.memref_slice %arg4[%select_n3A] : memref<322560xi32, #tpu.memory_space<hbm>> -> memref<80xi32, #tpu.memory_space<hbm>>
    %dma_wait3A_14 = tpu.memref_slice %arg4[%select_n3A] : memref<322560xi32, #tpu.memory_space<hbm>> -> memref<80xi32, #tpu.memory_space<hbm>>
    tpu.wait_dma2 semaphore(%arg14 : memref<!tpu.dma_semaphore, #tpu.memory_space<semaphore_mem>>) src(%dma_wait3A_14 : memref<80xi32, #tpu.memory_space<hbm>>) dst(%arg8 : memref<80xi32, #tpu.memory_space<vmem>>)
    %dma_start3A_15 = arith.constant 0 : i32
    %dma_start3A_16 = arith.constant 0 : i32
    %dma_start3A_17 = tpu.memref_slice %arg2[%dma_start3A_15, %dma_start3A_16] : memref<10000x128xf32, #tpu.memory_space<hbm>> -> memref<10000x128xf32, #tpu.memory_space<hbm>>
    tpu.enqueue_indirect_dma source(%dma_start3A_17 : memref<10000x128xf32, #tpu.memory_space<hbm>>) target(%arg11 : memref<80x128xf32, #tpu.memory_space<vmem>>) offsets(%arg7 : memref<80xi32, #tpu.memory_space<vmem>>) semaphore(%arg16 : memref<!tpu.dma_semaphore, #tpu.memory_space<semaphore_mem>>)
    %add3A_18 = arith.constant 80 : i32
    %add3A_19 = arith.addi %select_n3A, %add3A_18 : i32
    %dma_start3A_20 = tpu.memref_slice %arg3[%add3A_19] : memref<322560xi32, #tpu.memory_space<hbm>> -> memref<80xi32, #tpu.memory_space<hbm>>
    %dma_start3A_21 = tpu.memref_slice %arg3[%add3A_19] : memref<322560xi32, #tpu.memory_space<hbm>> -> memref<80xi32, #tpu.memory_space<hbm>>
    tpu.enqueue_dma source(%dma_start3A_21 : memref<80xi32, #tpu.memory_space<hbm>>) target(%arg9 : memref<80xi32, #tpu.memory_space<vmem>>) target_semaphore(%arg15 : memref<!tpu.dma_semaphore, #tpu.memory_space<semaphore_mem>>)
    %dma_start3A_22 = tpu.memref_slice %arg4[%add3A_19] : memref<322560xi32, #tpu.memory_space<hbm>> -> memref<80xi32, #tpu.memory_space<hbm>>
    %dma_start3A_23 = tpu.memref_slice %arg4[%add3A_19] : memref<322560xi32, #tpu.memory_space<hbm>> -> memref<80xi32, #tpu.memory_space<hbm>>
    tpu.enqueue_dma source(%dma_start3A_23 : memref<80xi32, #tpu.memory_space<hbm>>) target(%arg10 : memref<80xi32, #tpu.memory_space<vmem>>) target_semaphore(%arg15 : memref<!tpu.dma_semaphore, #tpu.memory_space<semaphore_mem>>)
    %lt3A = arith.constant 10 : i32
    %lt3A_24 = arith.cmpi slt, %arg1, %lt3A : i32
    %convert_element_type3A = arith.extui %lt3A_24 : i1 to i32
    %cond3A = arith.constant 0 : i32
    %cond3A_25 = arith.cmpi ne, %convert_element_type3A, %cond3A : i32
    scf.if %cond3A_25 {
      %mul3A_68 = arith.constant 10000 : i32
      %mul3A_69 = arith.muli %arg0, %mul3A_68 : i32
      %mul3A_70 = arith.constant 1000 : i32
      %mul3A_71 = arith.muli %arg1, %mul3A_70 : i32
      %add3A_72 = arith.addi %mul3A_69, %mul3A_71 : i32
      %mul3A_73 = arith.constant 1000 : i32
      %mul3A_74 = arith.muli %arg1, %mul3A_73 : i32
      "tpu.region"() ({
        %run_scoped3A = tpu.sem_alloc : memref<!tpu.dma_semaphore, #tpu.memory_space<semaphore_mem>>
        %dma_start3A_75 = arith.constant 0 : i32
        %dma_start3A_76 = tpu.memref_slice %arg13[%mul3A_74, %dma_start3A_75] : memref<10008x128xf32, #tpu.memory_space<vmem_shared>> -> memref<1000x128xf32, #tpu.memory_space<vmem_shared>>
        %dma_start3A_77 = arith.constant 0 : i32
        %dma_start3A_78 = tpu.memref_slice %arg5[%add3A_72, %dma_start3A_77] : memref<20000x128xf32, #tpu.memory_space<hbm>> -> memref<1000x128xf32, #tpu.memory_space<hbm>>
        tpu.enqueue_dma source(%dma_start3A_78 : memref<1000x128xf32, #tpu.memory_space<hbm>>) target(%dma_start3A_76 : memref<1000x128xf32, #tpu.memory_space<vmem_shared>>) target_semaphore(%run_scoped3A : memref<!tpu.dma_semaphore, #tpu.memory_space<semaphore_mem>>)
        %dma_wait3A_79 = arith.constant 0 : i32
        %dma_wait3A_80 = tpu.memref_slice %arg13[%mul3A_74, %dma_wait3A_79] : memref<10008x128xf32, #tpu.memory_space<vmem_shared>> -> memref<1000x128xf32, #tpu.memory_space<vmem_shared>>
        %dma_wait3A_81 = arith.constant 0 : i32
        %dma_wait3A_82 = tpu.memref_slice %arg5[%add3A_72, %dma_wait3A_81] : memref<20000x128xf32, #tpu.memory_space<hbm>> -> memref<1000x128xf32, #tpu.memory_space<hbm>>
        tpu.wait_dma2 semaphore(%run_scoped3A : memref<!tpu.dma_semaphore, #tpu.memory_space<semaphore_mem>>) src(%dma_wait3A_82 : memref<1000x128xf32, #tpu.memory_space<hbm>>) dst(%dma_wait3A_80 : memref<1000x128xf32, #tpu.memory_space<vmem_shared>>)
        tpu.yield
      }) : () -> ()
    } else {
    }
    %barrier3A = arith.constant 0 : index
    tpu.barrier barrier_id(%barrier3A)
    %jit3A_26 = arith.constant 2 : i32
    %div3A = arith.divsi %select_n3A_8, %jit3A_26 : i32
    %sign3A = arith.constant 0 : i32
    %sign3A_27 = arith.cmpi sgt, %select_n3A_8, %sign3A : i32
    %sign3A_28 = arith.extui %sign3A_27 : i1 to i32
    %sign3A_29 = arith.constant 0 : i32
    %sign3A_30 = arith.cmpi slt, %select_n3A_8, %sign3A_29 : i32
    %sign3A_31 = arith.extui %sign3A_30 : i1 to i32
    %sign3A_32 = arith.subi %sign3A_28, %sign3A_31 : i32
    %sign3A_33 = arith.constant 0 : i32
    %sign3A_34 = arith.cmpi sgt, %jit3A_26, %sign3A_33 : i32
    %sign3A_35 = arith.extui %sign3A_34 : i1 to i32
    %sign3A_36 = arith.constant 0 : i32
    %sign3A_37 = arith.cmpi slt, %jit3A_26, %sign3A_36 : i32
    %sign3A_38 = arith.extui %sign3A_37 : i1 to i32
    %sign3A_39 = arith.subi %sign3A_35, %sign3A_38 : i32
    %ne3A = arith.cmpi ne, %sign3A_32, %sign3A_39 : i32
    %rem3A = arith.remsi %select_n3A_8, %jit3A_26 : i32
    %ne3A_40 = arith.constant 0 : i32
    %ne3A_41 = arith.cmpi ne, %rem3A, %ne3A_40 : i32
    %and3A = arith.andi %ne3A, %ne3A_41 : i1
    %sub3A = arith.constant 1 : i32
    %sub3A_42 = arith.subi %div3A, %sub3A : i32
    %select_n3A_43 = arith.select %and3A, %sub3A_42, %div3A : i32
    %sub3A_44 = arith.constant 0 : i32
    %sub3A_45 = arith.subi %select_n3A_43, %sub3A_44 : i32
    %sub3A_46 = arith.constant 1 : i32
    %sub3A_47 = arith.constant 1 : i32
    %sub3A_48 = arith.subi %sub3A_46, %sub3A_47 : i32
    %add3A_49 = arith.addi %sub3A_45, %sub3A_48 : i32
    %div3A_50 = arith.constant 1 : i32
    %div3A_51 = arith.divsi %add3A_49, %div3A_50 : i32
    %while3A = arith.constant 1 : i32
    %while3A_52 = arith.constant 0 : i32
    %while3A_53 = arith.constant 0 : i32
    %while3A_54 = arith.subi %div3A_51, %while3A_53 : i32
    %while3A_55 = arith.addi %while3A_53, %while3A_54 : i32
    %while3A_56 = arith.constant 1 : i32
    %while3A_57 = arith.divsi %while3A_54, %while3A_56 : i32
    %while3A_58 = arith.muli %while3A_57, %while3A_56 : i32
    %while3A_59 = arith.addi %while3A_53, %while3A_58 : i32
    %while3A_60 = arith.constant 1 : i32
    scf.for %while3A_68 = %while3A_53 to %while3A_59 step %while3A_60  : i32 {
      %mul3A_69 = arith.muli %while3A_68, %while3A : i32
      %add3A_70 = arith.addi %while3A_52, %mul3A_69 : i32
      %mul3A_71 = arith.constant 2 : i32
      %mul3A_72 = arith.muli %mul3A_71, %add3A_70 : i32
      %mul3A_73 = arith.constant 80 : i32
      %mul3A_74 = arith.muli %mul3A_72, %mul3A_73 : i32
      %add3A_75 = arith.addi %select_n3A, %mul3A_74 : i32
      %add3A_76 = arith.constant 80 : i32
      %add3A_77 = arith.addi %add3A_75, %add3A_76 : i32
      %dma_wait3A_78 = tpu.memref_slice %arg3[%add3A_77] : memref<322560xi32, #tpu.memory_space<hbm>> -> memref<80xi32, #tpu.memory_space<hbm>>
      %dma_wait3A_79 = tpu.memref_slice %arg3[%add3A_77] : memref<322560xi32, #tpu.memory_space<hbm>> -> memref<80xi32, #tpu.memory_space<hbm>>
      tpu.wait_dma2 semaphore(%arg15 : memref<!tpu.dma_semaphore, #tpu.memory_space<semaphore_mem>>) src(%dma_wait3A_79 : memref<80xi32, #tpu.memory_space<hbm>>) dst(%arg9 : memref<80xi32, #tpu.memory_space<vmem>>)
      %dma_wait3A_80 = tpu.memref_slice %arg4[%add3A_77] : memref<322560xi32, #tpu.memory_space<hbm>> -> memref<80xi32, #tpu.memory_space<hbm>>
      %dma_wait3A_81 = tpu.memref_slice %arg4[%add3A_77] : memref<322560xi32, #tpu.memory_space<hbm>> -> memref<80xi32, #tpu.memory_space<hbm>>
      tpu.wait_dma2 semaphore(%arg15 : memref<!tpu.dma_semaphore, #tpu.memory_space<semaphore_mem>>) src(%dma_wait3A_81 : memref<80xi32, #tpu.memory_space<hbm>>) dst(%arg10 : memref<80xi32, #tpu.memory_space<vmem>>)
      %dma_start3A_82 = arith.constant 0 : i32
      %dma_start3A_83 = arith.constant 0 : i32
      %dma_start3A_84 = tpu.memref_slice %arg2[%dma_start3A_82, %dma_start3A_83] : memref<10000x128xf32, #tpu.memory_space<hbm>> -> memref<10000x128xf32, #tpu.memory_space<hbm>>
      tpu.enqueue_indirect_dma source(%dma_start3A_84 : memref<10000x128xf32, #tpu.memory_space<hbm>>) target(%arg12 : memref<80x128xf32, #tpu.memory_space<vmem>>) offsets(%arg9 : memref<80xi32, #tpu.memory_space<vmem>>) semaphore(%arg17 : memref<!tpu.dma_semaphore, #tpu.memory_space<semaphore_mem>>)
      %dma_wait3A_85 = arith.constant 0 : i32
      %dma_wait3A_86 = arith.constant 0 : i32
      %dma_wait3A_87 = tpu.memref_slice %arg2[%dma_wait3A_85, %dma_wait3A_86] : memref<10000x128xf32, #tpu.memory_space<hbm>> -> memref<10000x128xf32, #tpu.memory_space<hbm>>
      tpu.wait_indirect_dma semaphore(%arg16 : memref<!tpu.dma_semaphore, #tpu.memory_space<semaphore_mem>>) src(%dma_wait3A_87 : memref<10000x128xf32, #tpu.memory_space<hbm>>) dst(%arg11 : memref<80x128xf32, #tpu.memory_space<vmem>>)
      "tpu.region"() ({
        %run_scoped3A = tpu.sem_alloc : memref<!tpu.dma_semaphore, #tpu.memory_space<semaphore_mem>>
        %dma_start3A_115 = arith.constant 0 : i32
        %dma_start3A_116 = arith.constant 0 : i32
        %dma_start3A_117 = tpu.memref_slice %arg13[%dma_start3A_115, %dma_start3A_116] : memref<10008x128xf32, #tpu.memory_space<vmem_shared>> -> memref<10008x128xf32, #tpu.memory_space<vmem_shared>>
        tpu.enqueue_indirect_dma source(%arg11 : memref<80x128xf32, #tpu.memory_space<vmem>>) target(%dma_start3A_117 : memref<10008x128xf32, #tpu.memory_space<vmem_shared>>) offsets(%arg8 : memref<80xi32, #tpu.memory_space<vmem>>) semaphore(%run_scoped3A : memref<!tpu.dma_semaphore, #tpu.memory_space<semaphore_mem>>) {add = true}
        %dma_wait3A_118 = arith.constant 0 : i32
        %dma_wait3A_119 = arith.constant 0 : i32
        %dma_wait3A_120 = tpu.memref_slice %arg13[%dma_wait3A_118, %dma_wait3A_119] : memref<10008x128xf32, #tpu.memory_space<vmem_shared>> -> memref<10008x128xf32, #tpu.memory_space<vmem_shared>>
        tpu.wait_indirect_dma semaphore(%run_scoped3A : memref<!tpu.dma_semaphore, #tpu.memory_space<semaphore_mem>>) src(%arg11 : memref<80x128xf32, #tpu.memory_space<vmem>>) dst(%dma_wait3A_120 : memref<10008x128xf32, #tpu.memory_space<vmem_shared>>)
        tpu.yield
      }) : () -> ()
      %mul3A_88 = arith.constant 2 : i32
      %mul3A_89 = arith.muli %mul3A_88, %add3A_70 : i32
      %add3A_90 = arith.constant 2 : i32
      %add3A_91 = arith.addi %mul3A_89, %add3A_90 : i32
      %lt3A_92 = arith.cmpi slt, %add3A_91, %select_n3A_8 : i32
      %convert_element_type3A_93 = arith.extui %lt3A_92 : i1 to i32
      %cond3A_94 = arith.constant 0 : i32
      %cond3A_95 = arith.cmpi ne, %convert_element_type3A_93, %cond3A_94 : i32
      scf.if %cond3A_95 {
        %add3A_115 = arith.constant 160 : i32
        %add3A_116 = arith.addi %add3A_75, %add3A_115 : i32
        %dma_start3A_117 = tpu.memref_slice %arg3[%add3A_116] : memref<322560xi32, #tpu.memory_space<hbm>> -> memref<80xi32, #tpu.memory_space<hbm>>
        %dma_start3A_118 = tpu.memref_slice %arg3[%add3A_116] : memref<322560xi32, #tpu.memory_space<hbm>> -> memref<80xi32, #tpu.memory_space<hbm>>
        tpu.enqueue_dma source(%dma_start3A_118 : memref<80xi32, #tpu.memory_space<hbm>>) target(%arg7 : memref<80xi32, #tpu.memory_space<vmem>>) target_semaphore(%arg14 : memref<!tpu.dma_semaphore, #tpu.memory_space<semaphore_mem>>)
        %dma_start3A_119 = tpu.memref_slice %arg4[%add3A_116] : memref<322560xi32, #tpu.memory_space<hbm>> -> memref<80xi32, #tpu.memory_space<hbm>>
        %dma_start3A_120 = tpu.memref_slice %arg4[%add3A_116] : memref<322560xi32, #tpu.memory_space<hbm>> -> memref<80xi32, #tpu.memory_space<hbm>>
        tpu.enqueue_dma source(%dma_start3A_120 : memref<80xi32, #tpu.memory_space<hbm>>) target(%arg8 : memref<80xi32, #tpu.memory_space<vmem>>) target_semaphore(%arg14 : memref<!tpu.dma_semaphore, #tpu.memory_space<semaphore_mem>>)
      } else {
      }
      %dma_wait3A_96 = arith.constant 0 : i32
      %dma_wait3A_97 = arith.constant 0 : i32
      %dma_wait3A_98 = tpu.memref_slice %arg2[%dma_wait3A_96, %dma_wait3A_97] : memref<10000x128xf32, #tpu.memory_space<hbm>> -> memref<10000x128xf32, #tpu.memory_space<hbm>>
      tpu.wait_indirect_dma semaphore(%arg17 : memref<!tpu.dma_semaphore, #tpu.memory_space<semaphore_mem>>) src(%dma_wait3A_98 : memref<10000x128xf32, #tpu.memory_space<hbm>>) dst(%arg12 : memref<80x128xf32, #tpu.memory_space<vmem>>)
      "tpu.region"() ({
        %run_scoped3A = tpu.sem_alloc : memref<!tpu.dma_semaphore, #tpu.memory_space<semaphore_mem>>
        %dma_start3A_115 = arith.constant 0 : i32
        %dma_start3A_116 = arith.constant 0 : i32
        %dma_start3A_117 = tpu.memref_slice %arg13[%dma_start3A_115, %dma_start3A_116] : memref<10008x128xf32, #tpu.memory_space<vmem_shared>> -> memref<10008x128xf32, #tpu.memory_space<vmem_shared>>
        tpu.enqueue_indirect_dma source(%arg12 : memref<80x128xf32, #tpu.memory_space<vmem>>) target(%dma_start3A_117 : memref<10008x128xf32, #tpu.memory_space<vmem_shared>>) offsets(%arg10 : memref<80xi32, #tpu.memory_space<vmem>>) semaphore(%run_scoped3A : memref<!tpu.dma_semaphore, #tpu.memory_space<semaphore_mem>>) {add = true}
        %dma_wait3A_118 = arith.constant 0 : i32
        %dma_wait3A_119 = arith.constant 0 : i32
        %dma_wait3A_120 = tpu.memref_slice %arg13[%dma_wait3A_118, %dma_wait3A_119] : memref<10008x128xf32, #tpu.memory_space<vmem_shared>> -> memref<10008x128xf32, #tpu.memory_space<vmem_shared>>
        tpu.wait_indirect_dma semaphore(%run_scoped3A : memref<!tpu.dma_semaphore, #tpu.memory_space<semaphore_mem>>) src(%arg12 : memref<80x128xf32, #tpu.memory_space<vmem>>) dst(%dma_wait3A_120 : memref<10008x128xf32, #tpu.memory_space<vmem_shared>>)
        tpu.yield
      }) : () -> ()
      %mul3A_99 = arith.constant 2 : i32
      %mul3A_100 = arith.muli %mul3A_99, %add3A_70 : i32
      %add3A_101 = arith.constant 3 : i32
      %add3A_102 = arith.addi %mul3A_100, %add3A_101 : i32
      %lt3A_103 = arith.cmpi slt, %add3A_102, %select_n3A_8 : i32
      %convert_element_type3A_104 = arith.extui %lt3A_103 : i1 to i32
      %cond3A_105 = arith.constant 0 : i32
      %cond3A_106 = arith.cmpi ne, %convert_element_type3A_104, %cond3A_105 : i32
      scf.if %cond3A_106 {
        %add3A_115 = arith.constant 160 : i32
        %add3A_116 = arith.addi %add3A_77, %add3A_115 : i32
        %dma_start3A_117 = tpu.memref_slice %arg3[%add3A_116] : memref<322560xi32, #tpu.memory_space<hbm>> -> memref<80xi32, #tpu.memory_space<hbm>>
        %dma_start3A_118 = tpu.memref_slice %arg3[%add3A_116] : memref<322560xi32, #tpu.memory_space<hbm>> -> memref<80xi32, #tpu.memory_space<hbm>>
        tpu.enqueue_dma source(%dma_start3A_118 : memref<80xi32, #tpu.memory_space<hbm>>) target(%arg9 : memref<80xi32, #tpu.memory_space<vmem>>) target_semaphore(%arg15 : memref<!tpu.dma_semaphore, #tpu.memory_space<semaphore_mem>>)
        %dma_start3A_119 = tpu.memref_slice %arg4[%add3A_116] : memref<322560xi32, #tpu.memory_space<hbm>> -> memref<80xi32, #tpu.memory_space<hbm>>
        %dma_start3A_120 = tpu.memref_slice %arg4[%add3A_116] : memref<322560xi32, #tpu.memory_space<hbm>> -> memref<80xi32, #tpu.memory_space<hbm>>
        tpu.enqueue_dma source(%dma_start3A_120 : memref<80xi32, #tpu.memory_space<hbm>>) target(%arg10 : memref<80xi32, #tpu.memory_space<vmem>>) target_semaphore(%arg15 : memref<!tpu.dma_semaphore, #tpu.memory_space<semaphore_mem>>)
      } else {
      }
      %mul3A_107 = arith.constant 2 : i32
      %mul3A_108 = arith.muli %mul3A_107, %add3A_70 : i32
      %add3A_109 = arith.constant 2 : i32
      %add3A_110 = arith.addi %mul3A_108, %add3A_109 : i32
      %lt3A_111 = arith.cmpi slt, %add3A_110, %select_n3A_8 : i32
      %convert_element_type3A_112 = arith.extui %lt3A_111 : i1 to i32
      %cond3A_113 = arith.constant 0 : i32
      %cond3A_114 = arith.cmpi ne, %convert_element_type3A_112, %cond3A_113 : i32
      scf.if %cond3A_114 {
        %add3A_115 = arith.constant 160 : i32
        %add3A_116 = arith.addi %add3A_75, %add3A_115 : i32
        %dma_wait3A_117 = tpu.memref_slice %arg3[%add3A_116] : memref<322560xi32, #tpu.memory_space<hbm>> -> memref<80xi32, #tpu.memory_space<hbm>>
        %dma_wait3A_118 = tpu.memref_slice %arg3[%add3A_116] : memref<322560xi32, #tpu.memory_space<hbm>> -> memref<80xi32, #tpu.memory_space<hbm>>
        tpu.wait_dma2 semaphore(%arg14 : memref<!tpu.dma_semaphore, #tpu.memory_space<semaphore_mem>>) src(%dma_wait3A_118 : memref<80xi32, #tpu.memory_space<hbm>>) dst(%arg7 : memref<80xi32, #tpu.memory_space<vmem>>)
        %dma_wait3A_119 = tpu.memref_slice %arg4[%add3A_116] : memref<322560xi32, #tpu.memory_space<hbm>> -> memref<80xi32, #tpu.memory_space<hbm>>
        %dma_wait3A_120 = tpu.memref_slice %arg4[%add3A_116] : memref<322560xi32, #tpu.memory_space<hbm>> -> memref<80xi32, #tpu.memory_space<hbm>>
        tpu.wait_dma2 semaphore(%arg14 : memref<!tpu.dma_semaphore, #tpu.memory_space<semaphore_mem>>) src(%dma_wait3A_120 : memref<80xi32, #tpu.memory_space<hbm>>) dst(%arg8 : memref<80xi32, #tpu.memory_space<vmem>>)
        %dma_start3A_121 = arith.constant 0 : i32
        %dma_start3A_122 = arith.constant 0 : i32
        %dma_start3A_123 = tpu.memref_slice %arg2[%dma_start3A_121, %dma_start3A_122] : memref<10000x128xf32, #tpu.memory_space<hbm>> -> memref<10000x128xf32, #tpu.memory_space<hbm>>
        tpu.enqueue_indirect_dma source(%dma_start3A_123 : memref<10000x128xf32, #tpu.memory_space<hbm>>) target(%arg11 : memref<80x128xf32, #tpu.memory_space<vmem>>) offsets(%arg7 : memref<80xi32, #tpu.memory_space<vmem>>) semaphore(%arg16 : memref<!tpu.dma_semaphore, #tpu.memory_space<semaphore_mem>>)
      } else {
      }
    }
    %while3A_61 = arith.constant 1 : i32
    scf.for %while3A_68 = %while3A_59 to %while3A_55 step %while3A_61  : i32 {
      %mul3A_69 = arith.muli %while3A_68, %while3A : i32
      %add3A_70 = arith.addi %while3A_52, %mul3A_69 : i32
      %mul3A_71 = arith.constant 2 : i32
      %mul3A_72 = arith.muli %mul3A_71, %add3A_70 : i32
      %mul3A_73 = arith.constant 80 : i32
      %mul3A_74 = arith.muli %mul3A_72, %mul3A_73 : i32
      %add3A_75 = arith.addi %select_n3A, %mul3A_74 : i32
      %add3A_76 = arith.constant 80 : i32
      %add3A_77 = arith.addi %add3A_75, %add3A_76 : i32
      %dma_wait3A_78 = tpu.memref_slice %arg3[%add3A_77] : memref<322560xi32, #tpu.memory_space<hbm>> -> memref<80xi32, #tpu.memory_space<hbm>>
      %dma_wait3A_79 = tpu.memref_slice %arg3[%add3A_77] : memref<322560xi32, #tpu.memory_space<hbm>> -> memref<80xi32, #tpu.memory_space<hbm>>
      tpu.wait_dma2 semaphore(%arg15 : memref<!tpu.dma_semaphore, #tpu.memory_space<semaphore_mem>>) src(%dma_wait3A_79 : memref<80xi32, #tpu.memory_space<hbm>>) dst(%arg9 : memref<80xi32, #tpu.memory_space<vmem>>)
      %dma_wait3A_80 = tpu.memref_slice %arg4[%add3A_77] : memref<322560xi32, #tpu.memory_space<hbm>> -> memref<80xi32, #tpu.memory_space<hbm>>
      %dma_wait3A_81 = tpu.memref_slice %arg4[%add3A_77] : memref<322560xi32, #tpu.memory_space<hbm>> -> memref<80xi32, #tpu.memory_space<hbm>>
      tpu.wait_dma2 semaphore(%arg15 : memref<!tpu.dma_semaphore, #tpu.memory_space<semaphore_mem>>) src(%dma_wait3A_81 : memref<80xi32, #tpu.memory_space<hbm>>) dst(%arg10 : memref<80xi32, #tpu.memory_space<vmem>>)
      %dma_start3A_82 = arith.constant 0 : i32
      %dma_start3A_83 = arith.constant 0 : i32
      %dma_start3A_84 = tpu.memref_slice %arg2[%dma_start3A_82, %dma_start3A_83] : memref<10000x128xf32, #tpu.memory_space<hbm>> -> memref<10000x128xf32, #tpu.memory_space<hbm>>
      tpu.enqueue_indirect_dma source(%dma_start3A_84 : memref<10000x128xf32, #tpu.memory_space<hbm>>) target(%arg12 : memref<80x128xf32, #tpu.memory_space<vmem>>) offsets(%arg9 : memref<80xi32, #tpu.memory_space<vmem>>) semaphore(%arg17 : memref<!tpu.dma_semaphore, #tpu.memory_space<semaphore_mem>>)
      %dma_wait3A_85 = arith.constant 0 : i32
      %dma_wait3A_86 = arith.constant 0 : i32
      %dma_wait3A_87 = tpu.memref_slice %arg2[%dma_wait3A_85, %dma_wait3A_86] : memref<10000x128xf32, #tpu.memory_space<hbm>> -> memref<10000x128xf32, #tpu.memory_space<hbm>>
      tpu.wait_indirect_dma semaphore(%arg16 : memref<!tpu.dma_semaphore, #tpu.memory_space<semaphore_mem>>) src(%dma_wait3A_87 : memref<10000x128xf32, #tpu.memory_space<hbm>>) dst(%arg11 : memref<80x128xf32, #tpu.memory_space<vmem>>)
      "tpu.region"() ({
        %run_scoped3A = tpu.sem_alloc : memref<!tpu.dma_semaphore, #tpu.memory_space<semaphore_mem>>
        %dma_start3A_115 = arith.constant 0 : i32
        %dma_start3A_116 = arith.constant 0 : i32
        %dma_start3A_117 = tpu.memref_slice %arg13[%dma_start3A_115, %dma_start3A_116] : memref<10008x128xf32, #tpu.memory_space<vmem_shared>> -> memref<10008x128xf32, #tpu.memory_space<vmem_shared>>
        tpu.enqueue_indirect_dma source(%arg11 : memref<80x128xf32, #tpu.memory_space<vmem>>) target(%dma_start3A_117 : memref<10008x128xf32, #tpu.memory_space<vmem_shared>>) offsets(%arg8 : memref<80xi32, #tpu.memory_space<vmem>>) semaphore(%run_scoped3A : memref<!tpu.dma_semaphore, #tpu.memory_space<semaphore_mem>>) {add = true}
        %dma_wait3A_118 = arith.constant 0 : i32
        %dma_wait3A_119 = arith.constant 0 : i32
        %dma_wait3A_120 = tpu.memref_slice %arg13[%dma_wait3A_118, %dma_wait3A_119] : memref<10008x128xf32, #tpu.memory_space<vmem_shared>> -> memref<10008x128xf32, #tpu.memory_space<vmem_shared>>
        tpu.wait_indirect_dma semaphore(%run_scoped3A : memref<!tpu.dma_semaphore, #tpu.memory_space<semaphore_mem>>) src(%arg11 : memref<80x128xf32, #tpu.memory_space<vmem>>) dst(%dma_wait3A_120 : memref<10008x128xf32, #tpu.memory_space<vmem_shared>>)
        tpu.yield
      }) : () -> ()
      %mul3A_88 = arith.constant 2 : i32
      %mul3A_89 = arith.muli %mul3A_88, %add3A_70 : i32
      %add3A_90 = arith.constant 2 : i32
      %add3A_91 = arith.addi %mul3A_89, %add3A_90 : i32
      %lt3A_92 = arith.cmpi slt, %add3A_91, %select_n3A_8 : i32
      %convert_element_type3A_93 = arith.extui %lt3A_92 : i1 to i32
      %cond3A_94 = arith.constant 0 : i32
      %cond3A_95 = arith.cmpi ne, %convert_element_type3A_93, %cond3A_94 : i32
      scf.if %cond3A_95 {
        %add3A_115 = arith.constant 160 : i32
        %add3A_116 = arith.addi %add3A_75, %add3A_115 : i32
        %dma_start3A_117 = tpu.memref_slice %arg3[%add3A_116] : memref<322560xi32, #tpu.memory_space<hbm>> -> memref<80xi32, #tpu.memory_space<hbm>>
        %dma_start3A_118 = tpu.memref_slice %arg3[%add3A_116] : memref<322560xi32, #tpu.memory_space<hbm>> -> memref<80xi32, #tpu.memory_space<hbm>>
        tpu.enqueue_dma source(%dma_start3A_118 : memref<80xi32, #tpu.memory_space<hbm>>) target(%arg7 : memref<80xi32, #tpu.memory_space<vmem>>) target_semaphore(%arg14 : memref<!tpu.dma_semaphore, #tpu.memory_space<semaphore_mem>>)
        %dma_start3A_119 = tpu.memref_slice %arg4[%add3A_116] : memref<322560xi32, #tpu.memory_space<hbm>> -> memref<80xi32, #tpu.memory_space<hbm>>
        %dma_start3A_120 = tpu.memref_slice %arg4[%add3A_116] : memref<322560xi32, #tpu.memory_space<hbm>> -> memref<80xi32, #tpu.memory_space<hbm>>
        tpu.enqueue_dma source(%dma_start3A_120 : memref<80xi32, #tpu.memory_space<hbm>>) target(%arg8 : memref<80xi32, #tpu.memory_space<vmem>>) target_semaphore(%arg14 : memref<!tpu.dma_semaphore, #tpu.memory_space<semaphore_mem>>)
      } else {
      }
      %dma_wait3A_96 = arith.constant 0 : i32
      %dma_wait3A_97 = arith.constant 0 : i32
      %dma_wait3A_98 = tpu.memref_slice %arg2[%dma_wait3A_96, %dma_wait3A_97] : memref<10000x128xf32, #tpu.memory_space<hbm>> -> memref<10000x128xf32, #tpu.memory_space<hbm>>
      tpu.wait_indirect_dma semaphore(%arg17 : memref<!tpu.dma_semaphore, #tpu.memory_space<semaphore_mem>>) src(%dma_wait3A_98 : memref<10000x128xf32, #tpu.memory_space<hbm>>) dst(%arg12 : memref<80x128xf32, #tpu.memory_space<vmem>>)
      "tpu.region"() ({
        %run_scoped3A = tpu.sem_alloc : memref<!tpu.dma_semaphore, #tpu.memory_space<semaphore_mem>>
        %dma_start3A_115 = arith.constant 0 : i32
        %dma_start3A_116 = arith.constant 0 : i32
        %dma_start3A_117 = tpu.memref_slice %arg13[%dma_start3A_115, %dma_start3A_116] : memref<10008x128xf32, #tpu.memory_space<vmem_shared>> -> memref<10008x128xf32, #tpu.memory_space<vmem_shared>>
        tpu.enqueue_indirect_dma source(%arg12 : memref<80x128xf32, #tpu.memory_space<vmem>>) target(%dma_start3A_117 : memref<10008x128xf32, #tpu.memory_space<vmem_shared>>) offsets(%arg10 : memref<80xi32, #tpu.memory_space<vmem>>) semaphore(%run_scoped3A : memref<!tpu.dma_semaphore, #tpu.memory_space<semaphore_mem>>) {add = true}
        %dma_wait3A_118 = arith.constant 0 : i32
        %dma_wait3A_119 = arith.constant 0 : i32
        %dma_wait3A_120 = tpu.memref_slice %arg13[%dma_wait3A_118, %dma_wait3A_119] : memref<10008x128xf32, #tpu.memory_space<vmem_shared>> -> memref<10008x128xf32, #tpu.memory_space<vmem_shared>>
        tpu.wait_indirect_dma semaphore(%run_scoped3A : memref<!tpu.dma_semaphore, #tpu.memory_space<semaphore_mem>>) src(%arg12 : memref<80x128xf32, #tpu.memory_space<vmem>>) dst(%dma_wait3A_120 : memref<10008x128xf32, #tpu.memory_space<vmem_shared>>)
        tpu.yield
      }) : () -> ()
      %mul3A_99 = arith.constant 2 : i32
      %mul3A_100 = arith.muli %mul3A_99, %add3A_70 : i32
      %add3A_101 = arith.constant 3 : i32
      %add3A_102 = arith.addi %mul3A_100, %add3A_101 : i32
      %lt3A_103 = arith.cmpi slt, %add3A_102, %select_n3A_8 : i32
      %convert_element_type3A_104 = arith.extui %lt3A_103 : i1 to i32
      %cond3A_105 = arith.constant 0 : i32
      %cond3A_106 = arith.cmpi ne, %convert_element_type3A_104, %cond3A_105 : i32
      scf.if %cond3A_106 {
        %add3A_115 = arith.constant 160 : i32
        %add3A_116 = arith.addi %add3A_77, %add3A_115 : i32
        %dma_start3A_117 = tpu.memref_slice %arg3[%add3A_116] : memref<322560xi32, #tpu.memory_space<hbm>> -> memref<80xi32, #tpu.memory_space<hbm>>
        %dma_start3A_118 = tpu.memref_slice %arg3[%add3A_116] : memref<322560xi32, #tpu.memory_space<hbm>> -> memref<80xi32, #tpu.memory_space<hbm>>
        tpu.enqueue_dma source(%dma_start3A_118 : memref<80xi32, #tpu.memory_space<hbm>>) target(%arg9 : memref<80xi32, #tpu.memory_space<vmem>>) target_semaphore(%arg15 : memref<!tpu.dma_semaphore, #tpu.memory_space<semaphore_mem>>)
        %dma_start3A_119 = tpu.memref_slice %arg4[%add3A_116] : memref<322560xi32, #tpu.memory_space<hbm>> -> memref<80xi32, #tpu.memory_space<hbm>>
        %dma_start3A_120 = tpu.memref_slice %arg4[%add3A_116] : memref<322560xi32, #tpu.memory_space<hbm>> -> memref<80xi32, #tpu.memory_space<hbm>>
        tpu.enqueue_dma source(%dma_start3A_120 : memref<80xi32, #tpu.memory_space<hbm>>) target(%arg10 : memref<80xi32, #tpu.memory_space<vmem>>) target_semaphore(%arg15 : memref<!tpu.dma_semaphore, #tpu.memory_space<semaphore_mem>>)
      } else {
      }
      %mul3A_107 = arith.constant 2 : i32
      %mul3A_108 = arith.muli %mul3A_107, %add3A_70 : i32
      %add3A_109 = arith.constant 2 : i32
      %add3A_110 = arith.addi %mul3A_108, %add3A_109 : i32
      %lt3A_111 = arith.cmpi slt, %add3A_110, %select_n3A_8 : i32
      %convert_element_type3A_112 = arith.extui %lt3A_111 : i1 to i32
      %cond3A_113 = arith.constant 0 : i32
      %cond3A_114 = arith.cmpi ne, %convert_element_type3A_112, %cond3A_113 : i32
      scf.if %cond3A_114 {
        %add3A_115 = arith.constant 160 : i32
        %add3A_116 = arith.addi %add3A_75, %add3A_115 : i32
        %dma_wait3A_117 = tpu.memref_slice %arg3[%add3A_116] : memref<322560xi32, #tpu.memory_space<hbm>> -> memref<80xi32, #tpu.memory_space<hbm>>
        %dma_wait3A_118 = tpu.memref_slice %arg3[%add3A_116] : memref<322560xi32, #tpu.memory_space<hbm>> -> memref<80xi32, #tpu.memory_space<hbm>>
        tpu.wait_dma2 semaphore(%arg14 : memref<!tpu.dma_semaphore, #tpu.memory_space<semaphore_mem>>) src(%dma_wait3A_118 : memref<80xi32, #tpu.memory_space<hbm>>) dst(%arg7 : memref<80xi32, #tpu.memory_space<vmem>>)
        %dma_wait3A_119 = tpu.memref_slice %arg4[%add3A_116] : memref<322560xi32, #tpu.memory_space<hbm>> -> memref<80xi32, #tpu.memory_space<hbm>>
        %dma_wait3A_120 = tpu.memref_slice %arg4[%add3A_116] : memref<322560xi32, #tpu.memory_space<hbm>> -> memref<80xi32, #tpu.memory_space<hbm>>
        tpu.wait_dma2 semaphore(%arg14 : memref<!tpu.dma_semaphore, #tpu.memory_space<semaphore_mem>>) src(%dma_wait3A_120 : memref<80xi32, #tpu.memory_space<hbm>>) dst(%arg8 : memref<80xi32, #tpu.memory_space<vmem>>)
        %dma_start3A_121 = arith.constant 0 : i32
        %dma_start3A_122 = arith.constant 0 : i32
        %dma_start3A_123 = tpu.memref_slice %arg2[%dma_start3A_121, %dma_start3A_122] : memref<10000x128xf32, #tpu.memory_space<hbm>> -> memref<10000x128xf32, #tpu.memory_space<hbm>>
        tpu.enqueue_indirect_dma source(%dma_start3A_123 : memref<10000x128xf32, #tpu.memory_space<hbm>>) target(%arg11 : memref<80x128xf32, #tpu.memory_space<vmem>>) offsets(%arg7 : memref<80xi32, #tpu.memory_space<vmem>>) semaphore(%arg16 : memref<!tpu.dma_semaphore, #tpu.memory_space<semaphore_mem>>)
      } else {
      }
    }
    %barrier3A_62 = arith.constant 0 : index
    tpu.barrier barrier_id(%barrier3A_62)
    %lt3A_63 = arith.constant 10 : i32
    %lt3A_64 = arith.cmpi slt, %arg1, %lt3A_63 : i32
    %convert_element_type3A_65 = arith.extui %lt3A_64 : i1 to i32
    %cond3A_66 = arith.constant 0 : i32
    %cond3A_67 = arith.cmpi ne, %convert_element_type3A_65, %cond3A_66 : i32
    scf.if %cond3A_67 {
      %mul3A_68 = arith.constant 1000 : i32
      %mul3A_69 = arith.muli %arg1, %mul3A_68 : i32
      %mul3A_70 = arith.constant 10000 : i32
      %mul3A_71 = arith.muli %arg0, %mul3A_70 : i32
      %mul3A_72 = arith.constant 1000 : i32
      %mul3A_73 = arith.muli %arg1, %mul3A_72 : i32
      %add3A_74 = arith.addi %mul3A_71, %mul3A_73 : i32
      "tpu.region"() ({
        %run_scoped3A = tpu.sem_alloc : memref<!tpu.dma_semaphore, #tpu.memory_space<semaphore_mem>>
        %dma_start3A_75 = arith.constant 0 : i32
        %dma_start3A_76 = tpu.memref_slice %arg6[%add3A_74, %dma_start3A_75] : memref<20000x128xf32, #tpu.memory_space<hbm>> -> memref<1000x128xf32, #tpu.memory_space<hbm>>
        %dma_start3A_77 = arith.constant 0 : i32
        %dma_start3A_78 = tpu.memref_slice %arg13[%mul3A_69, %dma_start3A_77] : memref<10008x128xf32, #tpu.memory_space<vmem_shared>> -> memref<1000x128xf32, #tpu.memory_space<vmem_shared>>
        tpu.enqueue_dma source(%dma_start3A_78 : memref<1000x128xf32, #tpu.memory_space<vmem_shared>>) target(%dma_start3A_76 : memref<1000x128xf32, #tpu.memory_space<hbm>>) target_semaphore(%run_scoped3A : memref<!tpu.dma_semaphore, #tpu.memory_space<semaphore_mem>>)
        %dma_wait3A_79 = arith.constant 0 : i32
        %dma_wait3A_80 = tpu.memref_slice %arg6[%add3A_74, %dma_wait3A_79] : memref<20000x128xf32, #tpu.memory_space<hbm>> -> memref<1000x128xf32, #tpu.memory_space<hbm>>
        %dma_wait3A_81 = arith.constant 0 : i32
        %dma_wait3A_82 = tpu.memref_slice %arg13[%mul3A_69, %dma_wait3A_81] : memref<10008x128xf32, #tpu.memory_space<vmem_shared>> -> memref<1000x128xf32, #tpu.memory_space<vmem_shared>>
        tpu.wait_dma2 semaphore(%run_scoped3A : memref<!tpu.dma_semaphore, #tpu.memory_space<semaphore_mem>>) src(%dma_wait3A_82 : memref<1000x128xf32, #tpu.memory_space<vmem_shared>>) dst(%dma_wait3A_80 : memref<1000x128xf32, #tpu.memory_space<hbm>>)
        tpu.yield
      }) : () -> ()
    } else {
    }
    return
  }
}

#map = affine_map<(d0, d1) -> (0)>
module attributes {stable_mosaic.version = 14 : i64} {
  func.func @run(%arg0: i32, %arg1: i32, %arg2: memref<322560xi32, #tpu.memory_space<hbm>>, %arg3: memref<20480xf32, #tpu.memory_space<hbm>>, %arg4: memref<20480xf32, #tpu.memory_space<hbm>>, %arg5: memref<80xi32, #tpu.memory_space<vmem>>, %arg6: memref<80xi32, #tpu.memory_space<vmem>>, %arg7: memref<80xi32, #tpu.memory_space<vmem>>, %arg8: memref<80xi32, #tpu.memory_space<vmem>>, %arg9: memref<80xf32, #tpu.memory_space<vmem>>, %arg10: memref<10240xf32, #tpu.memory_space<vmem_shared>>, %arg11: memref<!tpu.dma_semaphore, #tpu.memory_space<semaphore_mem>>, %arg12: memref<!tpu.dma_semaphore, #tpu.memory_space<semaphore_mem>>) attributes {dimension_semantics = [#tpu.dimension_semantics<core_parallel>, #tpu.dimension_semantics<subcore_parallel>], iteration_bounds = array<i64: 2, 16>, scalar_prefetch = 0 : i64, scratch_operands = 8 : i64, tpu.core_type = #tpu.core_type<sc_vector_subcore>, window_params = [{transform_indices = #map}, {transform_indices = #map}, {transform_indices = #map}]} {
    %eq3A = arith.constant 0 : i32
    %eq3A_0 = arith.cmpi eq, %arg0, %eq3A : i32
    %mul3A = arith.constant 13120 : i32
    %mul3A_1 = arith.muli %arg1, %mul3A : i32
    %mul3A_2 = arith.constant 7040 : i32
    %mul3A_3 = arith.muli %arg1, %mul3A_2 : i32
    %add3A = arith.constant 209920 : i32
    %add3A_4 = arith.addi %add3A, %mul3A_3 : i32
    %select_n3A = arith.select %eq3A_0, %mul3A_1, %add3A_4 : i32
    %eq3A_5 = arith.constant 0 : i32
    %eq3A_6 = arith.cmpi eq, %arg0, %eq3A_5 : i32
    %jit3A = arith.constant 41 : i32
    %jit3A_7 = arith.constant 22 : i32
    %select_n3A_8 = arith.select %eq3A_6, %jit3A, %jit3A_7 : i32
    %add3A_9 = arith.constant 0 : i32
    %add3A_10 = arith.addi %select_n3A, %add3A_9 : i32
    %dma_start3A = tpu.memref_slice %arg2[%add3A_10] : memref<322560xi32, #tpu.memory_space<hbm>> -> memref<80xi32, #tpu.memory_space<hbm>>
    %dma_start3A_11 = tpu.memref_slice %arg2[%add3A_10] : memref<322560xi32, #tpu.memory_space<hbm>> -> memref<80xi32, #tpu.memory_space<hbm>>
    tpu.enqueue_dma source(%dma_start3A_11 : memref<80xi32, #tpu.memory_space<hbm>>) target(%arg5 : memref<80xi32, #tpu.memory_space<vmem>>) target_semaphore(%arg11 : memref<!tpu.dma_semaphore, #tpu.memory_space<semaphore_mem>>)
    %add3A_12 = arith.constant 80 : i32
    %add3A_13 = arith.addi %select_n3A, %add3A_12 : i32
    %dma_start3A_14 = tpu.memref_slice %arg2[%add3A_13] : memref<322560xi32, #tpu.memory_space<hbm>> -> memref<80xi32, #tpu.memory_space<hbm>>
    %dma_start3A_15 = tpu.memref_slice %arg2[%add3A_13] : memref<322560xi32, #tpu.memory_space<hbm>> -> memref<80xi32, #tpu.memory_space<hbm>>
    tpu.enqueue_dma source(%dma_start3A_15 : memref<80xi32, #tpu.memory_space<hbm>>) target(%arg6 : memref<80xi32, #tpu.memory_space<vmem>>) target_semaphore(%arg11 : memref<!tpu.dma_semaphore, #tpu.memory_space<semaphore_mem>>)
    %add3A_16 = arith.constant 160 : i32
    %add3A_17 = arith.addi %select_n3A, %add3A_16 : i32
    %dma_start3A_18 = tpu.memref_slice %arg2[%add3A_17] : memref<322560xi32, #tpu.memory_space<hbm>> -> memref<80xi32, #tpu.memory_space<hbm>>
    %dma_start3A_19 = tpu.memref_slice %arg2[%add3A_17] : memref<322560xi32, #tpu.memory_space<hbm>> -> memref<80xi32, #tpu.memory_space<hbm>>
    tpu.enqueue_dma source(%dma_start3A_19 : memref<80xi32, #tpu.memory_space<hbm>>) target(%arg7 : memref<80xi32, #tpu.memory_space<vmem>>) target_semaphore(%arg11 : memref<!tpu.dma_semaphore, #tpu.memory_space<semaphore_mem>>)
    %add3A_20 = arith.constant 240 : i32
    %add3A_21 = arith.addi %select_n3A, %add3A_20 : i32
    %dma_start3A_22 = tpu.memref_slice %arg2[%add3A_21] : memref<322560xi32, #tpu.memory_space<hbm>> -> memref<80xi32, #tpu.memory_space<hbm>>
    %dma_start3A_23 = tpu.memref_slice %arg2[%add3A_21] : memref<322560xi32, #tpu.memory_space<hbm>> -> memref<80xi32, #tpu.memory_space<hbm>>
    tpu.enqueue_dma source(%dma_start3A_23 : memref<80xi32, #tpu.memory_space<hbm>>) target(%arg8 : memref<80xi32, #tpu.memory_space<vmem>>) target_semaphore(%arg11 : memref<!tpu.dma_semaphore, #tpu.memory_space<semaphore_mem>>)
    %mul3A_24 = arith.constant 10240 : i32
    %mul3A_25 = arith.muli %arg0, %mul3A_24 : i32
    %mul3A_26 = arith.constant 640 : i32
    %mul3A_27 = arith.muli %arg1, %mul3A_26 : i32
    %add3A_28 = arith.addi %mul3A_25, %mul3A_27 : i32
    %mul3A_29 = arith.constant 640 : i32
    %mul3A_30 = arith.muli %arg1, %mul3A_29 : i32
    "tpu.region"() ({
      %run_scoped3A = tpu.sem_alloc : memref<!tpu.dma_semaphore, #tpu.memory_space<semaphore_mem>>
      %dma_start3A_83 = tpu.memref_slice %arg10[%mul3A_30] : memref<10240xf32, #tpu.memory_space<vmem_shared>> -> memref<640xf32, #tpu.memory_space<vmem_shared>>
      %dma_start3A_84 = tpu.memref_slice %arg3[%add3A_28] : memref<20480xf32, #tpu.memory_space<hbm>> -> memref<640xf32, #tpu.memory_space<hbm>>
      tpu.enqueue_dma source(%dma_start3A_84 : memref<640xf32, #tpu.memory_space<hbm>>) target(%dma_start3A_83 : memref<640xf32, #tpu.memory_space<vmem_shared>>) target_semaphore(%run_scoped3A : memref<!tpu.dma_semaphore, #tpu.memory_space<semaphore_mem>>)
      %dma_wait3A = tpu.memref_slice %arg10[%mul3A_30] : memref<10240xf32, #tpu.memory_space<vmem_shared>> -> memref<640xf32, #tpu.memory_space<vmem_shared>>
      %dma_wait3A_85 = tpu.memref_slice %arg3[%add3A_28] : memref<20480xf32, #tpu.memory_space<hbm>> -> memref<640xf32, #tpu.memory_space<hbm>>
      tpu.wait_dma2 semaphore(%run_scoped3A : memref<!tpu.dma_semaphore, #tpu.memory_space<semaphore_mem>>) src(%dma_wait3A_85 : memref<640xf32, #tpu.memory_space<hbm>>) dst(%dma_wait3A : memref<640xf32, #tpu.memory_space<vmem_shared>>)
      tpu.yield
    }) : () -> ()
    %broadcast_in_dim3A = arith.constant 1.000000e+00 : f32
    %broadcast_in_dim3A_31 = vector.broadcast %broadcast_in_dim3A : f32 to vector<16xf32>
    %swap3A = arith.constant 0 : index
    %swap3A_32 = tpu.vector_load %arg9[%swap3A] {strides = array<i32>} : memref<80xf32, #tpu.memory_space<vmem>>, vector<16xf32>,
    %swap3A_33 = vector.shape_cast %swap3A_32 : vector<16xf32> to vector<16xf32>
    %swap3A_34 = vector.shape_cast %broadcast_in_dim3A_31 : vector<16xf32> to vector<16xf32>
    tpu.vector_store %arg9[%swap3A], %swap3A_34 {strides = array<i32>} : memref<80xf32, #tpu.memory_space<vmem>>, vector<16xf32>,
    %broadcast_in_dim3A_35 = arith.constant 1.000000e+00 : f32
    %broadcast_in_dim3A_36 = vector.broadcast %broadcast_in_dim3A_35 : f32 to vector<16xf32>
    %swap3A_37 = arith.constant 16 : index
    %swap3A_38 = tpu.vector_load %arg9[%swap3A_37] {strides = array<i32>} : memref<80xf32, #tpu.memory_space<vmem>>, vector<16xf32>,
    %swap3A_39 = vector.shape_cast %swap3A_38 : vector<16xf32> to vector<16xf32>
    %swap3A_40 = vector.shape_cast %broadcast_in_dim3A_36 : vector<16xf32> to vector<16xf32>
    tpu.vector_store %arg9[%swap3A_37], %swap3A_40 {strides = array<i32>} : memref<80xf32, #tpu.memory_space<vmem>>, vector<16xf32>,
    %broadcast_in_dim3A_41 = arith.constant 1.000000e+00 : f32
    %broadcast_in_dim3A_42 = vector.broadcast %broadcast_in_dim3A_41 : f32 to vector<16xf32>
    %swap3A_43 = arith.constant 32 : index
    %swap3A_44 = tpu.vector_load %arg9[%swap3A_43] {strides = array<i32>} : memref<80xf32, #tpu.memory_space<vmem>>, vector<16xf32>,
    %swap3A_45 = vector.shape_cast %swap3A_44 : vector<16xf32> to vector<16xf32>
    %swap3A_46 = vector.shape_cast %broadcast_in_dim3A_42 : vector<16xf32> to vector<16xf32>
    tpu.vector_store %arg9[%swap3A_43], %swap3A_46 {strides = array<i32>} : memref<80xf32, #tpu.memory_space<vmem>>, vector<16xf32>,
    %broadcast_in_dim3A_47 = arith.constant 1.000000e+00 : f32
    %broadcast_in_dim3A_48 = vector.broadcast %broadcast_in_dim3A_47 : f32 to vector<16xf32>
    %swap3A_49 = arith.constant 48 : index
    %swap3A_50 = tpu.vector_load %arg9[%swap3A_49] {strides = array<i32>} : memref<80xf32, #tpu.memory_space<vmem>>, vector<16xf32>,
    %swap3A_51 = vector.shape_cast %swap3A_50 : vector<16xf32> to vector<16xf32>
    %swap3A_52 = vector.shape_cast %broadcast_in_dim3A_48 : vector<16xf32> to vector<16xf32>
    tpu.vector_store %arg9[%swap3A_49], %swap3A_52 {strides = array<i32>} : memref<80xf32, #tpu.memory_space<vmem>>, vector<16xf32>,
    %broadcast_in_dim3A_53 = arith.constant 1.000000e+00 : f32
    %broadcast_in_dim3A_54 = vector.broadcast %broadcast_in_dim3A_53 : f32 to vector<16xf32>
    %swap3A_55 = arith.constant 64 : index
    %swap3A_56 = tpu.vector_load %arg9[%swap3A_55] {strides = array<i32>} : memref<80xf32, #tpu.memory_space<vmem>>, vector<16xf32>,
    %swap3A_57 = vector.shape_cast %swap3A_56 : vector<16xf32> to vector<16xf32>
    %swap3A_58 = vector.shape_cast %broadcast_in_dim3A_54 : vector<16xf32> to vector<16xf32>
    tpu.vector_store %arg9[%swap3A_55], %swap3A_58 {strides = array<i32>} : memref<80xf32, #tpu.memory_space<vmem>>, vector<16xf32>,
    %barrier3A = arith.constant 0 : index
    tpu.barrier barrier_id(%barrier3A)
    %sub3A = arith.constant 0 : i32
    %sub3A_59 = arith.subi %select_n3A_8, %sub3A : i32
    %sub3A_60 = arith.constant 1 : i32
    %sub3A_61 = arith.constant 1 : i32
    %sub3A_62 = arith.subi %sub3A_60, %sub3A_61 : i32
    %add3A_63 = arith.addi %sub3A_59, %sub3A_62 : i32
    %div3A = arith.constant 1 : i32
    %div3A_64 = arith.divsi %add3A_63, %div3A : i32
    %while3A = arith.constant 1 : i32
    %while3A_65 = arith.constant 0 : i32
    %while3A_66 = arith.constant 0 : i32
    %while3A_67 = arith.subi %div3A_64, %while3A_66 : i32
    %while3A_68 = arith.addi %while3A_66, %while3A_67 : i32
    %while3A_69 = arith.constant 1 : i32
    %while3A_70 = arith.divsi %while3A_67, %while3A_69 : i32
    %while3A_71 = arith.muli %while3A_70, %while3A_69 : i32
    %while3A_72 = arith.addi %while3A_66, %while3A_71 : i32
    %while3A_73 = arith.constant 1 : i32
    scf.for %while3A_83 = %while3A_66 to %while3A_72 step %while3A_73  : i32 {
      %mul3A_84 = arith.muli %while3A_83, %while3A : i32
      %add3A_85 = arith.addi %while3A_65, %mul3A_84 : i32
      %mul3A_86 = arith.constant 4 : i32
      %mul3A_87 = arith.muli %mul3A_86, %add3A_85 : i32
      %mul3A_88 = arith.constant 80 : i32
      %mul3A_89 = arith.muli %mul3A_87, %mul3A_88 : i32
      %add3A_90 = arith.addi %select_n3A, %mul3A_89 : i32
      %add3A_91 = arith.constant 0 : i32
      %add3A_92 = arith.addi %add3A_90, %add3A_91 : i32
      %dma_wait3A = tpu.memref_slice %arg2[%add3A_92] : memref<322560xi32, #tpu.memory_space<hbm>> -> memref<80xi32, #tpu.memory_space<hbm>>
      %dma_wait3A_93 = tpu.memref_slice %arg2[%add3A_92] : memref<322560xi32, #tpu.memory_space<hbm>> -> memref<80xi32, #tpu.memory_space<hbm>>
      tpu.wait_dma2 semaphore(%arg11 : memref<!tpu.dma_semaphore, #tpu.memory_space<semaphore_mem>>) src(%dma_wait3A_93 : memref<80xi32, #tpu.memory_space<hbm>>) dst(%arg5 : memref<80xi32, #tpu.memory_space<vmem>>)
      %dma_start3A_94 = arith.constant 0 : i32
      %dma_start3A_95 = tpu.memref_slice %arg10[%dma_start3A_94] : memref<10240xf32, #tpu.memory_space<vmem_shared>> -> memref<10240xf32, #tpu.memory_space<vmem_shared>>
      tpu.enqueue_indirect_dma source(%arg9 : memref<80xf32, #tpu.memory_space<vmem>>) target(%dma_start3A_95 : memref<10240xf32, #tpu.memory_space<vmem_shared>>) offsets(%arg5 : memref<80xi32, #tpu.memory_space<vmem>>) semaphore(%arg12 : memref<!tpu.dma_semaphore, #tpu.memory_space<semaphore_mem>>) {add = true}
      %add3A_96 = arith.constant 80 : i32
      %add3A_97 = arith.addi %add3A_90, %add3A_96 : i32
      %dma_wait3A_98 = tpu.memref_slice %arg2[%add3A_97] : memref<322560xi32, #tpu.memory_space<hbm>> -> memref<80xi32, #tpu.memory_space<hbm>>
      %dma_wait3A_99 = tpu.memref_slice %arg2[%add3A_97] : memref<322560xi32, #tpu.memory_space<hbm>> -> memref<80xi32, #tpu.memory_space<hbm>>
      tpu.wait_dma2 semaphore(%arg11 : memref<!tpu.dma_semaphore, #tpu.memory_space<semaphore_mem>>) src(%dma_wait3A_99 : memref<80xi32, #tpu.memory_space<hbm>>) dst(%arg6 : memref<80xi32, #tpu.memory_space<vmem>>)
      %dma_start3A_100 = arith.constant 0 : i32
      %dma_start3A_101 = tpu.memref_slice %arg10[%dma_start3A_100] : memref<10240xf32, #tpu.memory_space<vmem_shared>> -> memref<10240xf32, #tpu.memory_space<vmem_shared>>
      tpu.enqueue_indirect_dma source(%arg9 : memref<80xf32, #tpu.memory_space<vmem>>) target(%dma_start3A_101 : memref<10240xf32, #tpu.memory_space<vmem_shared>>) offsets(%arg6 : memref<80xi32, #tpu.memory_space<vmem>>) semaphore(%arg12 : memref<!tpu.dma_semaphore, #tpu.memory_space<semaphore_mem>>) {add = true}
      %add3A_102 = arith.constant 160 : i32
      %add3A_103 = arith.addi %add3A_90, %add3A_102 : i32
      %dma_wait3A_104 = tpu.memref_slice %arg2[%add3A_103] : memref<322560xi32, #tpu.memory_space<hbm>> -> memref<80xi32, #tpu.memory_space<hbm>>
      %dma_wait3A_105 = tpu.memref_slice %arg2[%add3A_103] : memref<322560xi32, #tpu.memory_space<hbm>> -> memref<80xi32, #tpu.memory_space<hbm>>
      tpu.wait_dma2 semaphore(%arg11 : memref<!tpu.dma_semaphore, #tpu.memory_space<semaphore_mem>>) src(%dma_wait3A_105 : memref<80xi32, #tpu.memory_space<hbm>>) dst(%arg7 : memref<80xi32, #tpu.memory_space<vmem>>)
      %dma_start3A_106 = arith.constant 0 : i32
      %dma_start3A_107 = tpu.memref_slice %arg10[%dma_start3A_106] : memref<10240xf32, #tpu.memory_space<vmem_shared>> -> memref<10240xf32, #tpu.memory_space<vmem_shared>>
      tpu.enqueue_indirect_dma source(%arg9 : memref<80xf32, #tpu.memory_space<vmem>>) target(%dma_start3A_107 : memref<10240xf32, #tpu.memory_space<vmem_shared>>) offsets(%arg7 : memref<80xi32, #tpu.memory_space<vmem>>) semaphore(%arg12 : memref<!tpu.dma_semaphore, #tpu.memory_space<semaphore_mem>>) {add = true}
      %add3A_108 = arith.constant 240 : i32
      %add3A_109 = arith.addi %add3A_90, %add3A_108 : i32
      %dma_wait3A_110 = tpu.memref_slice %arg2[%add3A_109] : memref<322560xi32, #tpu.memory_space<hbm>> -> memref<80xi32, #tpu.memory_space<hbm>>
      %dma_wait3A_111 = tpu.memref_slice %arg2[%add3A_109] : memref<322560xi32, #tpu.memory_space<hbm>> -> memref<80xi32, #tpu.memory_space<hbm>>
      tpu.wait_dma2 semaphore(%arg11 : memref<!tpu.dma_semaphore, #tpu.memory_space<semaphore_mem>>) src(%dma_wait3A_111 : memref<80xi32, #tpu.memory_space<hbm>>) dst(%arg8 : memref<80xi32, #tpu.memory_space<vmem>>)
      %dma_start3A_112 = arith.constant 0 : i32
      %dma_start3A_113 = tpu.memref_slice %arg10[%dma_start3A_112] : memref<10240xf32, #tpu.memory_space<vmem_shared>> -> memref<10240xf32, #tpu.memory_space<vmem_shared>>
      tpu.enqueue_indirect_dma source(%arg9 : memref<80xf32, #tpu.memory_space<vmem>>) target(%dma_start3A_113 : memref<10240xf32, #tpu.memory_space<vmem_shared>>) offsets(%arg8 : memref<80xi32, #tpu.memory_space<vmem>>) semaphore(%arg12 : memref<!tpu.dma_semaphore, #tpu.memory_space<semaphore_mem>>) {add = true}
      %dma_wait3A_114 = arith.constant 0 : i32
      %dma_wait3A_115 = tpu.memref_slice %arg10[%dma_wait3A_114] : memref<10240xf32, #tpu.memory_space<vmem_shared>> -> memref<10240xf32, #tpu.memory_space<vmem_shared>>
      tpu.wait_indirect_dma semaphore(%arg12 : memref<!tpu.dma_semaphore, #tpu.memory_space<semaphore_mem>>) src(%arg9 : memref<80xf32, #tpu.memory_space<vmem>>) dst(%dma_wait3A_115 : memref<10240xf32, #tpu.memory_space<vmem_shared>>)
      %dma_wait3A_116 = arith.constant 0 : i32
      %dma_wait3A_117 = tpu.memref_slice %arg10[%dma_wait3A_116] : memref<10240xf32, #tpu.memory_space<vmem_shared>> -> memref<10240xf32, #tpu.memory_space<vmem_shared>>
      tpu.wait_indirect_dma semaphore(%arg12 : memref<!tpu.dma_semaphore, #tpu.memory_space<semaphore_mem>>) src(%arg9 : memref<80xf32, #tpu.memory_space<vmem>>) dst(%dma_wait3A_117 : memref<10240xf32, #tpu.memory_space<vmem_shared>>)
      %dma_wait3A_118 = arith.constant 0 : i32
      %dma_wait3A_119 = tpu.memref_slice %arg10[%dma_wait3A_118] : memref<10240xf32, #tpu.memory_space<vmem_shared>> -> memref<10240xf32, #tpu.memory_space<vmem_shared>>
      tpu.wait_indirect_dma semaphore(%arg12 : memref<!tpu.dma_semaphore, #tpu.memory_space<semaphore_mem>>) src(%arg9 : memref<80xf32, #tpu.memory_space<vmem>>) dst(%dma_wait3A_119 : memref<10240xf32, #tpu.memory_space<vmem_shared>>)
      %dma_wait3A_120 = arith.constant 0 : i32
      %dma_wait3A_121 = tpu.memref_slice %arg10[%dma_wait3A_120] : memref<10240xf32, #tpu.memory_space<vmem_shared>> -> memref<10240xf32, #tpu.memory_space<vmem_shared>>
      tpu.wait_indirect_dma semaphore(%arg12 : memref<!tpu.dma_semaphore, #tpu.memory_space<semaphore_mem>>) src(%arg9 : memref<80xf32, #tpu.memory_space<vmem>>) dst(%dma_wait3A_121 : memref<10240xf32, #tpu.memory_space<vmem_shared>>)
      %add3A_122 = arith.constant 1 : i32
      %add3A_123 = arith.addi %add3A_85, %add3A_122 : i32
      %lt3A = arith.cmpi slt, %add3A_123, %select_n3A_8 : i32
      %convert_element_type3A = arith.extui %lt3A : i1 to i32
      %cond3A = arith.constant 0 : i32
      %cond3A_124 = arith.cmpi ne, %convert_element_type3A, %cond3A : i32
      scf.if %cond3A_124 {
        %add3A_125 = arith.constant 320 : i32
        %add3A_126 = arith.addi %add3A_90, %add3A_125 : i32
        %dma_start3A_127 = tpu.memref_slice %arg2[%add3A_126] : memref<322560xi32, #tpu.memory_space<hbm>> -> memref<80xi32, #tpu.memory_space<hbm>>
        %dma_start3A_128 = tpu.memref_slice %arg2[%add3A_126] : memref<322560xi32, #tpu.memory_space<hbm>> -> memref<80xi32, #tpu.memory_space<hbm>>
        tpu.enqueue_dma source(%dma_start3A_128 : memref<80xi32, #tpu.memory_space<hbm>>) target(%arg5 : memref<80xi32, #tpu.memory_space<vmem>>) target_semaphore(%arg11 : memref<!tpu.dma_semaphore, #tpu.memory_space<semaphore_mem>>)
        %add3A_129 = arith.constant 400 : i32
        %add3A_130 = arith.addi %add3A_90, %add3A_129 : i32
        %dma_start3A_131 = tpu.memref_slice %arg2[%add3A_130] : memref<322560xi32, #tpu.memory_space<hbm>> -> memref<80xi32, #tpu.memory_space<hbm>>
        %dma_start3A_132 = tpu.memref_slice %arg2[%add3A_130] : memref<322560xi32, #tpu.memory_space<hbm>> -> memref<80xi32, #tpu.memory_space<hbm>>
        tpu.enqueue_dma source(%dma_start3A_132 : memref<80xi32, #tpu.memory_space<hbm>>) target(%arg6 : memref<80xi32, #tpu.memory_space<vmem>>) target_semaphore(%arg11 : memref<!tpu.dma_semaphore, #tpu.memory_space<semaphore_mem>>)
        %add3A_133 = arith.constant 480 : i32
        %add3A_134 = arith.addi %add3A_90, %add3A_133 : i32
        %dma_start3A_135 = tpu.memref_slice %arg2[%add3A_134] : memref<322560xi32, #tpu.memory_space<hbm>> -> memref<80xi32, #tpu.memory_space<hbm>>
        %dma_start3A_136 = tpu.memref_slice %arg2[%add3A_134] : memref<322560xi32, #tpu.memory_space<hbm>> -> memref<80xi32, #tpu.memory_space<hbm>>
        tpu.enqueue_dma source(%dma_start3A_136 : memref<80xi32, #tpu.memory_space<hbm>>) target(%arg7 : memref<80xi32, #tpu.memory_space<vmem>>) target_semaphore(%arg11 : memref<!tpu.dma_semaphore, #tpu.memory_space<semaphore_mem>>)
        %add3A_137 = arith.constant 560 : i32
        %add3A_138 = arith.addi %add3A_90, %add3A_137 : i32
        %dma_start3A_139 = tpu.memref_slice %arg2[%add3A_138] : memref<322560xi32, #tpu.memory_space<hbm>> -> memref<80xi32, #tpu.memory_space<hbm>>
        %dma_start3A_140 = tpu.memref_slice %arg2[%add3A_138] : memref<322560xi32, #tpu.memory_space<hbm>> -> memref<80xi32, #tpu.memory_space<hbm>>
        tpu.enqueue_dma source(%dma_start3A_140 : memref<80xi32, #tpu.memory_space<hbm>>) target(%arg8 : memref<80xi32, #tpu.memory_space<vmem>>) target_semaphore(%arg11 : memref<!tpu.dma_semaphore, #tpu.memory_space<semaphore_mem>>)
      } else {
      }
    }
    %while3A_74 = arith.constant 1 : i32
    scf.for %while3A_83 = %while3A_72 to %while3A_68 step %while3A_74  : i32 {
      %mul3A_84 = arith.muli %while3A_83, %while3A : i32
      %add3A_85 = arith.addi %while3A_65, %mul3A_84 : i32
      %mul3A_86 = arith.constant 4 : i32
      %mul3A_87 = arith.muli %mul3A_86, %add3A_85 : i32
      %mul3A_88 = arith.constant 80 : i32
      %mul3A_89 = arith.muli %mul3A_87, %mul3A_88 : i32
      %add3A_90 = arith.addi %select_n3A, %mul3A_89 : i32
      %add3A_91 = arith.constant 0 : i32
      %add3A_92 = arith.addi %add3A_90, %add3A_91 : i32
      %dma_wait3A = tpu.memref_slice %arg2[%add3A_92] : memref<322560xi32, #tpu.memory_space<hbm>> -> memref<80xi32, #tpu.memory_space<hbm>>
      %dma_wait3A_93 = tpu.memref_slice %arg2[%add3A_92] : memref<322560xi32, #tpu.memory_space<hbm>> -> memref<80xi32, #tpu.memory_space<hbm>>
      tpu.wait_dma2 semaphore(%arg11 : memref<!tpu.dma_semaphore, #tpu.memory_space<semaphore_mem>>) src(%dma_wait3A_93 : memref<80xi32, #tpu.memory_space<hbm>>) dst(%arg5 : memref<80xi32, #tpu.memory_space<vmem>>)
      %dma_start3A_94 = arith.constant 0 : i32
      %dma_start3A_95 = tpu.memref_slice %arg10[%dma_start3A_94] : memref<10240xf32, #tpu.memory_space<vmem_shared>> -> memref<10240xf32, #tpu.memory_space<vmem_shared>>
      tpu.enqueue_indirect_dma source(%arg9 : memref<80xf32, #tpu.memory_space<vmem>>) target(%dma_start3A_95 : memref<10240xf32, #tpu.memory_space<vmem_shared>>) offsets(%arg5 : memref<80xi32, #tpu.memory_space<vmem>>) semaphore(%arg12 : memref<!tpu.dma_semaphore, #tpu.memory_space<semaphore_mem>>) {add = true}
      %add3A_96 = arith.constant 80 : i32
      %add3A_97 = arith.addi %add3A_90, %add3A_96 : i32
      %dma_wait3A_98 = tpu.memref_slice %arg2[%add3A_97] : memref<322560xi32, #tpu.memory_space<hbm>> -> memref<80xi32, #tpu.memory_space<hbm>>
      %dma_wait3A_99 = tpu.memref_slice %arg2[%add3A_97] : memref<322560xi32, #tpu.memory_space<hbm>> -> memref<80xi32, #tpu.memory_space<hbm>>
      tpu.wait_dma2 semaphore(%arg11 : memref<!tpu.dma_semaphore, #tpu.memory_space<semaphore_mem>>) src(%dma_wait3A_99 : memref<80xi32, #tpu.memory_space<hbm>>) dst(%arg6 : memref<80xi32, #tpu.memory_space<vmem>>)
      %dma_start3A_100 = arith.constant 0 : i32
      %dma_start3A_101 = tpu.memref_slice %arg10[%dma_start3A_100] : memref<10240xf32, #tpu.memory_space<vmem_shared>> -> memref<10240xf32, #tpu.memory_space<vmem_shared>>
      tpu.enqueue_indirect_dma source(%arg9 : memref<80xf32, #tpu.memory_space<vmem>>) target(%dma_start3A_101 : memref<10240xf32, #tpu.memory_space<vmem_shared>>) offsets(%arg6 : memref<80xi32, #tpu.memory_space<vmem>>) semaphore(%arg12 : memref<!tpu.dma_semaphore, #tpu.memory_space<semaphore_mem>>) {add = true}
      %add3A_102 = arith.constant 160 : i32
      %add3A_103 = arith.addi %add3A_90, %add3A_102 : i32
      %dma_wait3A_104 = tpu.memref_slice %arg2[%add3A_103] : memref<322560xi32, #tpu.memory_space<hbm>> -> memref<80xi32, #tpu.memory_space<hbm>>
      %dma_wait3A_105 = tpu.memref_slice %arg2[%add3A_103] : memref<322560xi32, #tpu.memory_space<hbm>> -> memref<80xi32, #tpu.memory_space<hbm>>
      tpu.wait_dma2 semaphore(%arg11 : memref<!tpu.dma_semaphore, #tpu.memory_space<semaphore_mem>>) src(%dma_wait3A_105 : memref<80xi32, #tpu.memory_space<hbm>>) dst(%arg7 : memref<80xi32, #tpu.memory_space<vmem>>)
      %dma_start3A_106 = arith.constant 0 : i32
      %dma_start3A_107 = tpu.memref_slice %arg10[%dma_start3A_106] : memref<10240xf32, #tpu.memory_space<vmem_shared>> -> memref<10240xf32, #tpu.memory_space<vmem_shared>>
      tpu.enqueue_indirect_dma source(%arg9 : memref<80xf32, #tpu.memory_space<vmem>>) target(%dma_start3A_107 : memref<10240xf32, #tpu.memory_space<vmem_shared>>) offsets(%arg7 : memref<80xi32, #tpu.memory_space<vmem>>) semaphore(%arg12 : memref<!tpu.dma_semaphore, #tpu.memory_space<semaphore_mem>>) {add = true}
      %add3A_108 = arith.constant 240 : i32
      %add3A_109 = arith.addi %add3A_90, %add3A_108 : i32
      %dma_wait3A_110 = tpu.memref_slice %arg2[%add3A_109] : memref<322560xi32, #tpu.memory_space<hbm>> -> memref<80xi32, #tpu.memory_space<hbm>>
      %dma_wait3A_111 = tpu.memref_slice %arg2[%add3A_109] : memref<322560xi32, #tpu.memory_space<hbm>> -> memref<80xi32, #tpu.memory_space<hbm>>
      tpu.wait_dma2 semaphore(%arg11 : memref<!tpu.dma_semaphore, #tpu.memory_space<semaphore_mem>>) src(%dma_wait3A_111 : memref<80xi32, #tpu.memory_space<hbm>>) dst(%arg8 : memref<80xi32, #tpu.memory_space<vmem>>)
      %dma_start3A_112 = arith.constant 0 : i32
      %dma_start3A_113 = tpu.memref_slice %arg10[%dma_start3A_112] : memref<10240xf32, #tpu.memory_space<vmem_shared>> -> memref<10240xf32, #tpu.memory_space<vmem_shared>>
      tpu.enqueue_indirect_dma source(%arg9 : memref<80xf32, #tpu.memory_space<vmem>>) target(%dma_start3A_113 : memref<10240xf32, #tpu.memory_space<vmem_shared>>) offsets(%arg8 : memref<80xi32, #tpu.memory_space<vmem>>) semaphore(%arg12 : memref<!tpu.dma_semaphore, #tpu.memory_space<semaphore_mem>>) {add = true}
      %dma_wait3A_114 = arith.constant 0 : i32
      %dma_wait3A_115 = tpu.memref_slice %arg10[%dma_wait3A_114] : memref<10240xf32, #tpu.memory_space<vmem_shared>> -> memref<10240xf32, #tpu.memory_space<vmem_shared>>
      tpu.wait_indirect_dma semaphore(%arg12 : memref<!tpu.dma_semaphore, #tpu.memory_space<semaphore_mem>>) src(%arg9 : memref<80xf32, #tpu.memory_space<vmem>>) dst(%dma_wait3A_115 : memref<10240xf32, #tpu.memory_space<vmem_shared>>)
      %dma_wait3A_116 = arith.constant 0 : i32
      %dma_wait3A_117 = tpu.memref_slice %arg10[%dma_wait3A_116] : memref<10240xf32, #tpu.memory_space<vmem_shared>> -> memref<10240xf32, #tpu.memory_space<vmem_shared>>
      tpu.wait_indirect_dma semaphore(%arg12 : memref<!tpu.dma_semaphore, #tpu.memory_space<semaphore_mem>>) src(%arg9 : memref<80xf32, #tpu.memory_space<vmem>>) dst(%dma_wait3A_117 : memref<10240xf32, #tpu.memory_space<vmem_shared>>)
      %dma_wait3A_118 = arith.constant 0 : i32
      %dma_wait3A_119 = tpu.memref_slice %arg10[%dma_wait3A_118] : memref<10240xf32, #tpu.memory_space<vmem_shared>> -> memref<10240xf32, #tpu.memory_space<vmem_shared>>
      tpu.wait_indirect_dma semaphore(%arg12 : memref<!tpu.dma_semaphore, #tpu.memory_space<semaphore_mem>>) src(%arg9 : memref<80xf32, #tpu.memory_space<vmem>>) dst(%dma_wait3A_119 : memref<10240xf32, #tpu.memory_space<vmem_shared>>)
      %dma_wait3A_120 = arith.constant 0 : i32
      %dma_wait3A_121 = tpu.memref_slice %arg10[%dma_wait3A_120] : memref<10240xf32, #tpu.memory_space<vmem_shared>> -> memref<10240xf32, #tpu.memory_space<vmem_shared>>
      tpu.wait_indirect_dma semaphore(%arg12 : memref<!tpu.dma_semaphore, #tpu.memory_space<semaphore_mem>>) src(%arg9 : memref<80xf32, #tpu.memory_space<vmem>>) dst(%dma_wait3A_121 : memref<10240xf32, #tpu.memory_space<vmem_shared>>)
      %add3A_122 = arith.constant 1 : i32
      %add3A_123 = arith.addi %add3A_85, %add3A_122 : i32
      %lt3A = arith.cmpi slt, %add3A_123, %select_n3A_8 : i32
      %convert_element_type3A = arith.extui %lt3A : i1 to i32
      %cond3A = arith.constant 0 : i32
      %cond3A_124 = arith.cmpi ne, %convert_element_type3A, %cond3A : i32
      scf.if %cond3A_124 {
        %add3A_125 = arith.constant 320 : i32
        %add3A_126 = arith.addi %add3A_90, %add3A_125 : i32
        %dma_start3A_127 = tpu.memref_slice %arg2[%add3A_126] : memref<322560xi32, #tpu.memory_space<hbm>> -> memref<80xi32, #tpu.memory_space<hbm>>
        %dma_start3A_128 = tpu.memref_slice %arg2[%add3A_126] : memref<322560xi32, #tpu.memory_space<hbm>> -> memref<80xi32, #tpu.memory_space<hbm>>
        tpu.enqueue_dma source(%dma_start3A_128 : memref<80xi32, #tpu.memory_space<hbm>>) target(%arg5 : memref<80xi32, #tpu.memory_space<vmem>>) target_semaphore(%arg11 : memref<!tpu.dma_semaphore, #tpu.memory_space<semaphore_mem>>)
        %add3A_129 = arith.constant 400 : i32
        %add3A_130 = arith.addi %add3A_90, %add3A_129 : i32
        %dma_start3A_131 = tpu.memref_slice %arg2[%add3A_130] : memref<322560xi32, #tpu.memory_space<hbm>> -> memref<80xi32, #tpu.memory_space<hbm>>
        %dma_start3A_132 = tpu.memref_slice %arg2[%add3A_130] : memref<322560xi32, #tpu.memory_space<hbm>> -> memref<80xi32, #tpu.memory_space<hbm>>
        tpu.enqueue_dma source(%dma_start3A_132 : memref<80xi32, #tpu.memory_space<hbm>>) target(%arg6 : memref<80xi32, #tpu.memory_space<vmem>>) target_semaphore(%arg11 : memref<!tpu.dma_semaphore, #tpu.memory_space<semaphore_mem>>)
        %add3A_133 = arith.constant 480 : i32
        %add3A_134 = arith.addi %add3A_90, %add3A_133 : i32
        %dma_start3A_135 = tpu.memref_slice %arg2[%add3A_134] : memref<322560xi32, #tpu.memory_space<hbm>> -> memref<80xi32, #tpu.memory_space<hbm>>
        %dma_start3A_136 = tpu.memref_slice %arg2[%add3A_134] : memref<322560xi32, #tpu.memory_space<hbm>> -> memref<80xi32, #tpu.memory_space<hbm>>
        tpu.enqueue_dma source(%dma_start3A_136 : memref<80xi32, #tpu.memory_space<hbm>>) target(%arg7 : memref<80xi32, #tpu.memory_space<vmem>>) target_semaphore(%arg11 : memref<!tpu.dma_semaphore, #tpu.memory_space<semaphore_mem>>)
        %add3A_137 = arith.constant 560 : i32
        %add3A_138 = arith.addi %add3A_90, %add3A_137 : i32
        %dma_start3A_139 = tpu.memref_slice %arg2[%add3A_138] : memref<322560xi32, #tpu.memory_space<hbm>> -> memref<80xi32, #tpu.memory_space<hbm>>
        %dma_start3A_140 = tpu.memref_slice %arg2[%add3A_138] : memref<322560xi32, #tpu.memory_space<hbm>> -> memref<80xi32, #tpu.memory_space<hbm>>
        tpu.enqueue_dma source(%dma_start3A_140 : memref<80xi32, #tpu.memory_space<hbm>>) target(%arg8 : memref<80xi32, #tpu.memory_space<vmem>>) target_semaphore(%arg11 : memref<!tpu.dma_semaphore, #tpu.memory_space<semaphore_mem>>)
      } else {
      }
    }
    %barrier3A_75 = arith.constant 0 : index
    tpu.barrier barrier_id(%barrier3A_75)
    %mul3A_76 = arith.constant 640 : i32
    %mul3A_77 = arith.muli %arg1, %mul3A_76 : i32
    %mul3A_78 = arith.constant 10240 : i32
    %mul3A_79 = arith.muli %arg0, %mul3A_78 : i32
    %mul3A_80 = arith.constant 640 : i32
    %mul3A_81 = arith.muli %arg1, %mul3A_80 : i32
    %add3A_82 = arith.addi %mul3A_79, %mul3A_81 : i32
    "tpu.region"() ({
      %run_scoped3A = tpu.sem_alloc : memref<!tpu.dma_semaphore, #tpu.memory_space<semaphore_mem>>
      %dma_start3A_83 = tpu.memref_slice %arg4[%add3A_82] : memref<20480xf32, #tpu.memory_space<hbm>> -> memref<640xf32, #tpu.memory_space<hbm>>
      %dma_start3A_84 = tpu.memref_slice %arg10[%mul3A_77] : memref<10240xf32, #tpu.memory_space<vmem_shared>> -> memref<640xf32, #tpu.memory_space<vmem_shared>>
      tpu.enqueue_dma source(%dma_start3A_84 : memref<640xf32, #tpu.memory_space<vmem_shared>>) target(%dma_start3A_83 : memref<640xf32, #tpu.memory_space<hbm>>) target_semaphore(%run_scoped3A : memref<!tpu.dma_semaphore, #tpu.memory_space<semaphore_mem>>)
      %dma_wait3A = tpu.memref_slice %arg4[%add3A_82] : memref<20480xf32, #tpu.memory_space<hbm>> -> memref<640xf32, #tpu.memory_space<hbm>>
      %dma_wait3A_85 = tpu.memref_slice %arg10[%mul3A_77] : memref<10240xf32, #tpu.memory_space<vmem_shared>> -> memref<640xf32, #tpu.memory_space<vmem_shared>>
      tpu.wait_dma2 semaphore(%run_scoped3A : memref<!tpu.dma_semaphore, #tpu.memory_space<semaphore_mem>>) src(%dma_wait3A_85 : memref<640xf32, #tpu.memory_space<vmem_shared>>) dst(%dma_wait3A : memref<640xf32, #tpu.memory_space<hbm>>)
      tpu.yield
    }) : () -> ()
    return
  }
}

#map = affine_map<(d0, d1) -> (0, 0)>
#map1 = affine_map<(d0, d1) -> (0)>
module attributes {stable_mosaic.version = 14 : i64} {
  func.func @run(%arg0: i32, %arg1: i32, %arg2: memref<10000x128xf32, #tpu.memory_space<hbm>>, %arg3: memref<322560xi32, #tpu.memory_space<hbm>>, %arg4: memref<322560xi32, #tpu.memory_space<hbm>>, %arg5: memref<20000x128xf32, #tpu.memory_space<hbm>>, %arg6: memref<20000x128xf32, #tpu.memory_space<hbm>>, %arg7: memref<80xi32, #tpu.memory_space<vmem>>, %arg8: memref<80xi32, #tpu.memory_space<vmem>>, %arg9: memref<80xi32, #tpu.memory_space<vmem>>, %arg10: memref<80xi32, #tpu.memory_space<vmem>>, %arg11: memref<80x128xf32, #tpu.memory_space<vmem>>, %arg12: memref<80x128xf32, #tpu.memory_space<vmem>>, %arg13: memref<10008x128xf32, #tpu.memory_space<vmem_shared>>, %arg14: memref<!tpu.dma_semaphore, #tpu.memory_space<semaphore_mem>>, %arg15: memref<!tpu.dma_semaphore, #tpu.memory_space<semaphore_mem>>, %arg16: memref<!tpu.dma_semaphore, #tpu.memory_space<semaphore_mem>>, %arg17: memref<!tpu.dma_semaphore, #tpu.memory_space<semaphore_mem>>) attributes {dimension_semantics = [#tpu.dimension_semantics<core_parallel>, #tpu.dimension_semantics<subcore_parallel>], iteration_bounds = array<i64: 2, 16>, scalar_prefetch = 0 : i64, scratch_operands = 11 : i64, tpu.core_type = #tpu.core_type<sc_vector_subcore>, window_params = [{transform_indices = #map}, {transform_indices = #map1}, {transform_indices = #map1}, {transform_indices = #map}, {transform_indices = #map}]} {
    %eq3A = arith.constant 0 : i32
    %eq3A_0 = arith.cmpi eq, %arg0, %eq3A : i32
    %mul3A = arith.constant 13120 : i32
    %mul3A_1 = arith.muli %arg1, %mul3A : i32
    %mul3A_2 = arith.constant 7040 : i32
    %mul3A_3 = arith.muli %arg1, %mul3A_2 : i32
    %add3A = arith.constant 209920 : i32
    %add3A_4 = arith.addi %add3A, %mul3A_3 : i32
    %select_n3A = arith.select %eq3A_0, %mul3A_1, %add3A_4 : i32
    %eq3A_5 = arith.constant 0 : i32
    %eq3A_6 = arith.cmpi eq, %arg0, %eq3A_5 : i32
    %jit3A = arith.constant 164 : i32
    %jit3A_7 = arith.constant 88 : i32
    %select_n3A_8 = arith.select %eq3A_6, %jit3A, %jit3A_7 : i32
    %dma_start3A = tpu.memref_slice %arg3[%select_n3A] : memref<322560xi32, #tpu.memory_space<hbm>> -> memref<80xi32, #tpu.memory_space<hbm>>
    %dma_start3A_9 = tpu.memref_slice %arg3[%select_n3A] : memref<322560xi32, #tpu.memory_space<hbm>> -> memref<80xi32, #tpu.memory_space<hbm>>
    tpu.enqueue_dma source(%dma_start3A_9 : memref<80xi32, #tpu.memory_space<hbm>>) target(%arg7 : memref<80xi32, #tpu.memory_space<vmem>>) target_semaphore(%arg14 : memref<!tpu.dma_semaphore, #tpu.memory_space<semaphore_mem>>)
    %dma_start3A_10 = tpu.memref_slice %arg4[%select_n3A] : memref<322560xi32, #tpu.memory_space<hbm>> -> memref<80xi32, #tpu.memory_space<hbm>>
    %dma_start3A_11 = tpu.memref_slice %arg4[%select_n3A] : memref<322560xi32, #tpu.memory_space<hbm>> -> memref<80xi32, #tpu.memory_space<hbm>>
    tpu.enqueue_dma source(%dma_start3A_11 : memref<80xi32, #tpu.memory_space<hbm>>) target(%arg8 : memref<80xi32, #tpu.memory_space<vmem>>) target_semaphore(%arg14 : memref<!tpu.dma_semaphore, #tpu.memory_space<semaphore_mem>>)
    %dma_wait3A = tpu.memref_slice %arg3[%select_n3A] : memref<322560xi32, #tpu.memory_space<hbm>> -> memref<80xi32, #tpu.memory_space<hbm>>
    %dma_wait3A_12 = tpu.memref_slice %arg3[%select_n3A] : memref<322560xi32, #tpu.memory_space<hbm>> -> memref<80xi32, #tpu.memory_space<hbm>>
    tpu.wait_dma2 semaphore(%arg14 : memref<!tpu.dma_semaphore, #tpu.memory_space<semaphore_mem>>) src(%dma_wait3A_12 : memref<80xi32, #tpu.memory_space<hbm>>) dst(%arg7 : memref<80xi32, #tpu.memory_space<vmem>>)
    %dma_wait3A_13 = tpu.memref_slice %arg4[%select_n3A] : memref<322560xi32, #tpu.memory_space<hbm>> -> memref<80xi32, #tpu.memory_space<hbm>>
    %dma_wait3A_14 = tpu.memref_slice %arg4[%select_n3A] : memref<322560xi32, #tpu.memory_space<hbm>> -> memref<80xi32, #tpu.memory_space<hbm>>
    tpu.wait_dma2 semaphore(%arg14 : memref<!tpu.dma_semaphore, #tpu.memory_space<semaphore_mem>>) src(%dma_wait3A_14 : memref<80xi32, #tpu.memory_space<hbm>>) dst(%arg8 : memref<80xi32, #tpu.memory_space<vmem>>)
    %dma_start3A_15 = arith.constant 0 : i32
    %dma_start3A_16 = arith.constant 0 : i32
    %dma_start3A_17 = tpu.memref_slice %arg2[%dma_start3A_15, %dma_start3A_16] : memref<10000x128xf32, #tpu.memory_space<hbm>> -> memref<10000x128xf32, #tpu.memory_space<hbm>>
    tpu.enqueue_indirect_dma source(%dma_start3A_17 : memref<10000x128xf32, #tpu.memory_space<hbm>>) target(%arg11 : memref<80x128xf32, #tpu.memory_space<vmem>>) offsets(%arg7 : memref<80xi32, #tpu.memory_space<vmem>>) semaphore(%arg16 : memref<!tpu.dma_semaphore, #tpu.memory_space<semaphore_mem>>)
    %add3A_18 = arith.constant 80 : i32
    %add3A_19 = arith.addi %select_n3A, %add3A_18 : i32
    %dma_start3A_20 = tpu.memref_slice %arg3[%add3A_19] : memref<322560xi32, #tpu.memory_space<hbm>> -> memref<80xi32, #tpu.memory_space<hbm>>
    %dma_start3A_21 = tpu.memref_slice %arg3[%add3A_19] : memref<322560xi32, #tpu.memory_space<hbm>> -> memref<80xi32, #tpu.memory_space<hbm>>
    tpu.enqueue_dma source(%dma_start3A_21 : memref<80xi32, #tpu.memory_space<hbm>>) target(%arg9 : memref<80xi32, #tpu.memory_space<vmem>>) target_semaphore(%arg15 : memref<!tpu.dma_semaphore, #tpu.memory_space<semaphore_mem>>)
    %dma_start3A_22 = tpu.memref_slice %arg4[%add3A_19] : memref<322560xi32, #tpu.memory_space<hbm>> -> memref<80xi32, #tpu.memory_space<hbm>>
    %dma_start3A_23 = tpu.memref_slice %arg4[%add3A_19] : memref<322560xi32, #tpu.memory_space<hbm>> -> memref<80xi32, #tpu.memory_space<hbm>>
    tpu.enqueue_dma source(%dma_start3A_23 : memref<80xi32, #tpu.memory_space<hbm>>) target(%arg10 : memref<80xi32, #tpu.memory_space<vmem>>) target_semaphore(%arg15 : memref<!tpu.dma_semaphore, #tpu.memory_space<semaphore_mem>>)
    %lt3A = arith.constant 10 : i32
    %lt3A_24 = arith.cmpi slt, %arg1, %lt3A : i32
    %convert_element_type3A = arith.extui %lt3A_24 : i1 to i32
    %cond3A = arith.constant 0 : i32
    %cond3A_25 = arith.cmpi ne, %convert_element_type3A, %cond3A : i32
    scf.if %cond3A_25 {
      %mul3A_68 = arith.constant 10000 : i32
      %mul3A_69 = arith.muli %arg0, %mul3A_68 : i32
      %mul3A_70 = arith.constant 1000 : i32
      %mul3A_71 = arith.muli %arg1, %mul3A_70 : i32
      %add3A_72 = arith.addi %mul3A_69, %mul3A_71 : i32
      %mul3A_73 = arith.constant 1000 : i32
      %mul3A_74 = arith.muli %arg1, %mul3A_73 : i32
      "tpu.region"() ({
        %run_scoped3A = tpu.sem_alloc : memref<!tpu.dma_semaphore, #tpu.memory_space<semaphore_mem>>
        %dma_start3A_75 = arith.constant 0 : i32
        %dma_start3A_76 = tpu.memref_slice %arg13[%mul3A_74, %dma_start3A_75] : memref<10008x128xf32, #tpu.memory_space<vmem_shared>> -> memref<1000x128xf32, #tpu.memory_space<vmem_shared>>
        %dma_start3A_77 = arith.constant 0 : i32
        %dma_start3A_78 = tpu.memref_slice %arg5[%add3A_72, %dma_start3A_77] : memref<20000x128xf32, #tpu.memory_space<hbm>> -> memref<1000x128xf32, #tpu.memory_space<hbm>>
        tpu.enqueue_dma source(%dma_start3A_78 : memref<1000x128xf32, #tpu.memory_space<hbm>>) target(%dma_start3A_76 : memref<1000x128xf32, #tpu.memory_space<vmem_shared>>) target_semaphore(%run_scoped3A : memref<!tpu.dma_semaphore, #tpu.memory_space<semaphore_mem>>)
        %dma_wait3A_79 = arith.constant 0 : i32
        %dma_wait3A_80 = tpu.memref_slice %arg13[%mul3A_74, %dma_wait3A_79] : memref<10008x128xf32, #tpu.memory_space<vmem_shared>> -> memref<1000x128xf32, #tpu.memory_space<vmem_shared>>
        %dma_wait3A_81 = arith.constant 0 : i32
        %dma_wait3A_82 = tpu.memref_slice %arg5[%add3A_72, %dma_wait3A_81] : memref<20000x128xf32, #tpu.memory_space<hbm>> -> memref<1000x128xf32, #tpu.memory_space<hbm>>
        tpu.wait_dma2 semaphore(%run_scoped3A : memref<!tpu.dma_semaphore, #tpu.memory_space<semaphore_mem>>) src(%dma_wait3A_82 : memref<1000x128xf32, #tpu.memory_space<hbm>>) dst(%dma_wait3A_80 : memref<1000x128xf32, #tpu.memory_space<vmem_shared>>)
        tpu.yield
      }) : () -> ()
    } else {
    }
    %barrier3A = arith.constant 0 : index
    tpu.barrier barrier_id(%barrier3A)
    %jit3A_26 = arith.constant 2 : i32
    %div3A = arith.divsi %select_n3A_8, %jit3A_26 : i32
    %sign3A = arith.constant 0 : i32
    %sign3A_27 = arith.cmpi sgt, %select_n3A_8, %sign3A : i32
    %sign3A_28 = arith.extui %sign3A_27 : i1 to i32
    %sign3A_29 = arith.constant 0 : i32
    %sign3A_30 = arith.cmpi slt, %select_n3A_8, %sign3A_29 : i32
    %sign3A_31 = arith.extui %sign3A_30 : i1 to i32
    %sign3A_32 = arith.subi %sign3A_28, %sign3A_31 : i32
    %sign3A_33 = arith.constant 0 : i32
    %sign3A_34 = arith.cmpi sgt, %jit3A_26, %sign3A_33 : i32
    %sign3A_35 = arith.extui %sign3A_34 : i1 to i32
    %sign3A_36 = arith.constant 0 : i32
    %sign3A_37 = arith.cmpi slt, %jit3A_26, %sign3A_36 : i32
    %sign3A_38 = arith.extui %sign3A_37 : i1 to i32
    %sign3A_39 = arith.subi %sign3A_35, %sign3A_38 : i32
    %ne3A = arith.cmpi ne, %sign3A_32, %sign3A_39 : i32
    %rem3A = arith.remsi %select_n3A_8, %jit3A_26 : i32
    %ne3A_40 = arith.constant 0 : i32
    %ne3A_41 = arith.cmpi ne, %rem3A, %ne3A_40 : i32
    %and3A = arith.andi %ne3A, %ne3A_41 : i1
    %sub3A = arith.constant 1 : i32
    %sub3A_42 = arith.subi %div3A, %sub3A : i32
    %select_n3A_43 = arith.select %and3A, %sub3A_42, %div3A : i32
    %sub3A_44 = arith.constant 0 : i32
    %sub3A_45 = arith.subi %select_n3A_43, %sub3A_44 : i32
    %sub3A_46 = arith.constant 1 : i32
    %sub3A_47 = arith.constant 1 : i32
    %sub3A_48 = arith.subi %sub3A_46, %sub3A_47 : i32
    %add3A_49 = arith.addi %sub3A_45, %sub3A_48 : i32
    %div3A_50 = arith.constant 1 : i32
    %div3A_51 = arith.divsi %add3A_49, %div3A_50 : i32
    %while3A = arith.constant 1 : i32
    %while3A_52 = arith.constant 0 : i32
    %while3A_53 = arith.constant 0 : i32
    %while3A_54 = arith.subi %div3A_51, %while3A_53 : i32
    %while3A_55 = arith.addi %while3A_53, %while3A_54 : i32
    %while3A_56 = arith.constant 1 : i32
    %while3A_57 = arith.divsi %while3A_54, %while3A_56 : i32
    %while3A_58 = arith.muli %while3A_57, %while3A_56 : i32
    %while3A_59 = arith.addi %while3A_53, %while3A_58 : i32
    %while3A_60 = arith.constant 1 : i32
    scf.for %while3A_68 = %while3A_53 to %while3A_59 step %while3A_60  : i32 {
      %mul3A_69 = arith.muli %while3A_68, %while3A : i32
      %add3A_70 = arith.addi %while3A_52, %mul3A_69 : i32
      %mul3A_71 = arith.constant 2 : i32
      %mul3A_72 = arith.muli %mul3A_71, %add3A_70 : i32
      %mul3A_73 = arith.constant 80 : i32
      %mul3A_74 = arith.muli %mul3A_72, %mul3A_73 : i32
      %add3A_75 = arith.addi %select_n3A, %mul3A_74 : i32
      %add3A_76 = arith.constant 80 : i32
      %add3A_77 = arith.addi %add3A_75, %add3A_76 : i32
      %dma_wait3A_78 = tpu.memref_slice %arg3[%add3A_77] : memref<322560xi32, #tpu.memory_space<hbm>> -> memref<80xi32, #tpu.memory_space<hbm>>
      %dma_wait3A_79 = tpu.memref_slice %arg3[%add3A_77] : memref<322560xi32, #tpu.memory_space<hbm>> -> memref<80xi32, #tpu.memory_space<hbm>>
      tpu.wait_dma2 semaphore(%arg15 : memref<!tpu.dma_semaphore, #tpu.memory_space<semaphore_mem>>) src(%dma_wait3A_79 : memref<80xi32, #tpu.memory_space<hbm>>) dst(%arg9 : memref<80xi32, #tpu.memory_space<vmem>>)
      %dma_wait3A_80 = tpu.memref_slice %arg4[%add3A_77] : memref<322560xi32, #tpu.memory_space<hbm>> -> memref<80xi32, #tpu.memory_space<hbm>>
      %dma_wait3A_81 = tpu.memref_slice %arg4[%add3A_77] : memref<322560xi32, #tpu.memory_space<hbm>> -> memref<80xi32, #tpu.memory_space<hbm>>
      tpu.wait_dma2 semaphore(%arg15 : memref<!tpu.dma_semaphore, #tpu.memory_space<semaphore_mem>>) src(%dma_wait3A_81 : memref<80xi32, #tpu.memory_space<hbm>>) dst(%arg10 : memref<80xi32, #tpu.memory_space<vmem>>)
      %dma_start3A_82 = arith.constant 0 : i32
      %dma_start3A_83 = arith.constant 0 : i32
      %dma_start3A_84 = tpu.memref_slice %arg2[%dma_start3A_82, %dma_start3A_83] : memref<10000x128xf32, #tpu.memory_space<hbm>> -> memref<10000x128xf32, #tpu.memory_space<hbm>>
      tpu.enqueue_indirect_dma source(%dma_start3A_84 : memref<10000x128xf32, #tpu.memory_space<hbm>>) target(%arg12 : memref<80x128xf32, #tpu.memory_space<vmem>>) offsets(%arg9 : memref<80xi32, #tpu.memory_space<vmem>>) semaphore(%arg17 : memref<!tpu.dma_semaphore, #tpu.memory_space<semaphore_mem>>)
      %dma_wait3A_85 = arith.constant 0 : i32
      %dma_wait3A_86 = arith.constant 0 : i32
      %dma_wait3A_87 = tpu.memref_slice %arg2[%dma_wait3A_85, %dma_wait3A_86] : memref<10000x128xf32, #tpu.memory_space<hbm>> -> memref<10000x128xf32, #tpu.memory_space<hbm>>
      tpu.wait_indirect_dma semaphore(%arg16 : memref<!tpu.dma_semaphore, #tpu.memory_space<semaphore_mem>>) src(%dma_wait3A_87 : memref<10000x128xf32, #tpu.memory_space<hbm>>) dst(%arg11 : memref<80x128xf32, #tpu.memory_space<vmem>>)
      "tpu.region"() ({
        %run_scoped3A = tpu.sem_alloc : memref<!tpu.dma_semaphore, #tpu.memory_space<semaphore_mem>>
        %dma_start3A_115 = arith.constant 0 : i32
        %dma_start3A_116 = arith.constant 0 : i32
        %dma_start3A_117 = tpu.memref_slice %arg13[%dma_start3A_115, %dma_start3A_116] : memref<10008x128xf32, #tpu.memory_space<vmem_shared>> -> memref<10008x128xf32, #tpu.memory_space<vmem_shared>>
        tpu.enqueue_indirect_dma source(%arg11 : memref<80x128xf32, #tpu.memory_space<vmem>>) target(%dma_start3A_117 : memref<10008x128xf32, #tpu.memory_space<vmem_shared>>) offsets(%arg8 : memref<80xi32, #tpu.memory_space<vmem>>) semaphore(%run_scoped3A : memref<!tpu.dma_semaphore, #tpu.memory_space<semaphore_mem>>) {add = true}
        %dma_wait3A_118 = arith.constant 0 : i32
        %dma_wait3A_119 = arith.constant 0 : i32
        %dma_wait3A_120 = tpu.memref_slice %arg13[%dma_wait3A_118, %dma_wait3A_119] : memref<10008x128xf32, #tpu.memory_space<vmem_shared>> -> memref<10008x128xf32, #tpu.memory_space<vmem_shared>>
        tpu.wait_indirect_dma semaphore(%run_scoped3A : memref<!tpu.dma_semaphore, #tpu.memory_space<semaphore_mem>>) src(%arg11 : memref<80x128xf32, #tpu.memory_space<vmem>>) dst(%dma_wait3A_120 : memref<10008x128xf32, #tpu.memory_space<vmem_shared>>)
        tpu.yield
      }) : () -> ()
      %mul3A_88 = arith.constant 2 : i32
      %mul3A_89 = arith.muli %mul3A_88, %add3A_70 : i32
      %add3A_90 = arith.constant 2 : i32
      %add3A_91 = arith.addi %mul3A_89, %add3A_90 : i32
      %lt3A_92 = arith.cmpi slt, %add3A_91, %select_n3A_8 : i32
      %convert_element_type3A_93 = arith.extui %lt3A_92 : i1 to i32
      %cond3A_94 = arith.constant 0 : i32
      %cond3A_95 = arith.cmpi ne, %convert_element_type3A_93, %cond3A_94 : i32
      scf.if %cond3A_95 {
        %add3A_115 = arith.constant 160 : i32
        %add3A_116 = arith.addi %add3A_75, %add3A_115 : i32
        %dma_start3A_117 = tpu.memref_slice %arg3[%add3A_116] : memref<322560xi32, #tpu.memory_space<hbm>> -> memref<80xi32, #tpu.memory_space<hbm>>
        %dma_start3A_118 = tpu.memref_slice %arg3[%add3A_116] : memref<322560xi32, #tpu.memory_space<hbm>> -> memref<80xi32, #tpu.memory_space<hbm>>
        tpu.enqueue_dma source(%dma_start3A_118 : memref<80xi32, #tpu.memory_space<hbm>>) target(%arg7 : memref<80xi32, #tpu.memory_space<vmem>>) target_semaphore(%arg14 : memref<!tpu.dma_semaphore, #tpu.memory_space<semaphore_mem>>)
        %dma_start3A_119 = tpu.memref_slice %arg4[%add3A_116] : memref<322560xi32, #tpu.memory_space<hbm>> -> memref<80xi32, #tpu.memory_space<hbm>>
        %dma_start3A_120 = tpu.memref_slice %arg4[%add3A_116] : memref<322560xi32, #tpu.memory_space<hbm>> -> memref<80xi32, #tpu.memory_space<hbm>>
        tpu.enqueue_dma source(%dma_start3A_120 : memref<80xi32, #tpu.memory_space<hbm>>) target(%arg8 : memref<80xi32, #tpu.memory_space<vmem>>) target_semaphore(%arg14 : memref<!tpu.dma_semaphore, #tpu.memory_space<semaphore_mem>>)
      } else {
      }
      %dma_wait3A_96 = arith.constant 0 : i32
      %dma_wait3A_97 = arith.constant 0 : i32
      %dma_wait3A_98 = tpu.memref_slice %arg2[%dma_wait3A_96, %dma_wait3A_97] : memref<10000x128xf32, #tpu.memory_space<hbm>> -> memref<10000x128xf32, #tpu.memory_space<hbm>>
      tpu.wait_indirect_dma semaphore(%arg17 : memref<!tpu.dma_semaphore, #tpu.memory_space<semaphore_mem>>) src(%dma_wait3A_98 : memref<10000x128xf32, #tpu.memory_space<hbm>>) dst(%arg12 : memref<80x128xf32, #tpu.memory_space<vmem>>)
      "tpu.region"() ({
        %run_scoped3A = tpu.sem_alloc : memref<!tpu.dma_semaphore, #tpu.memory_space<semaphore_mem>>
        %dma_start3A_115 = arith.constant 0 : i32
        %dma_start3A_116 = arith.constant 0 : i32
        %dma_start3A_117 = tpu.memref_slice %arg13[%dma_start3A_115, %dma_start3A_116] : memref<10008x128xf32, #tpu.memory_space<vmem_shared>> -> memref<10008x128xf32, #tpu.memory_space<vmem_shared>>
        tpu.enqueue_indirect_dma source(%arg12 : memref<80x128xf32, #tpu.memory_space<vmem>>) target(%dma_start3A_117 : memref<10008x128xf32, #tpu.memory_space<vmem_shared>>) offsets(%arg10 : memref<80xi32, #tpu.memory_space<vmem>>) semaphore(%run_scoped3A : memref<!tpu.dma_semaphore, #tpu.memory_space<semaphore_mem>>) {add = true}
        %dma_wait3A_118 = arith.constant 0 : i32
        %dma_wait3A_119 = arith.constant 0 : i32
        %dma_wait3A_120 = tpu.memref_slice %arg13[%dma_wait3A_118, %dma_wait3A_119] : memref<10008x128xf32, #tpu.memory_space<vmem_shared>> -> memref<10008x128xf32, #tpu.memory_space<vmem_shared>>
        tpu.wait_indirect_dma semaphore(%run_scoped3A : memref<!tpu.dma_semaphore, #tpu.memory_space<semaphore_mem>>) src(%arg12 : memref<80x128xf32, #tpu.memory_space<vmem>>) dst(%dma_wait3A_120 : memref<10008x128xf32, #tpu.memory_space<vmem_shared>>)
        tpu.yield
      }) : () -> ()
      %mul3A_99 = arith.constant 2 : i32
      %mul3A_100 = arith.muli %mul3A_99, %add3A_70 : i32
      %add3A_101 = arith.constant 3 : i32
      %add3A_102 = arith.addi %mul3A_100, %add3A_101 : i32
      %lt3A_103 = arith.cmpi slt, %add3A_102, %select_n3A_8 : i32
      %convert_element_type3A_104 = arith.extui %lt3A_103 : i1 to i32
      %cond3A_105 = arith.constant 0 : i32
      %cond3A_106 = arith.cmpi ne, %convert_element_type3A_104, %cond3A_105 : i32
      scf.if %cond3A_106 {
        %add3A_115 = arith.constant 160 : i32
        %add3A_116 = arith.addi %add3A_77, %add3A_115 : i32
        %dma_start3A_117 = tpu.memref_slice %arg3[%add3A_116] : memref<322560xi32, #tpu.memory_space<hbm>> -> memref<80xi32, #tpu.memory_space<hbm>>
        %dma_start3A_118 = tpu.memref_slice %arg3[%add3A_116] : memref<322560xi32, #tpu.memory_space<hbm>> -> memref<80xi32, #tpu.memory_space<hbm>>
        tpu.enqueue_dma source(%dma_start3A_118 : memref<80xi32, #tpu.memory_space<hbm>>) target(%arg9 : memref<80xi32, #tpu.memory_space<vmem>>) target_semaphore(%arg15 : memref<!tpu.dma_semaphore, #tpu.memory_space<semaphore_mem>>)
        %dma_start3A_119 = tpu.memref_slice %arg4[%add3A_116] : memref<322560xi32, #tpu.memory_space<hbm>> -> memref<80xi32, #tpu.memory_space<hbm>>
        %dma_start3A_120 = tpu.memref_slice %arg4[%add3A_116] : memref<322560xi32, #tpu.memory_space<hbm>> -> memref<80xi32, #tpu.memory_space<hbm>>
        tpu.enqueue_dma source(%dma_start3A_120 : memref<80xi32, #tpu.memory_space<hbm>>) target(%arg10 : memref<80xi32, #tpu.memory_space<vmem>>) target_semaphore(%arg15 : memref<!tpu.dma_semaphore, #tpu.memory_space<semaphore_mem>>)
      } else {
      }
      %mul3A_107 = arith.constant 2 : i32
      %mul3A_108 = arith.muli %mul3A_107, %add3A_70 : i32
      %add3A_109 = arith.constant 2 : i32
      %add3A_110 = arith.addi %mul3A_108, %add3A_109 : i32
      %lt3A_111 = arith.cmpi slt, %add3A_110, %select_n3A_8 : i32
      %convert_element_type3A_112 = arith.extui %lt3A_111 : i1 to i32
      %cond3A_113 = arith.constant 0 : i32
      %cond3A_114 = arith.cmpi ne, %convert_element_type3A_112, %cond3A_113 : i32
      scf.if %cond3A_114 {
        %add3A_115 = arith.constant 160 : i32
        %add3A_116 = arith.addi %add3A_75, %add3A_115 : i32
        %dma_wait3A_117 = tpu.memref_slice %arg3[%add3A_116] : memref<322560xi32, #tpu.memory_space<hbm>> -> memref<80xi32, #tpu.memory_space<hbm>>
        %dma_wait3A_118 = tpu.memref_slice %arg3[%add3A_116] : memref<322560xi32, #tpu.memory_space<hbm>> -> memref<80xi32, #tpu.memory_space<hbm>>
        tpu.wait_dma2 semaphore(%arg14 : memref<!tpu.dma_semaphore, #tpu.memory_space<semaphore_mem>>) src(%dma_wait3A_118 : memref<80xi32, #tpu.memory_space<hbm>>) dst(%arg7 : memref<80xi32, #tpu.memory_space<vmem>>)
        %dma_wait3A_119 = tpu.memref_slice %arg4[%add3A_116] : memref<322560xi32, #tpu.memory_space<hbm>> -> memref<80xi32, #tpu.memory_space<hbm>>
        %dma_wait3A_120 = tpu.memref_slice %arg4[%add3A_116] : memref<322560xi32, #tpu.memory_space<hbm>> -> memref<80xi32, #tpu.memory_space<hbm>>
        tpu.wait_dma2 semaphore(%arg14 : memref<!tpu.dma_semaphore, #tpu.memory_space<semaphore_mem>>) src(%dma_wait3A_120 : memref<80xi32, #tpu.memory_space<hbm>>) dst(%arg8 : memref<80xi32, #tpu.memory_space<vmem>>)
        %dma_start3A_121 = arith.constant 0 : i32
        %dma_start3A_122 = arith.constant 0 : i32
        %dma_start3A_123 = tpu.memref_slice %arg2[%dma_start3A_121, %dma_start3A_122] : memref<10000x128xf32, #tpu.memory_space<hbm>> -> memref<10000x128xf32, #tpu.memory_space<hbm>>
        tpu.enqueue_indirect_dma source(%dma_start3A_123 : memref<10000x128xf32, #tpu.memory_space<hbm>>) target(%arg11 : memref<80x128xf32, #tpu.memory_space<vmem>>) offsets(%arg7 : memref<80xi32, #tpu.memory_space<vmem>>) semaphore(%arg16 : memref<!tpu.dma_semaphore, #tpu.memory_space<semaphore_mem>>)
      } else {
      }
    }
    %while3A_61 = arith.constant 1 : i32
    scf.for %while3A_68 = %while3A_59 to %while3A_55 step %while3A_61  : i32 {
      %mul3A_69 = arith.muli %while3A_68, %while3A : i32
      %add3A_70 = arith.addi %while3A_52, %mul3A_69 : i32
      %mul3A_71 = arith.constant 2 : i32
      %mul3A_72 = arith.muli %mul3A_71, %add3A_70 : i32
      %mul3A_73 = arith.constant 80 : i32
      %mul3A_74 = arith.muli %mul3A_72, %mul3A_73 : i32
      %add3A_75 = arith.addi %select_n3A, %mul3A_74 : i32
      %add3A_76 = arith.constant 80 : i32
      %add3A_77 = arith.addi %add3A_75, %add3A_76 : i32
      %dma_wait3A_78 = tpu.memref_slice %arg3[%add3A_77] : memref<322560xi32, #tpu.memory_space<hbm>> -> memref<80xi32, #tpu.memory_space<hbm>>
      %dma_wait3A_79 = tpu.memref_slice %arg3[%add3A_77] : memref<322560xi32, #tpu.memory_space<hbm>> -> memref<80xi32, #tpu.memory_space<hbm>>
      tpu.wait_dma2 semaphore(%arg15 : memref<!tpu.dma_semaphore, #tpu.memory_space<semaphore_mem>>) src(%dma_wait3A_79 : memref<80xi32, #tpu.memory_space<hbm>>) dst(%arg9 : memref<80xi32, #tpu.memory_space<vmem>>)
      %dma_wait3A_80 = tpu.memref_slice %arg4[%add3A_77] : memref<322560xi32, #tpu.memory_space<hbm>> -> memref<80xi32, #tpu.memory_space<hbm>>
      %dma_wait3A_81 = tpu.memref_slice %arg4[%add3A_77] : memref<322560xi32, #tpu.memory_space<hbm>> -> memref<80xi32, #tpu.memory_space<hbm>>
      tpu.wait_dma2 semaphore(%arg15 : memref<!tpu.dma_semaphore, #tpu.memory_space<semaphore_mem>>) src(%dma_wait3A_81 : memref<80xi32, #tpu.memory_space<hbm>>) dst(%arg10 : memref<80xi32, #tpu.memory_space<vmem>>)
      %dma_start3A_82 = arith.constant 0 : i32
      %dma_start3A_83 = arith.constant 0 : i32
      %dma_start3A_84 = tpu.memref_slice %arg2[%dma_start3A_82, %dma_start3A_83] : memref<10000x128xf32, #tpu.memory_space<hbm>> -> memref<10000x128xf32, #tpu.memory_space<hbm>>
      tpu.enqueue_indirect_dma source(%dma_start3A_84 : memref<10000x128xf32, #tpu.memory_space<hbm>>) target(%arg12 : memref<80x128xf32, #tpu.memory_space<vmem>>) offsets(%arg9 : memref<80xi32, #tpu.memory_space<vmem>>) semaphore(%arg17 : memref<!tpu.dma_semaphore, #tpu.memory_space<semaphore_mem>>)
      %dma_wait3A_85 = arith.constant 0 : i32
      %dma_wait3A_86 = arith.constant 0 : i32
      %dma_wait3A_87 = tpu.memref_slice %arg2[%dma_wait3A_85, %dma_wait3A_86] : memref<10000x128xf32, #tpu.memory_space<hbm>> -> memref<10000x128xf32, #tpu.memory_space<hbm>>
      tpu.wait_indirect_dma semaphore(%arg16 : memref<!tpu.dma_semaphore, #tpu.memory_space<semaphore_mem>>) src(%dma_wait3A_87 : memref<10000x128xf32, #tpu.memory_space<hbm>>) dst(%arg11 : memref<80x128xf32, #tpu.memory_space<vmem>>)
      "tpu.region"() ({
        %run_scoped3A = tpu.sem_alloc : memref<!tpu.dma_semaphore, #tpu.memory_space<semaphore_mem>>
        %dma_start3A_115 = arith.constant 0 : i32
        %dma_start3A_116 = arith.constant 0 : i32
        %dma_start3A_117 = tpu.memref_slice %arg13[%dma_start3A_115, %dma_start3A_116] : memref<10008x128xf32, #tpu.memory_space<vmem_shared>> -> memref<10008x128xf32, #tpu.memory_space<vmem_shared>>
        tpu.enqueue_indirect_dma source(%arg11 : memref<80x128xf32, #tpu.memory_space<vmem>>) target(%dma_start3A_117 : memref<10008x128xf32, #tpu.memory_space<vmem_shared>>) offsets(%arg8 : memref<80xi32, #tpu.memory_space<vmem>>) semaphore(%run_scoped3A : memref<!tpu.dma_semaphore, #tpu.memory_space<semaphore_mem>>) {add = true}
        %dma_wait3A_118 = arith.constant 0 : i32
        %dma_wait3A_119 = arith.constant 0 : i32
        %dma_wait3A_120 = tpu.memref_slice %arg13[%dma_wait3A_118, %dma_wait3A_119] : memref<10008x128xf32, #tpu.memory_space<vmem_shared>> -> memref<10008x128xf32, #tpu.memory_space<vmem_shared>>
        tpu.wait_indirect_dma semaphore(%run_scoped3A : memref<!tpu.dma_semaphore, #tpu.memory_space<semaphore_mem>>) src(%arg11 : memref<80x128xf32, #tpu.memory_space<vmem>>) dst(%dma_wait3A_120 : memref<10008x128xf32, #tpu.memory_space<vmem_shared>>)
        tpu.yield
      }) : () -> ()
      %mul3A_88 = arith.constant 2 : i32
      %mul3A_89 = arith.muli %mul3A_88, %add3A_70 : i32
      %add3A_90 = arith.constant 2 : i32
      %add3A_91 = arith.addi %mul3A_89, %add3A_90 : i32
      %lt3A_92 = arith.cmpi slt, %add3A_91, %select_n3A_8 : i32
      %convert_element_type3A_93 = arith.extui %lt3A_92 : i1 to i32
      %cond3A_94 = arith.constant 0 : i32
      %cond3A_95 = arith.cmpi ne, %convert_element_type3A_93, %cond3A_94 : i32
      scf.if %cond3A_95 {
        %add3A_115 = arith.constant 160 : i32
        %add3A_116 = arith.addi %add3A_75, %add3A_115 : i32
        %dma_start3A_117 = tpu.memref_slice %arg3[%add3A_116] : memref<322560xi32, #tpu.memory_space<hbm>> -> memref<80xi32, #tpu.memory_space<hbm>>
        %dma_start3A_118 = tpu.memref_slice %arg3[%add3A_116] : memref<322560xi32, #tpu.memory_space<hbm>> -> memref<80xi32, #tpu.memory_space<hbm>>
        tpu.enqueue_dma source(%dma_start3A_118 : memref<80xi32, #tpu.memory_space<hbm>>) target(%arg7 : memref<80xi32, #tpu.memory_space<vmem>>) target_semaphore(%arg14 : memref<!tpu.dma_semaphore, #tpu.memory_space<semaphore_mem>>)
        %dma_start3A_119 = tpu.memref_slice %arg4[%add3A_116] : memref<322560xi32, #tpu.memory_space<hbm>> -> memref<80xi32, #tpu.memory_space<hbm>>
        %dma_start3A_120 = tpu.memref_slice %arg4[%add3A_116] : memref<322560xi32, #tpu.memory_space<hbm>> -> memref<80xi32, #tpu.memory_space<hbm>>
        tpu.enqueue_dma source(%dma_start3A_120 : memref<80xi32, #tpu.memory_space<hbm>>) target(%arg8 : memref<80xi32, #tpu.memory_space<vmem>>) target_semaphore(%arg14 : memref<!tpu.dma_semaphore, #tpu.memory_space<semaphore_mem>>)
      } else {
      }
      %dma_wait3A_96 = arith.constant 0 : i32
      %dma_wait3A_97 = arith.constant 0 : i32
      %dma_wait3A_98 = tpu.memref_slice %arg2[%dma_wait3A_96, %dma_wait3A_97] : memref<10000x128xf32, #tpu.memory_space<hbm>> -> memref<10000x128xf32, #tpu.memory_space<hbm>>
      tpu.wait_indirect_dma semaphore(%arg17 : memref<!tpu.dma_semaphore, #tpu.memory_space<semaphore_mem>>) src(%dma_wait3A_98 : memref<10000x128xf32, #tpu.memory_space<hbm>>) dst(%arg12 : memref<80x128xf32, #tpu.memory_space<vmem>>)
      "tpu.region"() ({
        %run_scoped3A = tpu.sem_alloc : memref<!tpu.dma_semaphore, #tpu.memory_space<semaphore_mem>>
        %dma_start3A_115 = arith.constant 0 : i32
        %dma_start3A_116 = arith.constant 0 : i32
        %dma_start3A_117 = tpu.memref_slice %arg13[%dma_start3A_115, %dma_start3A_116] : memref<10008x128xf32, #tpu.memory_space<vmem_shared>> -> memref<10008x128xf32, #tpu.memory_space<vmem_shared>>
        tpu.enqueue_indirect_dma source(%arg12 : memref<80x128xf32, #tpu.memory_space<vmem>>) target(%dma_start3A_117 : memref<10008x128xf32, #tpu.memory_space<vmem_shared>>) offsets(%arg10 : memref<80xi32, #tpu.memory_space<vmem>>) semaphore(%run_scoped3A : memref<!tpu.dma_semaphore, #tpu.memory_space<semaphore_mem>>) {add = true}
        %dma_wait3A_118 = arith.constant 0 : i32
        %dma_wait3A_119 = arith.constant 0 : i32
        %dma_wait3A_120 = tpu.memref_slice %arg13[%dma_wait3A_118, %dma_wait3A_119] : memref<10008x128xf32, #tpu.memory_space<vmem_shared>> -> memref<10008x128xf32, #tpu.memory_space<vmem_shared>>
        tpu.wait_indirect_dma semaphore(%run_scoped3A : memref<!tpu.dma_semaphore, #tpu.memory_space<semaphore_mem>>) src(%arg12 : memref<80x128xf32, #tpu.memory_space<vmem>>) dst(%dma_wait3A_120 : memref<10008x128xf32, #tpu.memory_space<vmem_shared>>)
        tpu.yield
      }) : () -> ()
      %mul3A_99 = arith.constant 2 : i32
      %mul3A_100 = arith.muli %mul3A_99, %add3A_70 : i32
      %add3A_101 = arith.constant 3 : i32
      %add3A_102 = arith.addi %mul3A_100, %add3A_101 : i32
      %lt3A_103 = arith.cmpi slt, %add3A_102, %select_n3A_8 : i32
      %convert_element_type3A_104 = arith.extui %lt3A_103 : i1 to i32
      %cond3A_105 = arith.constant 0 : i32
      %cond3A_106 = arith.cmpi ne, %convert_element_type3A_104, %cond3A_105 : i32
      scf.if %cond3A_106 {
        %add3A_115 = arith.constant 160 : i32
        %add3A_116 = arith.addi %add3A_77, %add3A_115 : i32
        %dma_start3A_117 = tpu.memref_slice %arg3[%add3A_116] : memref<322560xi32, #tpu.memory_space<hbm>> -> memref<80xi32, #tpu.memory_space<hbm>>
        %dma_start3A_118 = tpu.memref_slice %arg3[%add3A_116] : memref<322560xi32, #tpu.memory_space<hbm>> -> memref<80xi32, #tpu.memory_space<hbm>>
        tpu.enqueue_dma source(%dma_start3A_118 : memref<80xi32, #tpu.memory_space<hbm>>) target(%arg9 : memref<80xi32, #tpu.memory_space<vmem>>) target_semaphore(%arg15 : memref<!tpu.dma_semaphore, #tpu.memory_space<semaphore_mem>>)
        %dma_start3A_119 = tpu.memref_slice %arg4[%add3A_116] : memref<322560xi32, #tpu.memory_space<hbm>> -> memref<80xi32, #tpu.memory_space<hbm>>
        %dma_start3A_120 = tpu.memref_slice %arg4[%add3A_116] : memref<322560xi32, #tpu.memory_space<hbm>> -> memref<80xi32, #tpu.memory_space<hbm>>
        tpu.enqueue_dma source(%dma_start3A_120 : memref<80xi32, #tpu.memory_space<hbm>>) target(%arg10 : memref<80xi32, #tpu.memory_space<vmem>>) target_semaphore(%arg15 : memref<!tpu.dma_semaphore, #tpu.memory_space<semaphore_mem>>)
      } else {
      }
      %mul3A_107 = arith.constant 2 : i32
      %mul3A_108 = arith.muli %mul3A_107, %add3A_70 : i32
      %add3A_109 = arith.constant 2 : i32
      %add3A_110 = arith.addi %mul3A_108, %add3A_109 : i32
      %lt3A_111 = arith.cmpi slt, %add3A_110, %select_n3A_8 : i32
      %convert_element_type3A_112 = arith.extui %lt3A_111 : i1 to i32
      %cond3A_113 = arith.constant 0 : i32
      %cond3A_114 = arith.cmpi ne, %convert_element_type3A_112, %cond3A_113 : i32
      scf.if %cond3A_114 {
        %add3A_115 = arith.constant 160 : i32
        %add3A_116 = arith.addi %add3A_75, %add3A_115 : i32
        %dma_wait3A_117 = tpu.memref_slice %arg3[%add3A_116] : memref<322560xi32, #tpu.memory_space<hbm>> -> memref<80xi32, #tpu.memory_space<hbm>>
        %dma_wait3A_118 = tpu.memref_slice %arg3[%add3A_116] : memref<322560xi32, #tpu.memory_space<hbm>> -> memref<80xi32, #tpu.memory_space<hbm>>
        tpu.wait_dma2 semaphore(%arg14 : memref<!tpu.dma_semaphore, #tpu.memory_space<semaphore_mem>>) src(%dma_wait3A_118 : memref<80xi32, #tpu.memory_space<hbm>>) dst(%arg7 : memref<80xi32, #tpu.memory_space<vmem>>)
        %dma_wait3A_119 = tpu.memref_slice %arg4[%add3A_116] : memref<322560xi32, #tpu.memory_space<hbm>> -> memref<80xi32, #tpu.memory_space<hbm>>
        %dma_wait3A_120 = tpu.memref_slice %arg4[%add3A_116] : memref<322560xi32, #tpu.memory_space<hbm>> -> memref<80xi32, #tpu.memory_space<hbm>>
        tpu.wait_dma2 semaphore(%arg14 : memref<!tpu.dma_semaphore, #tpu.memory_space<semaphore_mem>>) src(%dma_wait3A_120 : memref<80xi32, #tpu.memory_space<hbm>>) dst(%arg8 : memref<80xi32, #tpu.memory_space<vmem>>)
        %dma_start3A_121 = arith.constant 0 : i32
        %dma_start3A_122 = arith.constant 0 : i32
        %dma_start3A_123 = tpu.memref_slice %arg2[%dma_start3A_121, %dma_start3A_122] : memref<10000x128xf32, #tpu.memory_space<hbm>> -> memref<10000x128xf32, #tpu.memory_space<hbm>>
        tpu.enqueue_indirect_dma source(%dma_start3A_123 : memref<10000x128xf32, #tpu.memory_space<hbm>>) target(%arg11 : memref<80x128xf32, #tpu.memory_space<vmem>>) offsets(%arg7 : memref<80xi32, #tpu.memory_space<vmem>>) semaphore(%arg16 : memref<!tpu.dma_semaphore, #tpu.memory_space<semaphore_mem>>)
      } else {
      }
    }
    %barrier3A_62 = arith.constant 0 : index
    tpu.barrier barrier_id(%barrier3A_62)
    %lt3A_63 = arith.constant 10 : i32
    %lt3A_64 = arith.cmpi slt, %arg1, %lt3A_63 : i32
    %convert_element_type3A_65 = arith.extui %lt3A_64 : i1 to i32
    %cond3A_66 = arith.constant 0 : i32
    %cond3A_67 = arith.cmpi ne, %convert_element_type3A_65, %cond3A_66 : i32
    scf.if %cond3A_67 {
      %mul3A_68 = arith.constant 1000 : i32
      %mul3A_69 = arith.muli %arg1, %mul3A_68 : i32
      %mul3A_70 = arith.constant 10000 : i32
      %mul3A_71 = arith.muli %arg0, %mul3A_70 : i32
      %mul3A_72 = arith.constant 1000 : i32
      %mul3A_73 = arith.muli %arg1, %mul3A_72 : i32
      %add3A_74 = arith.addi %mul3A_71, %mul3A_73 : i32
      "tpu.region"() ({
        %run_scoped3A = tpu.sem_alloc : memref<!tpu.dma_semaphore, #tpu.memory_space<semaphore_mem>>
        %dma_start3A_75 = arith.constant 0 : i32
        %dma_start3A_76 = tpu.memref_slice %arg6[%add3A_74, %dma_start3A_75] : memref<20000x128xf32, #tpu.memory_space<hbm>> -> memref<1000x128xf32, #tpu.memory_space<hbm>>
        %dma_start3A_77 = arith.constant 0 : i32
        %dma_start3A_78 = tpu.memref_slice %arg13[%mul3A_69, %dma_start3A_77] : memref<10008x128xf32, #tpu.memory_space<vmem_shared>> -> memref<1000x128xf32, #tpu.memory_space<vmem_shared>>
        tpu.enqueue_dma source(%dma_start3A_78 : memref<1000x128xf32, #tpu.memory_space<vmem_shared>>) target(%dma_start3A_76 : memref<1000x128xf32, #tpu.memory_space<hbm>>) target_semaphore(%run_scoped3A : memref<!tpu.dma_semaphore, #tpu.memory_space<semaphore_mem>>)
        %dma_wait3A_79 = arith.constant 0 : i32
        %dma_wait3A_80 = tpu.memref_slice %arg6[%add3A_74, %dma_wait3A_79] : memref<20000x128xf32, #tpu.memory_space<hbm>> -> memref<1000x128xf32, #tpu.memory_space<hbm>>
        %dma_wait3A_81 = arith.constant 0 : i32
        %dma_wait3A_82 = tpu.memref_slice %arg13[%mul3A_69, %dma_wait3A_81] : memref<10008x128xf32, #tpu.memory_space<vmem_shared>> -> memref<1000x128xf32, #tpu.memory_space<vmem_shared>>
        tpu.wait_dma2 semaphore(%run_scoped3A : memref<!tpu.dma_semaphore, #tpu.memory_space<semaphore_mem>>) src(%dma_wait3A_82 : memref<1000x128xf32, #tpu.memory_space<vmem_shared>>) dst(%dma_wait3A_80 : memref<1000x128xf32, #tpu.memory_space<hbm>>)
        tpu.yield
      }) : () -> ()
    } else {
    }
    return
  }
}

#map = affine_map<(d0, d1) -> (0, 0)>
#map1 = affine_map<(d0, d1) -> (0)>
module attributes {stable_mosaic.version = 14 : i64} {
  func.func @run(%arg0: i32, %arg1: i32, %arg2: memref<10000x128xf32, #tpu.memory_space<hbm>>, %arg3: memref<322560xi32, #tpu.memory_space<hbm>>, %arg4: memref<322560xi32, #tpu.memory_space<hbm>>, %arg5: memref<20000x128xf32, #tpu.memory_space<hbm>>, %arg6: memref<20000x128xf32, #tpu.memory_space<hbm>>, %arg7: memref<80xi32, #tpu.memory_space<vmem>>, %arg8: memref<80xi32, #tpu.memory_space<vmem>>, %arg9: memref<80xi32, #tpu.memory_space<vmem>>, %arg10: memref<80xi32, #tpu.memory_space<vmem>>, %arg11: memref<80x128xf32, #tpu.memory_space<vmem>>, %arg12: memref<80x128xf32, #tpu.memory_space<vmem>>, %arg13: memref<10008x128xf32, #tpu.memory_space<vmem_shared>>, %arg14: memref<!tpu.dma_semaphore, #tpu.memory_space<semaphore_mem>>, %arg15: memref<!tpu.dma_semaphore, #tpu.memory_space<semaphore_mem>>, %arg16: memref<!tpu.dma_semaphore, #tpu.memory_space<semaphore_mem>>, %arg17: memref<!tpu.dma_semaphore, #tpu.memory_space<semaphore_mem>>) attributes {dimension_semantics = [#tpu.dimension_semantics<core_parallel>, #tpu.dimension_semantics<subcore_parallel>], iteration_bounds = array<i64: 2, 16>, scalar_prefetch = 0 : i64, scratch_operands = 11 : i64, tpu.core_type = #tpu.core_type<sc_vector_subcore>, window_params = [{transform_indices = #map}, {transform_indices = #map1}, {transform_indices = #map1}, {transform_indices = #map}, {transform_indices = #map}]} {
    %eq3A = arith.constant 0 : i32
    %eq3A_0 = arith.cmpi eq, %arg0, %eq3A : i32
    %mul3A = arith.constant 13120 : i32
    %mul3A_1 = arith.muli %arg1, %mul3A : i32
    %mul3A_2 = arith.constant 7040 : i32
    %mul3A_3 = arith.muli %arg1, %mul3A_2 : i32
    %add3A = arith.constant 209920 : i32
    %add3A_4 = arith.addi %add3A, %mul3A_3 : i32
    %select_n3A = arith.select %eq3A_0, %mul3A_1, %add3A_4 : i32
    %eq3A_5 = arith.constant 0 : i32
    %eq3A_6 = arith.cmpi eq, %arg0, %eq3A_5 : i32
    %jit3A = arith.constant 164 : i32
    %jit3A_7 = arith.constant 88 : i32
    %select_n3A_8 = arith.select %eq3A_6, %jit3A, %jit3A_7 : i32
    %dma_start3A = tpu.memref_slice %arg3[%select_n3A] : memref<322560xi32, #tpu.memory_space<hbm>> -> memref<80xi32, #tpu.memory_space<hbm>>
    %dma_start3A_9 = tpu.memref_slice %arg3[%select_n3A] : memref<322560xi32, #tpu.memory_space<hbm>> -> memref<80xi32, #tpu.memory_space<hbm>>
    tpu.enqueue_dma source(%dma_start3A_9 : memref<80xi32, #tpu.memory_space<hbm>>) target(%arg7 : memref<80xi32, #tpu.memory_space<vmem>>) target_semaphore(%arg14 : memref<!tpu.dma_semaphore, #tpu.memory_space<semaphore_mem>>)
    %dma_start3A_10 = tpu.memref_slice %arg4[%select_n3A] : memref<322560xi32, #tpu.memory_space<hbm>> -> memref<80xi32, #tpu.memory_space<hbm>>
    %dma_start3A_11 = tpu.memref_slice %arg4[%select_n3A] : memref<322560xi32, #tpu.memory_space<hbm>> -> memref<80xi32, #tpu.memory_space<hbm>>
    tpu.enqueue_dma source(%dma_start3A_11 : memref<80xi32, #tpu.memory_space<hbm>>) target(%arg8 : memref<80xi32, #tpu.memory_space<vmem>>) target_semaphore(%arg14 : memref<!tpu.dma_semaphore, #tpu.memory_space<semaphore_mem>>)
    %dma_wait3A = tpu.memref_slice %arg3[%select_n3A] : memref<322560xi32, #tpu.memory_space<hbm>> -> memref<80xi32, #tpu.memory_space<hbm>>
    %dma_wait3A_12 = tpu.memref_slice %arg3[%select_n3A] : memref<322560xi32, #tpu.memory_space<hbm>> -> memref<80xi32, #tpu.memory_space<hbm>>
    tpu.wait_dma2 semaphore(%arg14 : memref<!tpu.dma_semaphore, #tpu.memory_space<semaphore_mem>>) src(%dma_wait3A_12 : memref<80xi32, #tpu.memory_space<hbm>>) dst(%arg7 : memref<80xi32, #tpu.memory_space<vmem>>)
    %dma_wait3A_13 = tpu.memref_slice %arg4[%select_n3A] : memref<322560xi32, #tpu.memory_space<hbm>> -> memref<80xi32, #tpu.memory_space<hbm>>
    %dma_wait3A_14 = tpu.memref_slice %arg4[%select_n3A] : memref<322560xi32, #tpu.memory_space<hbm>> -> memref<80xi32, #tpu.memory_space<hbm>>
    tpu.wait_dma2 semaphore(%arg14 : memref<!tpu.dma_semaphore, #tpu.memory_space<semaphore_mem>>) src(%dma_wait3A_14 : memref<80xi32, #tpu.memory_space<hbm>>) dst(%arg8 : memref<80xi32, #tpu.memory_space<vmem>>)
    %dma_start3A_15 = arith.constant 0 : i32
    %dma_start3A_16 = arith.constant 0 : i32
    %dma_start3A_17 = tpu.memref_slice %arg2[%dma_start3A_15, %dma_start3A_16] : memref<10000x128xf32, #tpu.memory_space<hbm>> -> memref<10000x128xf32, #tpu.memory_space<hbm>>
    tpu.enqueue_indirect_dma source(%dma_start3A_17 : memref<10000x128xf32, #tpu.memory_space<hbm>>) target(%arg11 : memref<80x128xf32, #tpu.memory_space<vmem>>) offsets(%arg7 : memref<80xi32, #tpu.memory_space<vmem>>) semaphore(%arg16 : memref<!tpu.dma_semaphore, #tpu.memory_space<semaphore_mem>>)
    %add3A_18 = arith.constant 80 : i32
    %add3A_19 = arith.addi %select_n3A, %add3A_18 : i32
    %dma_start3A_20 = tpu.memref_slice %arg3[%add3A_19] : memref<322560xi32, #tpu.memory_space<hbm>> -> memref<80xi32, #tpu.memory_space<hbm>>
    %dma_start3A_21 = tpu.memref_slice %arg3[%add3A_19] : memref<322560xi32, #tpu.memory_space<hbm>> -> memref<80xi32, #tpu.memory_space<hbm>>
    tpu.enqueue_dma source(%dma_start3A_21 : memref<80xi32, #tpu.memory_space<hbm>>) target(%arg9 : memref<80xi32, #tpu.memory_space<vmem>>) target_semaphore(%arg15 : memref<!tpu.dma_semaphore, #tpu.memory_space<semaphore_mem>>)
    %dma_start3A_22 = tpu.memref_slice %arg4[%add3A_19] : memref<322560xi32, #tpu.memory_space<hbm>> -> memref<80xi32, #tpu.memory_space<hbm>>
    %dma_start3A_23 = tpu.memref_slice %arg4[%add3A_19] : memref<322560xi32, #tpu.memory_space<hbm>> -> memref<80xi32, #tpu.memory_space<hbm>>
    tpu.enqueue_dma source(%dma_start3A_23 : memref<80xi32, #tpu.memory_space<hbm>>) target(%arg10 : memref<80xi32, #tpu.memory_space<vmem>>) target_semaphore(%arg15 : memref<!tpu.dma_semaphore, #tpu.memory_space<semaphore_mem>>)
    %lt3A = arith.constant 10 : i32
    %lt3A_24 = arith.cmpi slt, %arg1, %lt3A : i32
    %convert_element_type3A = arith.extui %lt3A_24 : i1 to i32
    %cond3A = arith.constant 0 : i32
    %cond3A_25 = arith.cmpi ne, %convert_element_type3A, %cond3A : i32
    scf.if %cond3A_25 {
      %mul3A_68 = arith.constant 10000 : i32
      %mul3A_69 = arith.muli %arg0, %mul3A_68 : i32
      %mul3A_70 = arith.constant 1000 : i32
      %mul3A_71 = arith.muli %arg1, %mul3A_70 : i32
      %add3A_72 = arith.addi %mul3A_69, %mul3A_71 : i32
      %mul3A_73 = arith.constant 1000 : i32
      %mul3A_74 = arith.muli %arg1, %mul3A_73 : i32
      "tpu.region"() ({
        %run_scoped3A = tpu.sem_alloc : memref<!tpu.dma_semaphore, #tpu.memory_space<semaphore_mem>>
        %dma_start3A_75 = arith.constant 0 : i32
        %dma_start3A_76 = tpu.memref_slice %arg13[%mul3A_74, %dma_start3A_75] : memref<10008x128xf32, #tpu.memory_space<vmem_shared>> -> memref<1000x128xf32, #tpu.memory_space<vmem_shared>>
        %dma_start3A_77 = arith.constant 0 : i32
        %dma_start3A_78 = tpu.memref_slice %arg5[%add3A_72, %dma_start3A_77] : memref<20000x128xf32, #tpu.memory_space<hbm>> -> memref<1000x128xf32, #tpu.memory_space<hbm>>
        tpu.enqueue_dma source(%dma_start3A_78 : memref<1000x128xf32, #tpu.memory_space<hbm>>) target(%dma_start3A_76 : memref<1000x128xf32, #tpu.memory_space<vmem_shared>>) target_semaphore(%run_scoped3A : memref<!tpu.dma_semaphore, #tpu.memory_space<semaphore_mem>>)
        %dma_wait3A_79 = arith.constant 0 : i32
        %dma_wait3A_80 = tpu.memref_slice %arg13[%mul3A_74, %dma_wait3A_79] : memref<10008x128xf32, #tpu.memory_space<vmem_shared>> -> memref<1000x128xf32, #tpu.memory_space<vmem_shared>>
        %dma_wait3A_81 = arith.constant 0 : i32
        %dma_wait3A_82 = tpu.memref_slice %arg5[%add3A_72, %dma_wait3A_81] : memref<20000x128xf32, #tpu.memory_space<hbm>> -> memref<1000x128xf32, #tpu.memory_space<hbm>>
        tpu.wait_dma2 semaphore(%run_scoped3A : memref<!tpu.dma_semaphore, #tpu.memory_space<semaphore_mem>>) src(%dma_wait3A_82 : memref<1000x128xf32, #tpu.memory_space<hbm>>) dst(%dma_wait3A_80 : memref<1000x128xf32, #tpu.memory_space<vmem_shared>>)
        tpu.yield
      }) : () -> ()
    } else {
    }
    %barrier3A = arith.constant 0 : index
    tpu.barrier barrier_id(%barrier3A)
    %jit3A_26 = arith.constant 2 : i32
    %div3A = arith.divsi %select_n3A_8, %jit3A_26 : i32
    %sign3A = arith.constant 0 : i32
    %sign3A_27 = arith.cmpi sgt, %select_n3A_8, %sign3A : i32
    %sign3A_28 = arith.extui %sign3A_27 : i1 to i32
    %sign3A_29 = arith.constant 0 : i32
    %sign3A_30 = arith.cmpi slt, %select_n3A_8, %sign3A_29 : i32
    %sign3A_31 = arith.extui %sign3A_30 : i1 to i32
    %sign3A_32 = arith.subi %sign3A_28, %sign3A_31 : i32
    %sign3A_33 = arith.constant 0 : i32
    %sign3A_34 = arith.cmpi sgt, %jit3A_26, %sign3A_33 : i32
    %sign3A_35 = arith.extui %sign3A_34 : i1 to i32
    %sign3A_36 = arith.constant 0 : i32
    %sign3A_37 = arith.cmpi slt, %jit3A_26, %sign3A_36 : i32
    %sign3A_38 = arith.extui %sign3A_37 : i1 to i32
    %sign3A_39 = arith.subi %sign3A_35, %sign3A_38 : i32
    %ne3A = arith.cmpi ne, %sign3A_32, %sign3A_39 : i32
    %rem3A = arith.remsi %select_n3A_8, %jit3A_26 : i32
    %ne3A_40 = arith.constant 0 : i32
    %ne3A_41 = arith.cmpi ne, %rem3A, %ne3A_40 : i32
    %and3A = arith.andi %ne3A, %ne3A_41 : i1
    %sub3A = arith.constant 1 : i32
    %sub3A_42 = arith.subi %div3A, %sub3A : i32
    %select_n3A_43 = arith.select %and3A, %sub3A_42, %div3A : i32
    %sub3A_44 = arith.constant 0 : i32
    %sub3A_45 = arith.subi %select_n3A_43, %sub3A_44 : i32
    %sub3A_46 = arith.constant 1 : i32
    %sub3A_47 = arith.constant 1 : i32
    %sub3A_48 = arith.subi %sub3A_46, %sub3A_47 : i32
    %add3A_49 = arith.addi %sub3A_45, %sub3A_48 : i32
    %div3A_50 = arith.constant 1 : i32
    %div3A_51 = arith.divsi %add3A_49, %div3A_50 : i32
    %while3A = arith.constant 1 : i32
    %while3A_52 = arith.constant 0 : i32
    %while3A_53 = arith.constant 0 : i32
    %while3A_54 = arith.subi %div3A_51, %while3A_53 : i32
    %while3A_55 = arith.addi %while3A_53, %while3A_54 : i32
    %while3A_56 = arith.constant 1 : i32
    %while3A_57 = arith.divsi %while3A_54, %while3A_56 : i32
    %while3A_58 = arith.muli %while3A_57, %while3A_56 : i32
    %while3A_59 = arith.addi %while3A_53, %while3A_58 : i32
    %while3A_60 = arith.constant 1 : i32
    scf.for %while3A_68 = %while3A_53 to %while3A_59 step %while3A_60  : i32 {
      %mul3A_69 = arith.muli %while3A_68, %while3A : i32
      %add3A_70 = arith.addi %while3A_52, %mul3A_69 : i32
      %mul3A_71 = arith.constant 2 : i32
      %mul3A_72 = arith.muli %mul3A_71, %add3A_70 : i32
      %mul3A_73 = arith.constant 80 : i32
      %mul3A_74 = arith.muli %mul3A_72, %mul3A_73 : i32
      %add3A_75 = arith.addi %select_n3A, %mul3A_74 : i32
      %add3A_76 = arith.constant 80 : i32
      %add3A_77 = arith.addi %add3A_75, %add3A_76 : i32
      %dma_wait3A_78 = tpu.memref_slice %arg3[%add3A_77] : memref<322560xi32, #tpu.memory_space<hbm>> -> memref<80xi32, #tpu.memory_space<hbm>>
      %dma_wait3A_79 = tpu.memref_slice %arg3[%add3A_77] : memref<322560xi32, #tpu.memory_space<hbm>> -> memref<80xi32, #tpu.memory_space<hbm>>
      tpu.wait_dma2 semaphore(%arg15 : memref<!tpu.dma_semaphore, #tpu.memory_space<semaphore_mem>>) src(%dma_wait3A_79 : memref<80xi32, #tpu.memory_space<hbm>>) dst(%arg9 : memref<80xi32, #tpu.memory_space<vmem>>)
      %dma_wait3A_80 = tpu.memref_slice %arg4[%add3A_77] : memref<322560xi32, #tpu.memory_space<hbm>> -> memref<80xi32, #tpu.memory_space<hbm>>
      %dma_wait3A_81 = tpu.memref_slice %arg4[%add3A_77] : memref<322560xi32, #tpu.memory_space<hbm>> -> memref<80xi32, #tpu.memory_space<hbm>>
      tpu.wait_dma2 semaphore(%arg15 : memref<!tpu.dma_semaphore, #tpu.memory_space<semaphore_mem>>) src(%dma_wait3A_81 : memref<80xi32, #tpu.memory_space<hbm>>) dst(%arg10 : memref<80xi32, #tpu.memory_space<vmem>>)
      %dma_start3A_82 = arith.constant 0 : i32
      %dma_start3A_83 = arith.constant 0 : i32
      %dma_start3A_84 = tpu.memref_slice %arg2[%dma_start3A_82, %dma_start3A_83] : memref<10000x128xf32, #tpu.memory_space<hbm>> -> memref<10000x128xf32, #tpu.memory_space<hbm>>
      tpu.enqueue_indirect_dma source(%dma_start3A_84 : memref<10000x128xf32, #tpu.memory_space<hbm>>) target(%arg12 : memref<80x128xf32, #tpu.memory_space<vmem>>) offsets(%arg9 : memref<80xi32, #tpu.memory_space<vmem>>) semaphore(%arg17 : memref<!tpu.dma_semaphore, #tpu.memory_space<semaphore_mem>>)
      %dma_wait3A_85 = arith.constant 0 : i32
      %dma_wait3A_86 = arith.constant 0 : i32
      %dma_wait3A_87 = tpu.memref_slice %arg2[%dma_wait3A_85, %dma_wait3A_86] : memref<10000x128xf32, #tpu.memory_space<hbm>> -> memref<10000x128xf32, #tpu.memory_space<hbm>>
      tpu.wait_indirect_dma semaphore(%arg16 : memref<!tpu.dma_semaphore, #tpu.memory_space<semaphore_mem>>) src(%dma_wait3A_87 : memref<10000x128xf32, #tpu.memory_space<hbm>>) dst(%arg11 : memref<80x128xf32, #tpu.memory_space<vmem>>)
      "tpu.region"() ({
        %run_scoped3A = tpu.sem_alloc : memref<!tpu.dma_semaphore, #tpu.memory_space<semaphore_mem>>
        %dma_start3A_115 = arith.constant 0 : i32
        %dma_start3A_116 = arith.constant 0 : i32
        %dma_start3A_117 = tpu.memref_slice %arg13[%dma_start3A_115, %dma_start3A_116] : memref<10008x128xf32, #tpu.memory_space<vmem_shared>> -> memref<10008x128xf32, #tpu.memory_space<vmem_shared>>
        tpu.enqueue_indirect_dma source(%arg11 : memref<80x128xf32, #tpu.memory_space<vmem>>) target(%dma_start3A_117 : memref<10008x128xf32, #tpu.memory_space<vmem_shared>>) offsets(%arg8 : memref<80xi32, #tpu.memory_space<vmem>>) semaphore(%run_scoped3A : memref<!tpu.dma_semaphore, #tpu.memory_space<semaphore_mem>>) {add = true}
        %dma_wait3A_118 = arith.constant 0 : i32
        %dma_wait3A_119 = arith.constant 0 : i32
        %dma_wait3A_120 = tpu.memref_slice %arg13[%dma_wait3A_118, %dma_wait3A_119] : memref<10008x128xf32, #tpu.memory_space<vmem_shared>> -> memref<10008x128xf32, #tpu.memory_space<vmem_shared>>
        tpu.wait_indirect_dma semaphore(%run_scoped3A : memref<!tpu.dma_semaphore, #tpu.memory_space<semaphore_mem>>) src(%arg11 : memref<80x128xf32, #tpu.memory_space<vmem>>) dst(%dma_wait3A_120 : memref<10008x128xf32, #tpu.memory_space<vmem_shared>>)
        tpu.yield
      }) : () -> ()
      %mul3A_88 = arith.constant 2 : i32
      %mul3A_89 = arith.muli %mul3A_88, %add3A_70 : i32
      %add3A_90 = arith.constant 2 : i32
      %add3A_91 = arith.addi %mul3A_89, %add3A_90 : i32
      %lt3A_92 = arith.cmpi slt, %add3A_91, %select_n3A_8 : i32
      %convert_element_type3A_93 = arith.extui %lt3A_92 : i1 to i32
      %cond3A_94 = arith.constant 0 : i32
      %cond3A_95 = arith.cmpi ne, %convert_element_type3A_93, %cond3A_94 : i32
      scf.if %cond3A_95 {
        %add3A_115 = arith.constant 160 : i32
        %add3A_116 = arith.addi %add3A_75, %add3A_115 : i32
        %dma_start3A_117 = tpu.memref_slice %arg3[%add3A_116] : memref<322560xi32, #tpu.memory_space<hbm>> -> memref<80xi32, #tpu.memory_space<hbm>>
        %dma_start3A_118 = tpu.memref_slice %arg3[%add3A_116] : memref<322560xi32, #tpu.memory_space<hbm>> -> memref<80xi32, #tpu.memory_space<hbm>>
        tpu.enqueue_dma source(%dma_start3A_118 : memref<80xi32, #tpu.memory_space<hbm>>) target(%arg7 : memref<80xi32, #tpu.memory_space<vmem>>) target_semaphore(%arg14 : memref<!tpu.dma_semaphore, #tpu.memory_space<semaphore_mem>>)
        %dma_start3A_119 = tpu.memref_slice %arg4[%add3A_116] : memref<322560xi32, #tpu.memory_space<hbm>> -> memref<80xi32, #tpu.memory_space<hbm>>
        %dma_start3A_120 = tpu.memref_slice %arg4[%add3A_116] : memref<322560xi32, #tpu.memory_space<hbm>> -> memref<80xi32, #tpu.memory_space<hbm>>
        tpu.enqueue_dma source(%dma_start3A_120 : memref<80xi32, #tpu.memory_space<hbm>>) target(%arg8 : memref<80xi32, #tpu.memory_space<vmem>>) target_semaphore(%arg14 : memref<!tpu.dma_semaphore, #tpu.memory_space<semaphore_mem>>)
      } else {
      }
      %dma_wait3A_96 = arith.constant 0 : i32
      %dma_wait3A_97 = arith.constant 0 : i32
      %dma_wait3A_98 = tpu.memref_slice %arg2[%dma_wait3A_96, %dma_wait3A_97] : memref<10000x128xf32, #tpu.memory_space<hbm>> -> memref<10000x128xf32, #tpu.memory_space<hbm>>
      tpu.wait_indirect_dma semaphore(%arg17 : memref<!tpu.dma_semaphore, #tpu.memory_space<semaphore_mem>>) src(%dma_wait3A_98 : memref<10000x128xf32, #tpu.memory_space<hbm>>) dst(%arg12 : memref<80x128xf32, #tpu.memory_space<vmem>>)
      "tpu.region"() ({
        %run_scoped3A = tpu.sem_alloc : memref<!tpu.dma_semaphore, #tpu.memory_space<semaphore_mem>>
        %dma_start3A_115 = arith.constant 0 : i32
        %dma_start3A_116 = arith.constant 0 : i32
        %dma_start3A_117 = tpu.memref_slice %arg13[%dma_start3A_115, %dma_start3A_116] : memref<10008x128xf32, #tpu.memory_space<vmem_shared>> -> memref<10008x128xf32, #tpu.memory_space<vmem_shared>>
        tpu.enqueue_indirect_dma source(%arg12 : memref<80x128xf32, #tpu.memory_space<vmem>>) target(%dma_start3A_117 : memref<10008x128xf32, #tpu.memory_space<vmem_shared>>) offsets(%arg10 : memref<80xi32, #tpu.memory_space<vmem>>) semaphore(%run_scoped3A : memref<!tpu.dma_semaphore, #tpu.memory_space<semaphore_mem>>) {add = true}
        %dma_wait3A_118 = arith.constant 0 : i32
        %dma_wait3A_119 = arith.constant 0 : i32
        %dma_wait3A_120 = tpu.memref_slice %arg13[%dma_wait3A_118, %dma_wait3A_119] : memref<10008x128xf32, #tpu.memory_space<vmem_shared>> -> memref<10008x128xf32, #tpu.memory_space<vmem_shared>>
        tpu.wait_indirect_dma semaphore(%run_scoped3A : memref<!tpu.dma_semaphore, #tpu.memory_space<semaphore_mem>>) src(%arg12 : memref<80x128xf32, #tpu.memory_space<vmem>>) dst(%dma_wait3A_120 : memref<10008x128xf32, #tpu.memory_space<vmem_shared>>)
        tpu.yield
      }) : () -> ()
      %mul3A_99 = arith.constant 2 : i32
      %mul3A_100 = arith.muli %mul3A_99, %add3A_70 : i32
      %add3A_101 = arith.constant 3 : i32
      %add3A_102 = arith.addi %mul3A_100, %add3A_101 : i32
      %lt3A_103 = arith.cmpi slt, %add3A_102, %select_n3A_8 : i32
      %convert_element_type3A_104 = arith.extui %lt3A_103 : i1 to i32
      %cond3A_105 = arith.constant 0 : i32
      %cond3A_106 = arith.cmpi ne, %convert_element_type3A_104, %cond3A_105 : i32
      scf.if %cond3A_106 {
        %add3A_115 = arith.constant 160 : i32
        %add3A_116 = arith.addi %add3A_77, %add3A_115 : i32
        %dma_start3A_117 = tpu.memref_slice %arg3[%add3A_116] : memref<322560xi32, #tpu.memory_space<hbm>> -> memref<80xi32, #tpu.memory_space<hbm>>
        %dma_start3A_118 = tpu.memref_slice %arg3[%add3A_116] : memref<322560xi32, #tpu.memory_space<hbm>> -> memref<80xi32, #tpu.memory_space<hbm>>
        tpu.enqueue_dma source(%dma_start3A_118 : memref<80xi32, #tpu.memory_space<hbm>>) target(%arg9 : memref<80xi32, #tpu.memory_space<vmem>>) target_semaphore(%arg15 : memref<!tpu.dma_semaphore, #tpu.memory_space<semaphore_mem>>)
        %dma_start3A_119 = tpu.memref_slice %arg4[%add3A_116] : memref<322560xi32, #tpu.memory_space<hbm>> -> memref<80xi32, #tpu.memory_space<hbm>>
        %dma_start3A_120 = tpu.memref_slice %arg4[%add3A_116] : memref<322560xi32, #tpu.memory_space<hbm>> -> memref<80xi32, #tpu.memory_space<hbm>>
        tpu.enqueue_dma source(%dma_start3A_120 : memref<80xi32, #tpu.memory_space<hbm>>) target(%arg10 : memref<80xi32, #tpu.memory_space<vmem>>) target_semaphore(%arg15 : memref<!tpu.dma_semaphore, #tpu.memory_space<semaphore_mem>>)
      } else {
      }
      %mul3A_107 = arith.constant 2 : i32
      %mul3A_108 = arith.muli %mul3A_107, %add3A_70 : i32
      %add3A_109 = arith.constant 2 : i32
      %add3A_110 = arith.addi %mul3A_108, %add3A_109 : i32
      %lt3A_111 = arith.cmpi slt, %add3A_110, %select_n3A_8 : i32
      %convert_element_type3A_112 = arith.extui %lt3A_111 : i1 to i32
      %cond3A_113 = arith.constant 0 : i32
      %cond3A_114 = arith.cmpi ne, %convert_element_type3A_112, %cond3A_113 : i32
      scf.if %cond3A_114 {
        %add3A_115 = arith.constant 160 : i32
        %add3A_116 = arith.addi %add3A_75, %add3A_115 : i32
        %dma_wait3A_117 = tpu.memref_slice %arg3[%add3A_116] : memref<322560xi32, #tpu.memory_space<hbm>> -> memref<80xi32, #tpu.memory_space<hbm>>
        %dma_wait3A_118 = tpu.memref_slice %arg3[%add3A_116] : memref<322560xi32, #tpu.memory_space<hbm>> -> memref<80xi32, #tpu.memory_space<hbm>>
        tpu.wait_dma2 semaphore(%arg14 : memref<!tpu.dma_semaphore, #tpu.memory_space<semaphore_mem>>) src(%dma_wait3A_118 : memref<80xi32, #tpu.memory_space<hbm>>) dst(%arg7 : memref<80xi32, #tpu.memory_space<vmem>>)
        %dma_wait3A_119 = tpu.memref_slice %arg4[%add3A_116] : memref<322560xi32, #tpu.memory_space<hbm>> -> memref<80xi32, #tpu.memory_space<hbm>>
        %dma_wait3A_120 = tpu.memref_slice %arg4[%add3A_116] : memref<322560xi32, #tpu.memory_space<hbm>> -> memref<80xi32, #tpu.memory_space<hbm>>
        tpu.wait_dma2 semaphore(%arg14 : memref<!tpu.dma_semaphore, #tpu.memory_space<semaphore_mem>>) src(%dma_wait3A_120 : memref<80xi32, #tpu.memory_space<hbm>>) dst(%arg8 : memref<80xi32, #tpu.memory_space<vmem>>)
        %dma_start3A_121 = arith.constant 0 : i32
        %dma_start3A_122 = arith.constant 0 : i32
        %dma_start3A_123 = tpu.memref_slice %arg2[%dma_start3A_121, %dma_start3A_122] : memref<10000x128xf32, #tpu.memory_space<hbm>> -> memref<10000x128xf32, #tpu.memory_space<hbm>>
        tpu.enqueue_indirect_dma source(%dma_start3A_123 : memref<10000x128xf32, #tpu.memory_space<hbm>>) target(%arg11 : memref<80x128xf32, #tpu.memory_space<vmem>>) offsets(%arg7 : memref<80xi32, #tpu.memory_space<vmem>>) semaphore(%arg16 : memref<!tpu.dma_semaphore, #tpu.memory_space<semaphore_mem>>)
      } else {
      }
    }
    %while3A_61 = arith.constant 1 : i32
    scf.for %while3A_68 = %while3A_59 to %while3A_55 step %while3A_61  : i32 {
      %mul3A_69 = arith.muli %while3A_68, %while3A : i32
      %add3A_70 = arith.addi %while3A_52, %mul3A_69 : i32
      %mul3A_71 = arith.constant 2 : i32
      %mul3A_72 = arith.muli %mul3A_71, %add3A_70 : i32
      %mul3A_73 = arith.constant 80 : i32
      %mul3A_74 = arith.muli %mul3A_72, %mul3A_73 : i32
      %add3A_75 = arith.addi %select_n3A, %mul3A_74 : i32
      %add3A_76 = arith.constant 80 : i32
      %add3A_77 = arith.addi %add3A_75, %add3A_76 : i32
      %dma_wait3A_78 = tpu.memref_slice %arg3[%add3A_77] : memref<322560xi32, #tpu.memory_space<hbm>> -> memref<80xi32, #tpu.memory_space<hbm>>
      %dma_wait3A_79 = tpu.memref_slice %arg3[%add3A_77] : memref<322560xi32, #tpu.memory_space<hbm>> -> memref<80xi32, #tpu.memory_space<hbm>>
      tpu.wait_dma2 semaphore(%arg15 : memref<!tpu.dma_semaphore, #tpu.memory_space<semaphore_mem>>) src(%dma_wait3A_79 : memref<80xi32, #tpu.memory_space<hbm>>) dst(%arg9 : memref<80xi32, #tpu.memory_space<vmem>>)
      %dma_wait3A_80 = tpu.memref_slice %arg4[%add3A_77] : memref<322560xi32, #tpu.memory_space<hbm>> -> memref<80xi32, #tpu.memory_space<hbm>>
      %dma_wait3A_81 = tpu.memref_slice %arg4[%add3A_77] : memref<322560xi32, #tpu.memory_space<hbm>> -> memref<80xi32, #tpu.memory_space<hbm>>
      tpu.wait_dma2 semaphore(%arg15 : memref<!tpu.dma_semaphore, #tpu.memory_space<semaphore_mem>>) src(%dma_wait3A_81 : memref<80xi32, #tpu.memory_space<hbm>>) dst(%arg10 : memref<80xi32, #tpu.memory_space<vmem>>)
      %dma_start3A_82 = arith.constant 0 : i32
      %dma_start3A_83 = arith.constant 0 : i32
      %dma_start3A_84 = tpu.memref_slice %arg2[%dma_start3A_82, %dma_start3A_83] : memref<10000x128xf32, #tpu.memory_space<hbm>> -> memref<10000x128xf32, #tpu.memory_space<hbm>>
      tpu.enqueue_indirect_dma source(%dma_start3A_84 : memref<10000x128xf32, #tpu.memory_space<hbm>>) target(%arg12 : memref<80x128xf32, #tpu.memory_space<vmem>>) offsets(%arg9 : memref<80xi32, #tpu.memory_space<vmem>>) semaphore(%arg17 : memref<!tpu.dma_semaphore, #tpu.memory_space<semaphore_mem>>)
      %dma_wait3A_85 = arith.constant 0 : i32
      %dma_wait3A_86 = arith.constant 0 : i32
      %dma_wait3A_87 = tpu.memref_slice %arg2[%dma_wait3A_85, %dma_wait3A_86] : memref<10000x128xf32, #tpu.memory_space<hbm>> -> memref<10000x128xf32, #tpu.memory_space<hbm>>
      tpu.wait_indirect_dma semaphore(%arg16 : memref<!tpu.dma_semaphore, #tpu.memory_space<semaphore_mem>>) src(%dma_wait3A_87 : memref<10000x128xf32, #tpu.memory_space<hbm>>) dst(%arg11 : memref<80x128xf32, #tpu.memory_space<vmem>>)
      "tpu.region"() ({
        %run_scoped3A = tpu.sem_alloc : memref<!tpu.dma_semaphore, #tpu.memory_space<semaphore_mem>>
        %dma_start3A_115 = arith.constant 0 : i32
        %dma_start3A_116 = arith.constant 0 : i32
        %dma_start3A_117 = tpu.memref_slice %arg13[%dma_start3A_115, %dma_start3A_116] : memref<10008x128xf32, #tpu.memory_space<vmem_shared>> -> memref<10008x128xf32, #tpu.memory_space<vmem_shared>>
        tpu.enqueue_indirect_dma source(%arg11 : memref<80x128xf32, #tpu.memory_space<vmem>>) target(%dma_start3A_117 : memref<10008x128xf32, #tpu.memory_space<vmem_shared>>) offsets(%arg8 : memref<80xi32, #tpu.memory_space<vmem>>) semaphore(%run_scoped3A : memref<!tpu.dma_semaphore, #tpu.memory_space<semaphore_mem>>) {add = true}
        %dma_wait3A_118 = arith.constant 0 : i32
        %dma_wait3A_119 = arith.constant 0 : i32
        %dma_wait3A_120 = tpu.memref_slice %arg13[%dma_wait3A_118, %dma_wait3A_119] : memref<10008x128xf32, #tpu.memory_space<vmem_shared>> -> memref<10008x128xf32, #tpu.memory_space<vmem_shared>>
        tpu.wait_indirect_dma semaphore(%run_scoped3A : memref<!tpu.dma_semaphore, #tpu.memory_space<semaphore_mem>>) src(%arg11 : memref<80x128xf32, #tpu.memory_space<vmem>>) dst(%dma_wait3A_120 : memref<10008x128xf32, #tpu.memory_space<vmem_shared>>)
        tpu.yield
      }) : () -> ()
      %mul3A_88 = arith.constant 2 : i32
      %mul3A_89 = arith.muli %mul3A_88, %add3A_70 : i32
      %add3A_90 = arith.constant 2 : i32
      %add3A_91 = arith.addi %mul3A_89, %add3A_90 : i32
      %lt3A_92 = arith.cmpi slt, %add3A_91, %select_n3A_8 : i32
      %convert_element_type3A_93 = arith.extui %lt3A_92 : i1 to i32
      %cond3A_94 = arith.constant 0 : i32
      %cond3A_95 = arith.cmpi ne, %convert_element_type3A_93, %cond3A_94 : i32
      scf.if %cond3A_95 {
        %add3A_115 = arith.constant 160 : i32
        %add3A_116 = arith.addi %add3A_75, %add3A_115 : i32
        %dma_start3A_117 = tpu.memref_slice %arg3[%add3A_116] : memref<322560xi32, #tpu.memory_space<hbm>> -> memref<80xi32, #tpu.memory_space<hbm>>
        %dma_start3A_118 = tpu.memref_slice %arg3[%add3A_116] : memref<322560xi32, #tpu.memory_space<hbm>> -> memref<80xi32, #tpu.memory_space<hbm>>
        tpu.enqueue_dma source(%dma_start3A_118 : memref<80xi32, #tpu.memory_space<hbm>>) target(%arg7 : memref<80xi32, #tpu.memory_space<vmem>>) target_semaphore(%arg14 : memref<!tpu.dma_semaphore, #tpu.memory_space<semaphore_mem>>)
        %dma_start3A_119 = tpu.memref_slice %arg4[%add3A_116] : memref<322560xi32, #tpu.memory_space<hbm>> -> memref<80xi32, #tpu.memory_space<hbm>>
        %dma_start3A_120 = tpu.memref_slice %arg4[%add3A_116] : memref<322560xi32, #tpu.memory_space<hbm>> -> memref<80xi32, #tpu.memory_space<hbm>>
        tpu.enqueue_dma source(%dma_start3A_120 : memref<80xi32, #tpu.memory_space<hbm>>) target(%arg8 : memref<80xi32, #tpu.memory_space<vmem>>) target_semaphore(%arg14 : memref<!tpu.dma_semaphore, #tpu.memory_space<semaphore_mem>>)
      } else {
      }
      %dma_wait3A_96 = arith.constant 0 : i32
      %dma_wait3A_97 = arith.constant 0 : i32
      %dma_wait3A_98 = tpu.memref_slice %arg2[%dma_wait3A_96, %dma_wait3A_97] : memref<10000x128xf32, #tpu.memory_space<hbm>> -> memref<10000x128xf32, #tpu.memory_space<hbm>>
      tpu.wait_indirect_dma semaphore(%arg17 : memref<!tpu.dma_semaphore, #tpu.memory_space<semaphore_mem>>) src(%dma_wait3A_98 : memref<10000x128xf32, #tpu.memory_space<hbm>>) dst(%arg12 : memref<80x128xf32, #tpu.memory_space<vmem>>)
      "tpu.region"() ({
        %run_scoped3A = tpu.sem_alloc : memref<!tpu.dma_semaphore, #tpu.memory_space<semaphore_mem>>
        %dma_start3A_115 = arith.constant 0 : i32
        %dma_start3A_116 = arith.constant 0 : i32
        %dma_start3A_117 = tpu.memref_slice %arg13[%dma_start3A_115, %dma_start3A_116] : memref<10008x128xf32, #tpu.memory_space<vmem_shared>> -> memref<10008x128xf32, #tpu.memory_space<vmem_shared>>
        tpu.enqueue_indirect_dma source(%arg12 : memref<80x128xf32, #tpu.memory_space<vmem>>) target(%dma_start3A_117 : memref<10008x128xf32, #tpu.memory_space<vmem_shared>>) offsets(%arg10 : memref<80xi32, #tpu.memory_space<vmem>>) semaphore(%run_scoped3A : memref<!tpu.dma_semaphore, #tpu.memory_space<semaphore_mem>>) {add = true}
        %dma_wait3A_118 = arith.constant 0 : i32
        %dma_wait3A_119 = arith.constant 0 : i32
        %dma_wait3A_120 = tpu.memref_slice %arg13[%dma_wait3A_118, %dma_wait3A_119] : memref<10008x128xf32, #tpu.memory_space<vmem_shared>> -> memref<10008x128xf32, #tpu.memory_space<vmem_shared>>
        tpu.wait_indirect_dma semaphore(%run_scoped3A : memref<!tpu.dma_semaphore, #tpu.memory_space<semaphore_mem>>) src(%arg12 : memref<80x128xf32, #tpu.memory_space<vmem>>) dst(%dma_wait3A_120 : memref<10008x128xf32, #tpu.memory_space<vmem_shared>>)
        tpu.yield
      }) : () -> ()
      %mul3A_99 = arith.constant 2 : i32
      %mul3A_100 = arith.muli %mul3A_99, %add3A_70 : i32
      %add3A_101 = arith.constant 3 : i32
      %add3A_102 = arith.addi %mul3A_100, %add3A_101 : i32
      %lt3A_103 = arith.cmpi slt, %add3A_102, %select_n3A_8 : i32
      %convert_element_type3A_104 = arith.extui %lt3A_103 : i1 to i32
      %cond3A_105 = arith.constant 0 : i32
      %cond3A_106 = arith.cmpi ne, %convert_element_type3A_104, %cond3A_105 : i32
      scf.if %cond3A_106 {
        %add3A_115 = arith.constant 160 : i32
        %add3A_116 = arith.addi %add3A_77, %add3A_115 : i32
        %dma_start3A_117 = tpu.memref_slice %arg3[%add3A_116] : memref<322560xi32, #tpu.memory_space<hbm>> -> memref<80xi32, #tpu.memory_space<hbm>>
        %dma_start3A_118 = tpu.memref_slice %arg3[%add3A_116] : memref<322560xi32, #tpu.memory_space<hbm>> -> memref<80xi32, #tpu.memory_space<hbm>>
        tpu.enqueue_dma source(%dma_start3A_118 : memref<80xi32, #tpu.memory_space<hbm>>) target(%arg9 : memref<80xi32, #tpu.memory_space<vmem>>) target_semaphore(%arg15 : memref<!tpu.dma_semaphore, #tpu.memory_space<semaphore_mem>>)
        %dma_start3A_119 = tpu.memref_slice %arg4[%add3A_116] : memref<322560xi32, #tpu.memory_space<hbm>> -> memref<80xi32, #tpu.memory_space<hbm>>
        %dma_start3A_120 = tpu.memref_slice %arg4[%add3A_116] : memref<322560xi32, #tpu.memory_space<hbm>> -> memref<80xi32, #tpu.memory_space<hbm>>
        tpu.enqueue_dma source(%dma_start3A_120 : memref<80xi32, #tpu.memory_space<hbm>>) target(%arg10 : memref<80xi32, #tpu.memory_space<vmem>>) target_semaphore(%arg15 : memref<!tpu.dma_semaphore, #tpu.memory_space<semaphore_mem>>)
      } else {
      }
      %mul3A_107 = arith.constant 2 : i32
      %mul3A_108 = arith.muli %mul3A_107, %add3A_70 : i32
      %add3A_109 = arith.constant 2 : i32
      %add3A_110 = arith.addi %mul3A_108, %add3A_109 : i32
      %lt3A_111 = arith.cmpi slt, %add3A_110, %select_n3A_8 : i32
      %convert_element_type3A_112 = arith.extui %lt3A_111 : i1 to i32
      %cond3A_113 = arith.constant 0 : i32
      %cond3A_114 = arith.cmpi ne, %convert_element_type3A_112, %cond3A_113 : i32
      scf.if %cond3A_114 {
        %add3A_115 = arith.constant 160 : i32
        %add3A_116 = arith.addi %add3A_75, %add3A_115 : i32
        %dma_wait3A_117 = tpu.memref_slice %arg3[%add3A_116] : memref<322560xi32, #tpu.memory_space<hbm>> -> memref<80xi32, #tpu.memory_space<hbm>>
        %dma_wait3A_118 = tpu.memref_slice %arg3[%add3A_116] : memref<322560xi32, #tpu.memory_space<hbm>> -> memref<80xi32, #tpu.memory_space<hbm>>
        tpu.wait_dma2 semaphore(%arg14 : memref<!tpu.dma_semaphore, #tpu.memory_space<semaphore_mem>>) src(%dma_wait3A_118 : memref<80xi32, #tpu.memory_space<hbm>>) dst(%arg7 : memref<80xi32, #tpu.memory_space<vmem>>)
        %dma_wait3A_119 = tpu.memref_slice %arg4[%add3A_116] : memref<322560xi32, #tpu.memory_space<hbm>> -> memref<80xi32, #tpu.memory_space<hbm>>
        %dma_wait3A_120 = tpu.memref_slice %arg4[%add3A_116] : memref<322560xi32, #tpu.memory_space<hbm>> -> memref<80xi32, #tpu.memory_space<hbm>>
        tpu.wait_dma2 semaphore(%arg14 : memref<!tpu.dma_semaphore, #tpu.memory_space<semaphore_mem>>) src(%dma_wait3A_120 : memref<80xi32, #tpu.memory_space<hbm>>) dst(%arg8 : memref<80xi32, #tpu.memory_space<vmem>>)
        %dma_start3A_121 = arith.constant 0 : i32
        %dma_start3A_122 = arith.constant 0 : i32
        %dma_start3A_123 = tpu.memref_slice %arg2[%dma_start3A_121, %dma_start3A_122] : memref<10000x128xf32, #tpu.memory_space<hbm>> -> memref<10000x128xf32, #tpu.memory_space<hbm>>
        tpu.enqueue_indirect_dma source(%dma_start3A_123 : memref<10000x128xf32, #tpu.memory_space<hbm>>) target(%arg11 : memref<80x128xf32, #tpu.memory_space<vmem>>) offsets(%arg7 : memref<80xi32, #tpu.memory_space<vmem>>) semaphore(%arg16 : memref<!tpu.dma_semaphore, #tpu.memory_space<semaphore_mem>>)
      } else {
      }
    }
    %barrier3A_62 = arith.constant 0 : index
    tpu.barrier barrier_id(%barrier3A_62)
    %lt3A_63 = arith.constant 10 : i32
    %lt3A_64 = arith.cmpi slt, %arg1, %lt3A_63 : i32
    %convert_element_type3A_65 = arith.extui %lt3A_64 : i1 to i32
    %cond3A_66 = arith.constant 0 : i32
    %cond3A_67 = arith.cmpi ne, %convert_element_type3A_65, %cond3A_66 : i32
    scf.if %cond3A_67 {
      %mul3A_68 = arith.constant 1000 : i32
      %mul3A_69 = arith.muli %arg1, %mul3A_68 : i32
      %mul3A_70 = arith.constant 10000 : i32
      %mul3A_71 = arith.muli %arg0, %mul3A_70 : i32
      %mul3A_72 = arith.constant 1000 : i32
      %mul3A_73 = arith.muli %arg1, %mul3A_72 : i32
      %add3A_74 = arith.addi %mul3A_71, %mul3A_73 : i32
      "tpu.region"() ({
        %run_scoped3A = tpu.sem_alloc : memref<!tpu.dma_semaphore, #tpu.memory_space<semaphore_mem>>
        %dma_start3A_75 = arith.constant 0 : i32
        %dma_start3A_76 = tpu.memref_slice %arg6[%add3A_74, %dma_start3A_75] : memref<20000x128xf32, #tpu.memory_space<hbm>> -> memref<1000x128xf32, #tpu.memory_space<hbm>>
        %dma_start3A_77 = arith.constant 0 : i32
        %dma_start3A_78 = tpu.memref_slice %arg13[%mul3A_69, %dma_start3A_77] : memref<10008x128xf32, #tpu.memory_space<vmem_shared>> -> memref<1000x128xf32, #tpu.memory_space<vmem_shared>>
        tpu.enqueue_dma source(%dma_start3A_78 : memref<1000x128xf32, #tpu.memory_space<vmem_shared>>) target(%dma_start3A_76 : memref<1000x128xf32, #tpu.memory_space<hbm>>) target_semaphore(%run_scoped3A : memref<!tpu.dma_semaphore, #tpu.memory_space<semaphore_mem>>)
        %dma_wait3A_79 = arith.constant 0 : i32
        %dma_wait3A_80 = tpu.memref_slice %arg6[%add3A_74, %dma_wait3A_79] : memref<20000x128xf32, #tpu.memory_space<hbm>> -> memref<1000x128xf32, #tpu.memory_space<hbm>>
        %dma_wait3A_81 = arith.constant 0 : i32
        %dma_wait3A_82 = tpu.memref_slice %arg13[%mul3A_69, %dma_wait3A_81] : memref<10008x128xf32, #tpu.memory_space<vmem_shared>> -> memref<1000x128xf32, #tpu.memory_space<vmem_shared>>
        tpu.wait_dma2 semaphore(%run_scoped3A : memref<!tpu.dma_semaphore, #tpu.memory_space<semaphore_mem>>) src(%dma_wait3A_82 : memref<1000x128xf32, #tpu.memory_space<vmem_shared>>) dst(%dma_wait3A_80 : memref<1000x128xf32, #tpu.memory_space<hbm>>)
        tpu.yield
      }) : () -> ()
    } else {
    }
    return
  }
}

module attributes {stable_mosaic.version = 14 : i64} {
  func.func @body(%arg0: i32, %arg1: memref<2000x2xf32, #tpu.memory_space<vmem>>, %arg2: memref<2000x128xf32, #tpu.memory_space<vmem>>, %arg3: memref<128x128xf32, #tpu.memory_space<vmem>>, %arg4: memref<2000x128xf32, #tpu.memory_space<vmem>>) attributes {dimension_semantics = [#tpu.dimension_semantics<arbitrary>], iteration_bounds = array<i64: 5>, scalar_prefetch = 0 : i64, scratch_operands = 0 : i64, tpu.core_type = #tpu.core_type<tc>, window_params = [{transform_indices = @transform_0, window_bounds = array<i64: 2000, 2>}, {transform_indices = @transform_1, window_bounds = array<i64: 2000, 128>}, {pipeline_mode = #tpu.pipeline_mode<synchronous>, transform_indices = @transform_2, window_bounds = array<i64: 128, 128>}, {transform_indices = @transform_3, window_bounds = array<i64: 2000, 128>}]} {
    %get3A = arith.constant 0 : index
    %get3A_0 = arith.constant 0 : index
    %get3A_1 = vector.load %arg1[%get3A, %get3A_0] : memref<2000x2xf32, #tpu.memory_space<vmem>>, vector<2000x2xf32>
    %slice3A = vector.extract_strided_slice %get3A_1 {offsets = [0, 0], sizes = [2000, 1], strides = [1, 1]} : vector<2000x2xf32> to vector<2000x1xf32>
    %squeeze3A = vector.shape_cast %slice3A : vector<2000x1xf32> to vector<2000xf32>
    %slice3A_2 = vector.extract_strided_slice %get3A_1 {offsets = [0, 1], sizes = [2000, 1], strides = [1, 1]} : vector<2000x2xf32> to vector<2000x1xf32>
    %squeeze3A_3 = vector.shape_cast %slice3A_2 : vector<2000x1xf32> to vector<2000xf32>
    %add3A = arith.addf %squeeze3A, %squeeze3A_3 : vector<2000xf32>
    %add3A_4 = arith.constant 1.000000e+00 : f32
    %add3A_5 = vector.broadcast %add3A_4 : f32 to vector<2000xf32>
    %add3A_6 = arith.addf %add3A, %add3A_5 : vector<2000xf32>
    %rsqrt3A = math.rsqrt %add3A_6 : vector<2000xf32>
    %get3A_7 = arith.constant 0 : index
    %get3A_8 = arith.constant 0 : index
    %get3A_9 = vector.load %arg2[%get3A_7, %get3A_8] : memref<2000x128xf32, #tpu.memory_space<vmem>>, vector<2000x128xf32>
    %get3A_10 = arith.constant 0 : index
    %get3A_11 = arith.constant 0 : index
    %get3A_12 = vector.load %arg3[%get3A_10, %get3A_11] : memref<128x128xf32, #tpu.memory_space<vmem>>, vector<128x128xf32>
    %dot_general3A = arith.constant dense<0.000000e+00> : vector<2000x128xf32>
    %dot_general3A_13 = tpu.matmul %get3A_9, %get3A_12, %dot_general3A {dimension_numbers = #tpu.dot_dimension_numbers<[1], [0], [0], [1], [0, 0, 1, 1], [], []>, transpose_lhs_hint = false} : vector<2000x128xf32>, vector<128x128xf32>, vector<2000x128xf32> -> vector<2000x128xf32>
    %broadcast_in_dim3A = vector.shape_cast %rsqrt3A : vector<2000xf32> to vector<2000x1xf32>
    %mul3A = vector.broadcast %broadcast_in_dim3A : vector<2000x1xf32> to vector<2000x128xf32>
    %mul3A_14 = arith.mulf %dot_general3A_13, %mul3A : vector<2000x128xf32>
    %swap3A = arith.constant 0 : index
    %swap3A_15 = arith.constant 0 : index
    %swap3A_16 = vector.load %arg4[%swap3A, %swap3A_15] : memref<2000x128xf32, #tpu.memory_space<vmem>>, vector<2000x128xf32>
    tpu.vector_store %arg4[%swap3A, %swap3A_15], %mul3A_14 {strides = array<i32>} : memref<2000x128xf32, #tpu.memory_space<vmem>>, vector<2000x128xf32>,
    return
  }
  func.func @transform_0(%arg0: i32) -> (i32, i32) {
    %c0_i32 = arith.constant 0 : i32
    %c0_i32_0 = arith.constant 0 : i32
    return %arg0, %c0_i32 : i32, i32
  }
  func.func @transform_1(%arg0: i32) -> (i32, i32) {
    %c0_i32 = arith.constant 0 : i32
    %c0_i32_0 = arith.constant 0 : i32
    return %arg0, %c0_i32 : i32, i32
  }
  func.func @transform_2(%arg0: i32) -> (i32, i32) {
    %c0_i32 = arith.constant 0 : i32
    %c0_i32_0 = arith.constant 0 : i32
    %c0_i32_1 = arith.constant 0 : i32
    return %c0_i32, %c0_i32_0 : i32, i32
  }
  func.func @transform_3(%arg0: i32) -> (i32, i32) {
    %c0_i32 = arith.constant 0 : i32
    %c0_i32_0 = arith.constant 0 : i32
    return %arg0, %c0_i32 : i32, i32
  }
}

module attributes {stable_mosaic.version = 14 : i64} {
  func.func @body(%arg0: i32, %arg1: memref<2000x2xf32, #tpu.memory_space<vmem>>, %arg2: memref<2000x128xf32, #tpu.memory_space<vmem>>, %arg3: memref<2000x128xf32, #tpu.memory_space<vmem>>, %arg4: memref<2000x128xf32, #tpu.memory_space<vmem>>, %arg5: memref<1x128xf32, #tpu.memory_space<vmem>>, %arg6: memref<128x128xf32, #tpu.memory_space<vmem>>, %arg7: memref<2000x128xf32, #tpu.memory_space<vmem>>) attributes {dimension_semantics = [#tpu.dimension_semantics<arbitrary>], iteration_bounds = array<i64: 5>, scalar_prefetch = 0 : i64, scratch_operands = 0 : i64, tpu.core_type = #tpu.core_type<tc>, window_params = [{transform_indices = @transform_0, window_bounds = array<i64: 2000, 2>}, {transform_indices = @transform_1, window_bounds = array<i64: 2000, 128>}, {transform_indices = @transform_2, window_bounds = array<i64: 2000, 128>}, {transform_indices = @transform_3, window_bounds = array<i64: 2000, 128>}, {pipeline_mode = #tpu.pipeline_mode<synchronous>, transform_indices = @transform_4, window_bounds = array<i64: 1, 128>}, {pipeline_mode = #tpu.pipeline_mode<synchronous>, transform_indices = @transform_5, window_bounds = array<i64: 128, 128>}, {transform_indices = @transform_6, window_bounds = array<i64: 2000, 128>}]} {
    %get3A = arith.constant 0 : index
    %get3A_0 = arith.constant 0 : index
    %get3A_1 = vector.load %arg1[%get3A, %get3A_0] : memref<2000x2xf32, #tpu.memory_space<vmem>>, vector<2000x2xf32>
    %slice3A = vector.extract_strided_slice %get3A_1 {offsets = [0, 0], sizes = [2000, 1], strides = [1, 1]} : vector<2000x2xf32> to vector<2000x1xf32>
    %squeeze3A = vector.shape_cast %slice3A : vector<2000x1xf32> to vector<2000xf32>
    %slice3A_2 = vector.extract_strided_slice %get3A_1 {offsets = [0, 1], sizes = [2000, 1], strides = [1, 1]} : vector<2000x2xf32> to vector<2000x1xf32>
    %squeeze3A_3 = vector.shape_cast %slice3A_2 : vector<2000x1xf32> to vector<2000xf32>
    %add3A = arith.addf %squeeze3A, %squeeze3A_3 : vector<2000xf32>
    %add3A_4 = arith.constant 1.000000e+00 : f32
    %add3A_5 = vector.broadcast %add3A_4 : f32 to vector<2000xf32>
    %add3A_6 = arith.addf %add3A, %add3A_5 : vector<2000xf32>
    %rsqrt3A = math.rsqrt %add3A_6 : vector<2000xf32>
    %get3A_7 = arith.constant 0 : index
    %get3A_8 = arith.constant 0 : index
    %get3A_9 = vector.load %arg2[%get3A_7, %get3A_8] : memref<2000x128xf32, #tpu.memory_space<vmem>>, vector<2000x128xf32>
    %get3A_10 = arith.constant 0 : index
    %get3A_11 = arith.constant 0 : index
    %get3A_12 = vector.load %arg3[%get3A_10, %get3A_11] : memref<2000x128xf32, #tpu.memory_space<vmem>>, vector<2000x128xf32>
    %add3A_13 = arith.addf %get3A_9, %get3A_12 : vector<2000x128xf32>
    %get3A_14 = arith.constant 0 : index
    %get3A_15 = arith.constant 0 : index
    %get3A_16 = vector.load %arg4[%get3A_14, %get3A_15] : memref<2000x128xf32, #tpu.memory_space<vmem>>, vector<2000x128xf32>
    %add3A_17 = arith.addf %add3A_13, %get3A_16 : vector<2000x128xf32>
    %broadcast_in_dim3A = vector.shape_cast %rsqrt3A : vector<2000xf32> to vector<2000x1xf32>
    %mul3A = vector.broadcast %broadcast_in_dim3A : vector<2000x1xf32> to vector<2000x128xf32>
    %mul3A_18 = arith.mulf %add3A_17, %mul3A : vector<2000x128xf32>
    %get3A_19 = arith.constant 0 : index
    %get3A_20 = arith.constant 0 : index
    %get3A_21 = vector.load %arg5[%get3A_19, %get3A_20] : memref<1x128xf32, #tpu.memory_space<vmem>>, vector<1x128xf32>
    %add3A_22 = vector.broadcast %get3A_21 : vector<1x128xf32> to vector<2000x128xf32>
    %add3A_23 = arith.addf %mul3A_18, %add3A_22 : vector<2000x128xf32>
    %max3A = arith.constant 0.000000e+00 : f32
    %max3A_24 = vector.broadcast %max3A : f32 to vector<2000x128xf32>
    %max3A_25 = arith.maximumf %add3A_23, %max3A_24 : vector<2000x128xf32>
    %get3A_26 = arith.constant 0 : index
    %get3A_27 = arith.constant 0 : index
    %get3A_28 = vector.load %arg6[%get3A_26, %get3A_27] : memref<128x128xf32, #tpu.memory_space<vmem>>, vector<128x128xf32>
    %dot_general3A = arith.constant dense<0.000000e+00> : vector<2000x128xf32>
    %dot_general3A_29 = tpu.matmul %max3A_25, %get3A_28, %dot_general3A {dimension_numbers = #tpu.dot_dimension_numbers<[1], [0], [0], [1], [0, 0, 1, 1], [], []>, transpose_lhs_hint = false} : vector<2000x128xf32>, vector<128x128xf32>, vector<2000x128xf32> -> vector<2000x128xf32>
    %broadcast_in_dim3A_30 = vector.shape_cast %rsqrt3A : vector<2000xf32> to vector<2000x1xf32>
    %mul3A_31 = vector.broadcast %broadcast_in_dim3A_30 : vector<2000x1xf32> to vector<2000x128xf32>
    %mul3A_32 = arith.mulf %dot_general3A_29, %mul3A_31 : vector<2000x128xf32>
    %swap3A = arith.constant 0 : index
    %swap3A_33 = arith.constant 0 : index
    %swap3A_34 = vector.load %arg7[%swap3A, %swap3A_33] : memref<2000x128xf32, #tpu.memory_space<vmem>>, vector<2000x128xf32>
    tpu.vector_store %arg7[%swap3A, %swap3A_33], %mul3A_32 {strides = array<i32>} : memref<2000x128xf32, #tpu.memory_space<vmem>>, vector<2000x128xf32>,
    return
  }
  func.func @transform_0(%arg0: i32) -> (i32, i32) {
    %c0_i32 = arith.constant 0 : i32
    %c0_i32_0 = arith.constant 0 : i32
    return %arg0, %c0_i32 : i32, i32
  }
  func.func @transform_1(%arg0: i32) -> (i32, i32) {
    %c0_i32 = arith.constant 0 : i32
    %c0_i32_0 = arith.constant 0 : i32
    return %arg0, %c0_i32 : i32, i32
  }
  func.func @transform_2(%arg0: i32) -> (i32, i32) {
    %add3A = arith.constant 5 : i32
    %add3A_0 = arith.addi %add3A, %arg0 : i32
    %c0_i32 = arith.constant 0 : i32
    %c0_i32_1 = arith.constant 0 : i32
    return %add3A_0, %c0_i32 : i32, i32
  }
  func.func @transform_3(%arg0: i32) -> (i32, i32) {
    %c0_i32 = arith.constant 0 : i32
    %c0_i32_0 = arith.constant 0 : i32
    return %arg0, %c0_i32 : i32, i32
  }
  func.func @transform_4(%arg0: i32) -> (i32, i32) {
    %c0_i32 = arith.constant 0 : i32
    %c0_i32_0 = arith.constant 0 : i32
    %c0_i32_1 = arith.constant 0 : i32
    return %c0_i32, %c0_i32_0 : i32, i32
  }
  func.func @transform_5(%arg0: i32) -> (i32, i32) {
    %c0_i32 = arith.constant 0 : i32
    %c0_i32_0 = arith.constant 0 : i32
    %c0_i32_1 = arith.constant 0 : i32
    return %c0_i32, %c0_i32_0 : i32, i32
  }
  func.func @transform_6(%arg0: i32) -> (i32, i32) {
    %c0_i32 = arith.constant 0 : i32
    %c0_i32_0 = arith.constant 0 : i32
    return %arg0, %c0_i32 : i32, i32
  }
}

module attributes {stable_mosaic.version = 14 : i64} {
  func.func @body(%arg0: i32, %arg1: memref<2000x2xf32, #tpu.memory_space<vmem>>, %arg2: memref<2000x128xf32, #tpu.memory_space<vmem>>, %arg3: memref<2000x128xf32, #tpu.memory_space<vmem>>, %arg4: memref<2000x128xf32, #tpu.memory_space<vmem>>, %arg5: memref<1x128xf32, #tpu.memory_space<vmem>>, %arg6: memref<2000x128xf32, #tpu.memory_space<vmem>>) attributes {dimension_semantics = [#tpu.dimension_semantics<arbitrary>], iteration_bounds = array<i64: 5>, scalar_prefetch = 0 : i64, scratch_operands = 0 : i64, tpu.core_type = #tpu.core_type<tc>, window_params = [{transform_indices = @transform_0, window_bounds = array<i64: 2000, 2>}, {transform_indices = @transform_1, window_bounds = array<i64: 2000, 128>}, {transform_indices = @transform_2, window_bounds = array<i64: 2000, 128>}, {transform_indices = @transform_3, window_bounds = array<i64: 2000, 128>}, {pipeline_mode = #tpu.pipeline_mode<synchronous>, transform_indices = @transform_4, window_bounds = array<i64: 1, 128>}, {transform_indices = @transform_5, window_bounds = array<i64: 2000, 128>}]} {
    %get3A = arith.constant 0 : index
    %get3A_0 = arith.constant 0 : index
    %get3A_1 = vector.load %arg1[%get3A, %get3A_0] : memref<2000x2xf32, #tpu.memory_space<vmem>>, vector<2000x2xf32>
    %slice3A = vector.extract_strided_slice %get3A_1 {offsets = [0, 0], sizes = [2000, 1], strides = [1, 1]} : vector<2000x2xf32> to vector<2000x1xf32>
    %squeeze3A = vector.shape_cast %slice3A : vector<2000x1xf32> to vector<2000xf32>
    %slice3A_2 = vector.extract_strided_slice %get3A_1 {offsets = [0, 1], sizes = [2000, 1], strides = [1, 1]} : vector<2000x2xf32> to vector<2000x1xf32>
    %squeeze3A_3 = vector.shape_cast %slice3A_2 : vector<2000x1xf32> to vector<2000xf32>
    %add3A = arith.addf %squeeze3A, %squeeze3A_3 : vector<2000xf32>
    %add3A_4 = arith.constant 1.000000e+00 : f32
    %add3A_5 = vector.broadcast %add3A_4 : f32 to vector<2000xf32>
    %add3A_6 = arith.addf %add3A, %add3A_5 : vector<2000xf32>
    %rsqrt3A = math.rsqrt %add3A_6 : vector<2000xf32>
    %get3A_7 = arith.constant 0 : index
    %get3A_8 = arith.constant 0 : index
    %get3A_9 = vector.load %arg2[%get3A_7, %get3A_8] : memref<2000x128xf32, #tpu.memory_space<vmem>>, vector<2000x128xf32>
    %get3A_10 = arith.constant 0 : index
    %get3A_11 = arith.constant 0 : index
    %get3A_12 = vector.load %arg3[%get3A_10, %get3A_11] : memref<2000x128xf32, #tpu.memory_space<vmem>>, vector<2000x128xf32>
    %add3A_13 = arith.addf %get3A_9, %get3A_12 : vector<2000x128xf32>
    %get3A_14 = arith.constant 0 : index
    %get3A_15 = arith.constant 0 : index
    %get3A_16 = vector.load %arg4[%get3A_14, %get3A_15] : memref<2000x128xf32, #tpu.memory_space<vmem>>, vector<2000x128xf32>
    %add3A_17 = arith.addf %add3A_13, %get3A_16 : vector<2000x128xf32>
    %broadcast_in_dim3A = vector.shape_cast %rsqrt3A : vector<2000xf32> to vector<2000x1xf32>
    %mul3A = vector.broadcast %broadcast_in_dim3A : vector<2000x1xf32> to vector<2000x128xf32>
    %mul3A_18 = arith.mulf %add3A_17, %mul3A : vector<2000x128xf32>
    %get3A_19 = arith.constant 0 : index
    %get3A_20 = arith.constant 0 : index
    %get3A_21 = vector.load %arg5[%get3A_19, %get3A_20] : memref<1x128xf32, #tpu.memory_space<vmem>>, vector<1x128xf32>
    %add3A_22 = vector.broadcast %get3A_21 : vector<1x128xf32> to vector<2000x128xf32>
    %add3A_23 = arith.addf %mul3A_18, %add3A_22 : vector<2000x128xf32>
    %swap3A = arith.constant 0 : index
    %swap3A_24 = arith.constant 0 : index
    %swap3A_25 = vector.load %arg6[%swap3A, %swap3A_24] : memref<2000x128xf32, #tpu.memory_space<vmem>>, vector<2000x128xf32>
    tpu.vector_store %arg6[%swap3A, %swap3A_24], %add3A_23 {strides = array<i32>} : memref<2000x128xf32, #tpu.memory_space<vmem>>, vector<2000x128xf32>,
    return
  }
  func.func @transform_0(%arg0: i32) -> (i32, i32) {
    %c0_i32 = arith.constant 0 : i32
    %c0_i32_0 = arith.constant 0 : i32
    return %arg0, %c0_i32 : i32, i32
  }
  func.func @transform_1(%arg0: i32) -> (i32, i32) {
    %c0_i32 = arith.constant 0 : i32
    %c0_i32_0 = arith.constant 0 : i32
    return %arg0, %c0_i32 : i32, i32
  }
  func.func @transform_2(%arg0: i32) -> (i32, i32) {
    %add3A = arith.constant 5 : i32
    %add3A_0 = arith.addi %add3A, %arg0 : i32
    %c0_i32 = arith.constant 0 : i32
    %c0_i32_1 = arith.constant 0 : i32
    return %add3A_0, %c0_i32 : i32, i32
  }
  func.func @transform_3(%arg0: i32) -> (i32, i32) {
    %c0_i32 = arith.constant 0 : i32
    %c0_i32_0 = arith.constant 0 : i32
    return %arg0, %c0_i32 : i32, i32
  }
  func.func @transform_4(%arg0: i32) -> (i32, i32) {
    %c0_i32 = arith.constant 0 : i32
    %c0_i32_0 = arith.constant 0 : i32
    %c0_i32_1 = arith.constant 0 : i32
    return %c0_i32, %c0_i32_0 : i32, i32
  }
  func.func @transform_5(%arg0: i32) -> (i32, i32) {
    %c0_i32 = arith.constant 0 : i32
    %c0_i32_0 = arith.constant 0 : i32
    return %arg0, %c0_i32 : i32, i32
  }
}

</mosaic_0001>

<sc_bundles>
// kernel: kernel.10.cloned.1.call-start
scs
__scs_entry_jumppad:
0x0: {  	(pc) =	sbr.rel $0x88, $3  }
0x1: {  	(tag) =	ssettag $0x0;
	lr =	simm.s32 $0x1  }
0x2: {  	[smem:$0x3F99] =	sst lr;
	_ =	strace $0xD0000000  }
0x3: {  	_ = 	snop  }
0x4: {  	_ = 	snop  }
0x5: {  	_ = 	snop  }
0x6: {  	_ = 	snop  }
0x7: {  	_ = 	snop  }
__scs_overlays_trampoline_lowered:
0x8: {  	[smem:$0x3FA8] =	sst s0  }
0x9: {  	[smem:$0x3FA9] =	sst s1  }
0xa: {  	[smem:$0x3FAA] =	sst s2  }
0xb: {  	[smem:$0x3FAB] =	sst s3  }
0xc: {  	[smem:$0x3FAC] =	sst s4  }
0xd: {  	[smem:$0x3FAD] =	sst s5  }
0xe: {  	[smem:$0x3FAE] =	sst s6  }
0xf: {  	[smem:$0x3FAF] =	sst s7  }
0x10: {  	[smem:$0x3FB0] =	sst s8  }
0x11: {  	[smem:$0x3FB1] =	sst s9;
	s0 =	simm.s32 @!p0 $0x0  }
0x12: {  	s1 =	sld [smem:$0x3F97];
	s0 =	simm.s32 @p0 $0x1  }
0x13: {  	[smem:$0x3FB2] =	sst s0;
	s0 =	simm.s32 @!p1 $0x0  }
0x14: {  	s2 =	sld [smem:$0x3F96];
	s0 =	simm.s32 @p1 $0x1  }
0x15: {  	[smem:$0x3FB3] =	sst s0;
	s0 =	simm.s32 @!p2 $0x0  }
0x16: {  	s3 =	sld [smem:$0x3FDB];
	s0 =	simm.s32 @p2 $0x1  }
0x17: {  	s4 =	simm.s32 $0x1BF5;
	[smem:$0x3FB5] =	sst s0  }
0x18: {  	s0 =	sld [smem:$0x3F98];
	_ =	swait.ge [sflag:s4], $0x0  }
0x19: {  	s7 =	sld [smem:$0x3F99]  }
0x1a: {  	s8 =	sadd.s32 $0xFFFFE003, lr  }
0x1b: {  	s9 =	sadd.s32 $0xFFFFFEF7, lr;
	s5 =	simm.s32 $0xFFFFFFFF;
	p2 =	slt.u32 s8, $0xFFFFF086  }
0x1c: {  	p1 =	slt.u32 s9, $0xF7A;
	s5 =	simm.s32 @!p2 $0x0  }
0x1d: {  	s5 =	simm.s32 @p1 $0x1;
	p0 =	seq.s32 s7, s2  }
0x1e: {  	s7 =	smul.u32 @!p0 $0xF7A, s2;
	p2 =	seq.s32 @!p0 s5, $0x0  }
0x1f: {  	s9 =	smul.u32 $0xF7A, s1;
	s8 =	simm.s32 @!p0 $0x1BF5;
	p2 =	por !p2, p0  }
0x20: {  	[sflag:s8] =	ssyncset.s32 @!p0 $0xFFFFF086;
	s6 =	sadd.s32 @!p0 s3, s7;
	s7 =	simm.s32 @!p0 $0x108  }
0x21: {  	s3 =	sadd.s32 s3, s9;
	s6 =	sadd.s32 @!p0 $0x88, s6;
	s7 =	simm.s32 @p2 $0x1082  }
0x22: {  	[simem:s7], [sflag:s8] =	dma.local @!p0 [hbm:s6], $0xF7A  }
0x23: {  	s9 =	sor.u32 $0xD0000000, s2;
	s6 =	simm.s32 $0x108;
	_ =	swait.ge @!p0 [sflag:s8], $0x0  }
0x24: {  	s3 =	sadd.s32 $0x88, s3;
	s6 =	simm.s32 @!p1 $0x1082;
	[sflag:s4] =	ssyncset.s32 $0xFFFFF086  }
0x25: {  	[simem:s6], [sflag:s4] =	dma.local [hbm:s3], $0xF7A  }
0x26: {  	[smem:$0x3F99] =	sst s1;
	(tag) =	ssettag s2;
	_ =	strace s9  }
0x27: {  	s1 =	sld [smem:$0x3FA9]  }
0x28: {  	s2 =	sld [smem:$0x3FAA]  }
0x29: {  	s4 =	sld [smem:$0x3FAC]  }
0x2a: {  	p0 =	seq.s32 s5, $0x0;
	s5 =	sld [smem:$0x3FAD]  }
0x2b: {  	s6 =	sld [smem:$0x3FAE]  }
0x2c: {  	s7 =	sld [smem:$0x3FAF]  }
0x2d: {  	s3 =	simm.s32 $0x108;
	s8 =	sld [smem:$0x3FB0]  }
0x2e: {  	s3 =	simm.s32 @!p0 $0x1082;
	s9 =	sld [smem:$0x3FB1]  }
0x2f: {  	lr =	sadd.s32 s0, s3;
	s0 =	sld [smem:$0x3FA8]  }
0x30: {  	s3 =	sld [smem:$0x3FAB]  }
0x31: {  	[smem:$0x3FB4] =	sst s10  }
0x32: {  	s10 =	sld [smem:$0x3FB2];
	_ =	sdelay $0x3  }
0x33: {  	p0 =	seq.s32 s10, $0x1;
	s10 =	sld [smem:$0x3FB4];
	_ =	sdelay $0x3  }
0x34: {  	[smem:$0x3FB4] =	sst s10  }
0x35: {  	s10 =	sld [smem:$0x3FB3];
	_ =	sdelay $0x3  }
0x36: {  	p1 =	seq.s32 s10, $0x1;
	s10 =	sld [smem:$0x3FB4];
	_ =	sdelay $0x3  }
0x37: {  	[smem:$0x3FB4] =	sst s10  }
0x38: {  	s10 =	sld [smem:$0x3FB5]  }
0x39: {  	_ = 	snop;
	(pc) =	sbr.ind lr, $3  }
0x3a: {  	_ = 	snop  }
0x3b: {  	_ = 	snop  }
0x3c: {  	p2 =	seq.s32 s10, $0x1;
	s10 =	sld [smem:$0x3FB4]  }
0x3d: {  	_ =	shalt  }
0x3e: {  	_ =	shalt  }
0x3f: {  	_ =	shalt  }
0x40: {  	_ =	shalt  }
0x41: {  	_ =	shalt  }
0x42: {  	_ =	shalt  }
0x43: {  	_ =	shalt  }
0x44: {  	_ =	shalt  }
0x45: {  	_ =	shalt  }
0x46: {  	_ =	shalt  }
0x47: {  	_ =	shalt  }
0x48: {  	_ =	shalt  }
0x49: {  	_ =	shalt  }
0x4a: {  	_ =	shalt  }
0x4b: {  	_ =	shalt  }
0x4c: {  	_ =	shalt  }
0x4d: {  	_ =	shalt  }
0x4e: {  	_ =	shalt  }
0x4f: {  	_ =	shalt  }
0x50: {  	_ =	shalt  }
0x51: {  	_ =	shalt  }
0x52: {  	_ =	shalt  }
0x53: {  	_ =	shalt  }
0x54: {  	_ =	shalt  }
0x55: {  	_ =	shalt  }
0x56: {  	_ =	shalt  }
0x57: {  	_ =	shalt  }
0x58: {  	_ =	shalt  }
0x59: {  	_ =	shalt  }
0x5a: {  	_ =	shalt  }
0x5b: {  	_ =	shalt  }
0x5c: {  	_ =	shalt  }
0x5d: {  	_ =	shalt  }
0x5e: {  	_ =	shalt  }
0x5f: {  	_ =	shalt  }
0x60: {  	_ =	shalt  }
0x61: {  	_ =	shalt  }
0x62: {  	_ =	shalt  }
0x63: {  	_ =	shalt  }
0x64: {  	_ =	shalt  }
0x65: {  	_ =	shalt  }
0x66: {  	_ =	shalt  }
0x67: {  	_ =	shalt  }
0x68: {  	_ =	shalt  }
0x69: {  	_ =	shalt  }
0x6a: {  	_ =	shalt  }
0x6b: {  	_ =	shalt  }
0x6c: {  	_ =	shalt  }
0x6d: {  	_ =	shalt  }
0x6e: {  	_ =	shalt  }
0x6f: {  	_ =	shalt  }
0x70: {  	_ =	shalt  }
0x71: {  	_ =	shalt  }
0x72: {  	_ =	shalt  }
0x73: {  	_ =	shalt  }
0x74: {  	_ =	shalt  }
0x75: {  	_ =	shalt  }
0x76: {  	_ =	shalt  }
0x77: {  	_ =	shalt  }
0x78: {  	_ =	shalt  }
0x79: {  	_ =	shalt  }
0x7a: {  	_ =	shalt  }
0x7b: {  	_ =	shalt  }
0x7c: {  	_ =	shalt  }
0x7d: {  	_ =	shalt  }
0x7e: {  	_ =	shalt  }
0x7f: {  	_ =	shalt  }
0x80: {  	_ =	shalt  }
0x81: {  	_ =	shalt  }
0x82: {  	_ =	shalt  }
0x83: {  	_ =	shalt  }
0x84: {  	_ =	shalt  }
0x85: {  	_ =	shalt  }
0x86: {  	_ =	shalt  }
0x87: {  	_ =	shalt  }
.Lfunc_end0:
.L_simem_size_0:
called_computation_lowered:
.L_overlay_start_0:
0x88: {  	s2 =	sld [smem:$0x3FD9]  }
0x89: {  	s3 =	sld [smem:$0x3FFE];
	_ =	sdelay $0x1  }
0x8a: {  	s1 =	srdreg.scid  }
0x8b: {  	s0 =	sand.u32 $0x1, s1  }
0x8c: {  	s17 =	sshll.u32 s0, $0xA;
	s2 =	sadd.s32 s3, s2  }
0x8d: {  	s2 =	sadd.s32 s2, s17  }
0x8e: {  	[smem:$0x3FC0] =	sst s2  }
0x8f: {  	_ = 	snop  }
0x90: {  	s2 =	sld [smem:$0x3FD0];
	(tm) =	ssettm $0x1  }
0x91: {  	s18 =	sld [smem:$0x3FFB];
	_ =	sdelay $0x3  }
0x92: {  	_ =	strace s18  }
0x93: {  	s3 =	sld [smem:$0x3FFC];
	_ =	sdelay $0x3  }
0x94: {  	_ =	strace s3  }
0x95: {  	s3 =	sld [smem:$0x3FFD];
	_ =	sdelay $0x3  }
0x96: {  	_ =	strace s3  }
0x97: {  	_ =	strace $0x8FFFFFFF  }
0x98: {  	s19 =	sld [smem:$0x3FDB];
	_ =	sdelay $0x1  }
0x99: {  	s4 =	simm.s32 $_scs_section_size  }
0x9a: {  	s5 =	simm.s32 $_size__tile_overlayer_lowered;
	s6 =	simm.s32 $_tile_overlayer_lowered  }
0x9b: {  	s22 =	simm.s32 $0x1BFF;
	s21 =	sshll.u32 s6, $0x1;
	s3 =	sadd.s32 s4, s19  }
0x9c: {  	s7 =	simm.s32 $0x0;
	s20 =	sshll.u32 s5, $0x1;
	s5 =	sadd.s32 s21, s3  }
0x9d: {  	[timem:s7], [sflag:s22] =	dma.local [hbm:s5], s20  }
0x9e: {  	_ =	swait.ge [sflag:s22], s20  }
0x9f: {  	s4 =	ssub.s32 $0x0, s20;
	[sflag:s22] =	ssyncset.done $0x0  }
0xa0: {  	[sflag:s22] =	ssyncadd.s32 s4;
	_ =	sdelay $0x1  }
0xa1: {  	s23 =	simm.s32 $0x1B8B  }
0xa2: {  	_ =	swait.ge [sflag:s23], $0x1  }
0xa3: {  	[sflag:s23] =	ssyncset.done $0x0  }
0xa4: {  	s25 =	simm.s32 $0x1B8E;
	s24 =	sld [smem:$0x3FFE];
	[sflag:s23] =	ssyncadd.s32 $0xFFFFFFFF  }
0xa5: {  	s26 =	simm.s32 $execute0_lowered;
	[smem:$0x3FD2] =	sst s25  }
0xa6: {  	s5 =	sshll.u32 s26, $0x1;
	_ =	strace $0x80000046;
	[dreg:$0x1] =	wrdreg $0xFFFFFFFF  }
0xa7: {  	s28 =	simm.s32 $_size_execute0_lowered;
	s3 =	sadd.s32 s3, s5;
	[dreg:$0x0] =	wrdreg $0x0  }
0xa8: {  	s5 =	sshll.u32 s28, $0x1;
	[dreg:$0x2] =	wrdreg s3  }
0xa9: {  	[dreg:$0x3] =	wrdreg s5  }
0xaa: {  	[dreg:$0x4] =	wrdreg $0xC0  }
0xab: {  	_ =	task [dreg:s7], $0x5FFFF  }
0xac: {  	[dreg:$0x1] =	wrdreg $0xFFFFFFFF  }
0xad: {  	[dreg:$0x0] =	wrdreg $0x60  }
0xae: {  	[dreg:$0x2] =	wrdreg s24  }
0xaf: {  	[dreg:$0x3] =	wrdreg s2  }
0xb0: {  	[dreg:$0x4] =	wrdreg $0x2800  }
0xb1: {  	[dreg:$0x5] =	wrdreg $0x9  }
0xb2: {  	_ =	task.clear_ibuf [dreg:s7], $0x6FFFF;
	_ =	strace $0x90000046  }
0xb3: {  	s29 =	simm.s32 $0x9;
	_ =	strace $0x80000048  }
0xb4: {  	_ =	swait.ge [sflag:s29], $0x1  }
0xb5: {  	[sflag:s29] =	ssyncadd.s32 $0xFFFFFFFF  }
0xb6: {  	_ =	strace $0x90000048  }
0xb7: {  	_ =	sfence  }
0xb8: {  	s30 =	sld [smem:$0x0];
	_ =	sdelay $0x2  }
0xb9: {  	s31 =	sshll.u32 s1, $0xD;
	s1 =	sshrl.u32 s1, $0x2  }
0xba: {  	s3 =	sand.u32 $0x4000, s31;
	s1 =	sadd.s32 s1, s30  }
0xbb: {  	s0 =	sor.u32 s3, s0;
	s1 =	sshll.u32 s1, $0x11  }
0xbc: {  	s0 =	sor.u32 s1, s0  }
0xbd: {  	s0 =	sadd.s32 $0x8F2B, s0  }
0xbe: {  	[sflag:s0] =	ssyncadd.remote.s32 $0x1  }
0xbf: {  	_ =	sfence.sel $0xFFFF  }
0xc0: {  	[dreg:$0x0] =	wrdreg $0xFFFFFFFF;
	(pc) =	sbr.abs _section_cstart, $3  }
0xc1: {  	[dreg:$0x1] =	wrdreg $0xFFFFFFFF  }
0xc2: {  	_ =	task.clear_ibuf [dreg:s7], $0x2FFFF;
	_ =	strace $0x9FFFFFFF  }
0xc3: {  	(tm) =	ssettm $0x7FFFFFFF  }
tec
execute0_lowered:
.L_overlay_start_1:
0x0: {  	(tag) =	ssettag $0x1  }
0x1: {  	s5 =	rddreg [dreg:$0x0]  }
0x2: {  	s10 =	rddreg [dreg:$0x1];
	s1 =	srdreg.scid  }
0x3: {  	s0 =	stileid.u32;
	s2 =	rddreg [dreg:$0x2]  }
0x4: {  	s3 =	simm.s32 $0x0;
	s16 =	simm.s32 $0x100;
	s17 =	simm.s32 $0x180  }
0x5: {  	s19 =	simm.s32 $0x3;
	s20 =	simm.s32 $0x1;
	s21 =	simm.s32 $0x50  }
0x6: {  	s22 =	simm.s32 $0x200;
	s23 =	simm.s32 $0x2;
	s11 =	smul.u32 $0x280, s0  }
0x7: {  	s24 =	simm.s32 $0x0;
	s6 =	sand.u32 $0x1, s1;
	s8 =	smul.u32 $0x1B80, s0  }
0x8: {  	[smem:$0x7FF] =	sst s3;
	s4 =	sadd.s32 $0x2A00, s5;
	s9 =	smul.u32 $0x3340, s0  }
0x9: {  	s31 =	sshll.u32 s0, $0x6;
	s7 =	smul.u32 $0x2800, s6;
	_ =	strace $0x80000047  }
0xa: {  	p0 =	seq.s32 s6, $0x0;
	s6 =	ssub.s32 $0x2, s6;
	s14 =	sadd.s32 $0x33400, s8  }
0xb: {  	s29 =	sshrl.u32 s6, $0x1;
	s18 =	sadd.s32 s11, s2;
	s7 =	sadd.s32 s11, s7  }
0xc: {  	s14 =	smov.u32 @p0 s9;
	s15 =	ssub.s32 s6, s29;
	s11 =	sor.u32 $0x1C03, s31  }
0xd: {  	s18 =	sshrl.u32 s18, $0x3;
	s12 =	sshrl.u32 s7, $0x3;
	s30 =	sshrl.u32 s14, $0x3  }
0xe: {  	s14 =	sadd.s32 $0x230, s14;
	s13 =	sadd.s32 s12, s5;
	s5 =	simm.s32 $0x29  }
0xf: {  	s6 =	sadd.s32 s4, s30;
	s10 =	sadd.s32 s10, s12;
	s5 =	simm.s32 @!p0 $0x16  }
0x10: {  	s7 =	sadd.s32 $0xA, s6;
	s8 =	sadd.s32 $0x14, s6;
	s9 =	sadd.s32 $0x1E, s6  }
0x11: {  	v0 =	vimm.f32 $1.000000000e+00;
	s12 =	sadd.s32 $0xC800, s13;
	s13 =	smax.u32 s15, $0x1;
	s15 =	simm.s32 $0x80  }
.LBB2_1:
0x12: {  	[tilespmem:s3], [sflag:$0x1] =	stream.linear.gather [hbm4b:s6+s3], $0x50, $0x38;
	[tilespmem:$0x500] =	vst v63  }
0x13: {  	_ = 	snop  }
0x14: {  	[tilespmem:s15], [sflag:$0x1] =	stream.linear.gather [hbm4b:s7+s3], $0x50, $0x38;
	[tilespmem:$0x500] =	vst v63  }
0x15: {  	_ = 	snop  }
0x16: {  	[tilespmem:s16], [sflag:$0x1] =	stream.linear.gather [hbm4b:s8+s3], $0x50, $0x38;
	[tilespmem:$0x500] =	vst v63  }
0x17: {  	_ = 	snop  }
0x18: {  	[tilespmem:s17], [sflag:$0x1] =	stream.linear.gather [hbm4b:s9+s3], $0x50, $0x38;
	[tilespmem:$0x500] =	vst v63  }
0x19: {  	[spmem:s18], [sflag:s11] =	dma.local [hbm:s10], $0x50  }
0x1a: {  	_ =	swait.ge [sflag:s19], $0x50  }
0x1b: {  	[sflag:s19] =	ssyncset.done $0x0  }
0x1c: {  	[sflag:s19] =	ssyncadd.s32 $0xFFFFFFB0  }
0x1d: {  	[tilespmem:$0x200] =	vst v0  }
0x1e: {  	[tilespmem:$0x210] =	vst v0  }
0x1f: {  	[tilespmem:$0x220] =	vst v0  }
0x20: {  	[tilespmem:$0x230] =	vst v0  }
0x21: {  	[tilespmem:$0x240] =	vst v0  }
0x22: {  	[bflag:$0x0] =	sbarrier.arrive $0xFFFF  }
0x23: {  	_ =	swait.ge [sflag:s20], $0x50  }
0x24: {  	[sflag:s20] =	ssyncset.done $0x0  }
0x25: {  	[sflag:s20] =	ssyncadd.s32 $0xFFFFFFB0  }
0x26: {  	[spmem:s2] =	stream.indirect.scatter.add.f32 [tilespmem:s22], [sflag:$0x2], $0x1, s3, s21, $0xb8;
	[tilespmem:$0x500] =	vst v63  }
0x27: {  	_ =	swait.ge [sflag:s20], $0x50  }
0x28: {  	[sflag:s20] =	ssyncset.done $0x0  }
0x29: {  	[sflag:s20] =	ssyncadd.s32 $0xFFFFFFB0  }
0x2a: {  	[spmem:s2] =	stream.indirect.scatter.add.f32 [tilespmem:s22], [sflag:$0x2], $0x1, s15, s21, $0xb8;
	[tilespmem:$0x500] =	vst v63  }
0x2b: {  	_ =	swait.ge [sflag:s20], $0x50  }
0x2c: {  	[sflag:s20] =	ssyncset.done $0x0  }
0x2d: {  	[sflag:s20] =	ssyncadd.s32 $0xFFFFFFB0  }
0x2e: {  	[spmem:s2] =	stream.indirect.scatter.add.f32 [tilespmem:s22], [sflag:$0x2], $0x1, s16, s21, $0xb8;
	[tilespmem:$0x500] =	vst v63  }
0x2f: {  	_ =	swait.ge [sflag:s20], $0x50  }
0x30: {  	[sflag:s20] =	ssyncset.done $0x0  }
0x31: {  	[sflag:s20] =	ssyncadd.s32 $0xFFFFFFB0  }
0x32: {  	[spmem:s2] =	stream.indirect.scatter.add.f32 [tilespmem:s22], [sflag:$0x2], $0x1, s17, s21, $0xb8;
	[tilespmem:$0x500] =	vst v63  }
0x33: {  	_ =	swait.ge [sflag:s23], $0x50  }
0x34: {  	[sflag:s23] =	ssyncset.done $0x0  }
0x35: {  	[sflag:s23] =	ssyncadd.s32 $0xFFFFFFB0  }
0x36: {  	_ =	swait.ge [sflag:s23], $0x50  }
0x37: {  	[sflag:s23] =	ssyncset.done $0x0  }
0x38: {  	[sflag:s23] =	ssyncadd.s32 $0xFFFFFFB0  }
0x39: {  	_ =	swait.ge [sflag:s23], $0x50  }
0x3a: {  	[sflag:s23] =	ssyncset.done $0x0  }
0x3b: {  	p1 =	sle.u32 s5, $0x1;
	p0 =	sne.s32 s5, $0x1;
	[sflag:s23] =	ssyncadd.s32 $0xFFFFFFB0  }
0x3c: {  	s25 =	sadd.s32 @!p1 $0xFFFFFF10, s14;
	s26 =	sadd.s32 @!p1 $0xFFFFFF60, s14;
	_ =	swait.ge [sflag:s23], $0x50  }
0x3d: {  	s28 =	simm.s32 @!p1 $0x0;
	s25 =	sshrl.u32 @!p1 s25, $0x3;
	[sflag:s23] =	ssyncset.done $0x0  }
0x3e: {  	s26 =	sshrl.u32 @!p1 s26, $0x3;
	s25 =	sadd.s32 @!p1 s4, s25;
	[sflag:s23] =	ssyncadd.s32 $0xFFFFFFB0  }
0x3f: {  	[tilespmem:s28], [sflag:$0x1] =	stream.linear.gather @!p1 [hbm4b:s25+s28], $0x50, $0x38;
	[tilespmem:$0x500] =	vst v63  }
0x40: {  	s29 =	sadd.s32 @!p1 $0xFFFFFFB0, s14;
	s25 =	sadd.s32 @!p1 s4, s26;
	s26 =	simm.s32 @!p1 $0x80  }
0x41: {  	[tilespmem:s26], [sflag:$0x1] =	stream.linear.gather @!p1 [hbm4b:s25+s28], $0x50, $0x38;
	[tilespmem:$0x500] =	vst v63  }
.Ltmp0:
0x42: {  	s25 =	sshrl.u32 @!p1 s29, $0x3;
	(pc) =	sbr.rel @!p0 .LBB2_3-.Ltmp0, $4  }
0x43: {  	s26 =	simm.s32 @!p1 $0x100;
	s25 =	sadd.s32 @!p1 s4, s25  }
0x44: {  	[tilespmem:s26], [sflag:$0x1] =	stream.linear.gather @!p1 [hbm4b:s25+s28], $0x50, $0x38;
	[tilespmem:$0x500] =	vst v63  }
0x45: {  	s30 =	simm.s32 @!p1 $0x180;
	s26 =	sshrl.u32 @!p1 s14, $0x3  }
0x46: {  	s25 =	simm.s32 $0x1;
	s29 =	sadd.s32 @!p1 s4, s26;
	s26 =	smov.u32 s14  }
.LBB2_2:
0x47: {  	s25 =	sadd.s32 $0x1, s25;
	s26 =	sadd.s32 $0x140, s26  }
0x48: {  	[tilespmem:s30], [sflag:$0x1] =	stream.linear.gather @!p1 [hbm4b:s29+s28], $0x50, $0x38;
	[tilespmem:$0x500] =	vst v63  }
0x49: {  	p0 =	sne.s32 s5, s25;
	_ =	swait.ge [sflag:s20], $0x50  }
0x4a: {  	[sflag:s20] =	ssyncset.done $0x0  }
0x4b: {  	[sflag:s20] =	ssyncadd.s32 $0xFFFFFFB0  }
0x4c: {  	[spmem:s2] =	stream.indirect.scatter.add.f32 [tilespmem:s22], [sflag:$0x2], $0x1, s3, s21, $0xb8;
	[tilespmem:$0x500] =	vst v63  }
0x4d: {  	_ =	swait.ge [sflag:s20], $0x50  }
0x4e: {  	[sflag:s20] =	ssyncset.done $0x0  }
0x4f: {  	[sflag:s20] =	ssyncadd.s32 $0xFFFFFFB0  }
0x50: {  	[spmem:s2] =	stream.indirect.scatter.add.f32 [tilespmem:s22], [sflag:$0x2], $0x1, s15, s21, $0xb8;
	[tilespmem:$0x500] =	vst v63  }
0x51: {  	_ =	swait.ge [sflag:s20], $0x50  }
0x52: {  	[sflag:s20] =	ssyncset.done $0x0  }
0x53: {  	[sflag:s20] =	ssyncadd.s32 $0xFFFFFFB0  }
0x54: {  	[spmem:s2] =	stream.indirect.scatter.add.f32 [tilespmem:s22], [sflag:$0x2], $0x1, s16, s21, $0xb8;
	[tilespmem:$0x500] =	vst v63  }
0x55: {  	_ =	swait.ge [sflag:s20], $0x50  }
0x56: {  	[sflag:s20] =	ssyncset.done $0x0  }
0x57: {  	[sflag:s20] =	ssyncadd.s32 $0xFFFFFFB0  }
0x58: {  	[spmem:s2] =	stream.indirect.scatter.add.f32 [tilespmem:s22], [sflag:$0x2], $0x1, s17, s21, $0xb8;
	[tilespmem:$0x500] =	vst v63  }
0x59: {  	_ =	swait.ge [sflag:s23], $0x50  }
0x5a: {  	[sflag:s23] =	ssyncset.done $0x0  }
0x5b: {  	[sflag:s23] =	ssyncadd.s32 $0xFFFFFFB0  }
0x5c: {  	_ =	swait.ge [sflag:s23], $0x50  }
0x5d: {  	[sflag:s23] =	ssyncset.done $0x0  }
0x5e: {  	[sflag:s23] =	ssyncadd.s32 $0xFFFFFFB0  }
0x5f: {  	_ =	swait.ge [sflag:s23], $0x50  }
0x60: {  	p1 =	sge.u32 s25, s5;
	[sflag:s23] =	ssyncset.done $0x0  }
0x61: {  	s28 =	sadd.s32 @!p1 $0xFFFFFF10, s26;
	[sflag:s23] =	ssyncadd.s32 $0xFFFFFFB0  }
0x62: {  	s29 =	sadd.s32 @!p1 $0xFFFFFF60, s26;
	s31 =	sadd.s32 @!p1 $0xFFFFFFB0, s26;
	_ =	swait.ge [sflag:s23], $0x50  }
0x63: {  	s28 =	sshrl.u32 @!p1 s28, $0x3;
	s29 =	sshrl.u32 @!p1 s29, $0x3;
	[sflag:s23] =	ssyncset.done $0x0  }
0x64: {  	s30 =	sadd.s32 @!p1 s4, s28;
	s28 =	simm.s32 @!p1 $0x0;
	[sflag:s23] =	ssyncadd.s32 $0xFFFFFFB0  }
0x65: {  	[tilespmem:s28], [sflag:$0x1] =	stream.linear.gather @!p1 [hbm4b:s30+s28], $0x50, $0x38;
	[tilespmem:$0x500] =	vst v63  }
.Ltmp1:
0x66: {  	s29 =	sadd.s32 @!p1 s4, s29;
	s30 =	simm.s32 @!p1 $0x80;
	(pc) =	sbr.rel @p0 .LBB2_2-.Ltmp1, $4  }
0x67: {  	[tilespmem:s30], [sflag:$0x1] =	stream.linear.gather @!p1 [hbm4b:s29+s28], $0x50, $0x38;
	[tilespmem:$0x500] =	vst v63  }
0x68: {  	s29 =	sshrl.u32 @!p1 s31, $0x3;
	s31 =	simm.s32 @!p1 $0x100;
	s30 =	sshrl.u32 @!p1 s26, $0x3  }
0x69: {  	s1 =	sadd.s32 @!p1 s4, s29;
	s29 =	sadd.s32 @!p1 s4, s30;
	s30 =	simm.s32 @!p1 $0x180  }
0x6a: {  	[tilespmem:s31], [sflag:$0x1] =	stream.linear.gather @!p1 [hbm4b:s1+s28], $0x50, $0x38;
	[tilespmem:$0x500] =	vst v63  }
.LBB2_3:
0x6b: {  	[tilespmem:s30], [sflag:$0x1] =	stream.linear.gather @!p1 [hbm4b:s29+s28], $0x50, $0x38;
	[tilespmem:$0x500] =	vst v63  }
0x6c: {  	s24 =	sadd.s32 $0x1, s24  }
0x6d: {  	p0 =	sne.s32 s24, s13  }
.Ltmp2:
0x6e: {  	[bflag:$0x0] =	sbarrier.arrive $0xFFFF;
	(pc) =	sbr.rel @p0 .LBB2_1-.Ltmp2, $4  }
0x6f: {  	[hbm:s12], [sflag:s11] =	dma.local [spmem:s18], $0x50  }
0x70: {  	_ =	swait.ge [sflag:s19], $0x50  }
0x71: {  	[sflag:s19] =	ssyncset.done $0x0  }
0x72: {  	[sflag:s19] =	ssyncadd.s32 $0xFFFFFFB0  }
0x73: {  	_ =	sfence.sel $0x180000  }
0x74: {  	[bflag:$0x0] =	sbarrier.arrive $0xFFFF  }
0x75: {  	_ =	strace $0x90000047  }
0x76: {  	[bflag:$0x2] =	sbarrier.arrive $0xFFFF  }
0x77: {  	p0 =	sne.s32 s0, $0x0;
	s0 =	rddreg [dreg:$0x3]  }
0x78: {  	s0 =	sadd.s32 @!p0 $0x100000, s0  }
0x79: {  	[sflag:s0] =	ssyncadd.tile.s32 @!p0 $0x1;
	_ =	shalt  }
.Lfunc_end2:
_tile_overlayer_lowered:
.L_overlay_start_2:
0x7a: {  	(tag) =	ssettag $0x2  }
0x7b: {  	s0 =	rddreg [dreg:$0x0];
	s2 =	stileid.u32  }
0x7c: {  	s1 =	rddreg [dreg:$0x1];
	p0 =	sne.s32 s2, $0x0  }
0x7d: {  	s3 =	rddreg [dreg:$0x2];
	[bflag:$0x3] =	sbarrier.arrive $0xFFFF;
	s2 =	simm.s32 @!p0 $0x1C03  }
0x7e: {  	[timem:s3], [sflag:s2] =	dma.local @!p0 [hbm:s0], s1  }
0x7f: {  	s0 =	simm.s32 @!p0 $0x3  }
0x80: {  	_ =	swait.ge @!p0 [sflag:s0], s1  }
0x81: {  	s1 =	ssub.s32 @!p0 $0x0, s1;
	[sflag:s0] =	ssyncset.done @!p0 $0x0  }
0x82: {  	[sflag:s0] =	ssyncadd.s32 @!p0 s1  }
0x83: {  	[bflag:$0x3] =	sbarrier.arrive $0xFFFF  }
0x84: {  	_ =	shalt  }

// kernel: kernel.13.cloned.1.call-start
scs
__scs_entry_jumppad:
0x0: {  	(pc) =	sbr.rel $0x88, $3  }
0x1: {  	(tag) =	ssettag $0x0;
	lr =	simm.s32 $0x1  }
0x2: {  	[smem:$0x3F99] =	sst lr;
	_ =	strace $0xD0000000  }
0x3: {  	_ = 	snop  }
0x4: {  	_ = 	snop  }
0x5: {  	_ = 	snop  }
0x6: {  	_ = 	snop  }
0x7: {  	_ = 	snop  }
__scs_overlays_trampoline_lowered:
0x8: {  	[smem:$0x3FA8] =	sst s0  }
0x9: {  	[smem:$0x3FA9] =	sst s1  }
0xa: {  	[smem:$0x3FAA] =	sst s2  }
0xb: {  	[smem:$0x3FAB] =	sst s3  }
0xc: {  	[smem:$0x3FAC] =	sst s4  }
0xd: {  	[smem:$0x3FAD] =	sst s5  }
0xe: {  	[smem:$0x3FAE] =	sst s6  }
0xf: {  	[smem:$0x3FAF] =	sst s7  }
0x10: {  	[smem:$0x3FB0] =	sst s8  }
0x11: {  	[smem:$0x3FB1] =	sst s9;
	s0 =	simm.s32 @!p0 $0x0  }
0x12: {  	s1 =	sld [smem:$0x3F97];
	s0 =	simm.s32 @p0 $0x1  }
0x13: {  	[smem:$0x3FB2] =	sst s0;
	s0 =	simm.s32 @!p1 $0x0  }
0x14: {  	s2 =	sld [smem:$0x3F96];
	s0 =	simm.s32 @p1 $0x1  }
0x15: {  	[smem:$0x3FB3] =	sst s0;
	s0 =	simm.s32 @!p2 $0x0  }
0x16: {  	s3 =	sld [smem:$0x3FDB];
	s0 =	simm.s32 @p2 $0x1  }
0x17: {  	s4 =	simm.s32 $0x1BF5;
	[smem:$0x3FB5] =	sst s0  }
0x18: {  	s0 =	sld [smem:$0x3F98];
	_ =	swait.ge [sflag:s4], $0x0  }
0x19: {  	s7 =	sld [smem:$0x3F99]  }
0x1a: {  	s8 =	sadd.s32 $0xFFFFE003, lr  }
0x1b: {  	s9 =	sadd.s32 $0xFFFFFEF7, lr;
	s5 =	simm.s32 $0xFFFFFFFF;
	p2 =	slt.u32 s8, $0xFFFFF086  }
0x1c: {  	p1 =	slt.u32 s9, $0xF7A;
	s5 =	simm.s32 @!p2 $0x0  }
0x1d: {  	s5 =	simm.s32 @p1 $0x1;
	p0 =	seq.s32 s7, s2  }
0x1e: {  	s7 =	smul.u32 @!p0 $0xF7A, s2;
	p2 =	seq.s32 @!p0 s5, $0x0  }
0x1f: {  	s9 =	smul.u32 $0xF7A, s1;
	s8 =	simm.s32 @!p0 $0x1BF5;
	p2 =	por !p2, p0  }
0x20: {  	[sflag:s8] =	ssyncset.s32 @!p0 $0xFFFFF086;
	s6 =	sadd.s32 @!p0 s3, s7;
	s7 =	simm.s32 @!p0 $0x108  }
0x21: {  	s3 =	sadd.s32 s3, s9;
	s6 =	sadd.s32 @!p0 $0x88, s6;
	s7 =	simm.s32 @p2 $0x1082  }
0x22: {  	[simem:s7], [sflag:s8] =	dma.local @!p0 [hbm:s6], $0xF7A  }
0x23: {  	s9 =	sor.u32 $0xD0000000, s2;
	s6 =	simm.s32 $0x108;
	_ =	swait.ge @!p0 [sflag:s8], $0x0  }
0x24: {  	s3 =	sadd.s32 $0x88, s3;
	s6 =	simm.s32 @!p1 $0x1082;
	[sflag:s4] =	ssyncset.s32 $0xFFFFF086  }
0x25: {  	[simem:s6], [sflag:s4] =	dma.local [hbm:s3], $0xF7A  }
0x26: {  	[smem:$0x3F99] =	sst s1;
	(tag) =	ssettag s2;
	_ =	strace s9  }
0x27: {  	s1 =	sld [smem:$0x3FA9]  }
0x28: {  	s2 =	sld [smem:$0x3FAA]  }
0x29: {  	s4 =	sld [smem:$0x3FAC]  }
0x2a: {  	p0 =	seq.s32 s5, $0x0;
	s5 =	sld [smem:$0x3FAD]  }
0x2b: {  	s6 =	sld [smem:$0x3FAE]  }
0x2c: {  	s7 =	sld [smem:$0x3FAF]  }
0x2d: {  	s3 =	simm.s32 $0x108;
	s8 =	sld [smem:$0x3FB0]  }
0x2e: {  	s3 =	simm.s32 @!p0 $0x1082;
	s9 =	sld [smem:$0x3FB1]  }
0x2f: {  	lr =	sadd.s32 s0, s3;
	s0 =	sld [smem:$0x3FA8]  }
0x30: {  	s3 =	sld [smem:$0x3FAB]  }
0x31: {  	[smem:$0x3FB4] =	sst s10  }
0x32: {  	s10 =	sld [smem:$0x3FB2];
	_ =	sdelay $0x3  }
0x33: {  	p0 =	seq.s32 s10, $0x1;
	s10 =	sld [smem:$0x3FB4];
	_ =	sdelay $0x3  }
0x34: {  	[smem:$0x3FB4] =	sst s10  }
0x35: {  	s10 =	sld [smem:$0x3FB3];
	_ =	sdelay $0x3  }
0x36: {  	p1 =	seq.s32 s10, $0x1;
	s10 =	sld [smem:$0x3FB4];
	_ =	sdelay $0x3  }
0x37: {  	[smem:$0x3FB4] =	sst s10  }
0x38: {  	s10 =	sld [smem:$0x3FB5]  }
0x39: {  	_ = 	snop;
	(pc) =	sbr.ind lr, $3  }
0x3a: {  	_ = 	snop  }
0x3b: {  	_ = 	snop  }
0x3c: {  	p2 =	seq.s32 s10, $0x1;
	s10 =	sld [smem:$0x3FB4]  }
0x3d: {  	_ =	shalt  }
0x3e: {  	_ =	shalt  }
0x3f: {  	_ =	shalt  }
0x40: {  	_ =	shalt  }
0x41: {  	_ =	shalt  }
0x42: {  	_ =	shalt  }
0x43: {  	_ =	shalt  }
0x44: {  	_ =	shalt  }
0x45: {  	_ =	shalt  }
0x46: {  	_ =	shalt  }
0x47: {  	_ =	shalt  }
0x48: {  	_ =	shalt  }
0x49: {  	_ =	shalt  }
0x4a: {  	_ =	shalt  }
0x4b: {  	_ =	shalt  }
0x4c: {  	_ =	shalt  }
0x4d: {  	_ =	shalt  }
0x4e: {  	_ =	shalt  }
0x4f: {  	_ =	shalt  }
0x50: {  	_ =	shalt  }
0x51: {  	_ =	shalt  }
0x52: {  	_ =	shalt  }
0x53: {  	_ =	shalt  }
0x54: {  	_ =	shalt  }
0x55: {  	_ =	shalt  }
0x56: {  	_ =	shalt  }
0x57: {  	_ =	shalt  }
0x58: {  	_ =	shalt  }
0x59: {  	_ =	shalt  }
0x5a: {  	_ =	shalt  }
0x5b: {  	_ =	shalt  }
0x5c: {  	_ =	shalt  }
0x5d: {  	_ =	shalt  }
0x5e: {  	_ =	shalt  }
0x5f: {  	_ =	shalt  }
0x60: {  	_ =	shalt  }
0x61: {  	_ =	shalt  }
0x62: {  	_ =	shalt  }
0x63: {  	_ =	shalt  }
0x64: {  	_ =	shalt  }
0x65: {  	_ =	shalt  }
0x66: {  	_ =	shalt  }
0x67: {  	_ =	shalt  }
0x68: {  	_ =	shalt  }
0x69: {  	_ =	shalt  }
0x6a: {  	_ =	shalt  }
0x6b: {  	_ =	shalt  }
0x6c: {  	_ =	shalt  }
0x6d: {  	_ =	shalt  }
0x6e: {  	_ =	shalt  }
0x6f: {  	_ =	shalt  }
0x70: {  	_ =	shalt  }
0x71: {  	_ =	shalt  }
0x72: {  	_ =	shalt  }
0x73: {  	_ =	shalt  }
0x74: {  	_ =	shalt  }
0x75: {  	_ =	shalt  }
0x76: {  	_ =	shalt  }
0x77: {  	_ =	shalt  }
0x78: {  	_ =	shalt  }
0x79: {  	_ =	shalt  }
0x7a: {  	_ =	shalt  }
0x7b: {  	_ =	shalt  }
0x7c: {  	_ =	shalt  }
0x7d: {  	_ =	shalt  }
0x7e: {  	_ =	shalt  }
0x7f: {  	_ =	shalt  }
0x80: {  	_ =	shalt  }
0x81: {  	_ =	shalt  }
0x82: {  	_ =	shalt  }
0x83: {  	_ =	shalt  }
0x84: {  	_ =	shalt  }
0x85: {  	_ =	shalt  }
0x86: {  	_ =	shalt  }
0x87: {  	_ =	shalt  }
.Lfunc_end0:
.L_simem_size_0:
called_computation.1_lowered:
.L_overlay_start_0:
0x88: {  	s2 =	sld [smem:$0x3FD9]  }
0x89: {  	s3 =	sld [smem:$0x3FFE];
	_ =	sdelay $0x1  }
0x8a: {  	s1 =	srdreg.scid  }
0x8b: {  	s0 =	sand.u32 $0x1, s1  }
0x8c: {  	s17 =	sshll.u32 s0, $0xA;
	s2 =	sadd.s32 s3, s2  }
0x8d: {  	s2 =	sadd.s32 s2, s17  }
0x8e: {  	[smem:$0x3FC0] =	sst s2  }
0x8f: {  	_ = 	snop  }
0x90: {  	s2 =	sld [smem:$0x3FD0];
	(tm) =	ssettm $0x1  }
0x91: {  	s18 =	sld [smem:$0x3FFB];
	_ =	sdelay $0x3  }
0x92: {  	_ =	strace s18  }
0x93: {  	s3 =	sld [smem:$0x3FFC];
	_ =	sdelay $0x3  }
0x94: {  	_ =	strace s3  }
0x95: {  	s3 =	sld [smem:$0x3FFD];
	_ =	sdelay $0x3  }
0x96: {  	_ =	strace s3  }
0x97: {  	_ =	strace $0x8FFFFFFF  }
0x98: {  	s19 =	sld [smem:$0x3FDB];
	_ =	sdelay $0x1  }
0x99: {  	s4 =	simm.s32 $_scs_section_size  }
0x9a: {  	s5 =	simm.s32 $_size__tile_overlayer_lowered;
	s6 =	simm.s32 $_tile_overlayer_lowered  }
0x9b: {  	s22 =	simm.s32 $0x1BFF;
	s21 =	sshll.u32 s6, $0x1;
	s3 =	sadd.s32 s4, s19  }
0x9c: {  	s7 =	simm.s32 $0x0;
	s20 =	sshll.u32 s5, $0x1;
	s5 =	sadd.s32 s21, s3  }
0x9d: {  	[timem:s7], [sflag:s22] =	dma.local [hbm:s5], s20  }
0x9e: {  	_ =	swait.ge [sflag:s22], s20  }
0x9f: {  	s4 =	ssub.s32 $0x0, s20;
	[sflag:s22] =	ssyncset.done $0x0  }
0xa0: {  	[sflag:s22] =	ssyncadd.s32 s4;
	_ =	sdelay $0x1  }
0xa1: {  	s23 =	simm.s32 $0x1B8B  }
0xa2: {  	_ =	swait.ge [sflag:s23], $0x1  }
0xa3: {  	[sflag:s23] =	ssyncset.done $0x0  }
0xa4: {  	s25 =	simm.s32 $0x1B8E;
	s24 =	sld [smem:$0x3FFE];
	[sflag:s23] =	ssyncadd.s32 $0xFFFFFFFF  }
0xa5: {  	s26 =	simm.s32 $execute0_lowered;
	[smem:$0x3FD2] =	sst s25  }
0xa6: {  	s5 =	sshll.u32 s26, $0x1;
	_ =	strace $0x80000049;
	[dreg:$0x1] =	wrdreg $0xFFFFFFFF  }
0xa7: {  	s28 =	simm.s32 $_size_execute0_lowered;
	s3 =	sadd.s32 s3, s5;
	[dreg:$0x0] =	wrdreg $0x0  }
0xa8: {  	s5 =	sshll.u32 s28, $0x1;
	[dreg:$0x2] =	wrdreg s3  }
0xa9: {  	[dreg:$0x3] =	wrdreg s5  }
0xaa: {  	[dreg:$0x4] =	wrdreg $0xC0  }
0xab: {  	_ =	task [dreg:s7], $0x5FFFF  }
0xac: {  	[dreg:$0x1] =	wrdreg $0xFFFFFFFF  }
0xad: {  	[dreg:$0x0] =	wrdreg $0x60  }
0xae: {  	[dreg:$0x2] =	wrdreg s2  }
0xaf: {  	[dreg:$0x3] =	wrdreg s24  }
0xb0: {  	[dreg:$0x4] =	wrdreg $0x52000  }
0xb1: {  	[dreg:$0x5] =	wrdreg $0x9  }
0xb2: {  	_ =	task.clear_ibuf [dreg:s7], $0x6FFFF;
	_ =	strace $0x90000049  }
0xb3: {  	s29 =	simm.s32 $0x9;
	_ =	strace $0x8000004B  }
0xb4: {  	_ =	swait.ge [sflag:s29], $0x1  }
0xb5: {  	[sflag:s29] =	ssyncadd.s32 $0xFFFFFFFF  }
0xb6: {  	_ =	strace $0x9000004B  }
0xb7: {  	_ =	sfence  }
0xb8: {  	s30 =	sld [smem:$0x0];
	_ =	sdelay $0x2  }
0xb9: {  	s31 =	sshll.u32 s1, $0xD;
	s1 =	sshrl.u32 s1, $0x2  }
0xba: {  	s3 =	sand.u32 $0x4000, s31;
	s1 =	sadd.s32 s1, s30  }
0xbb: {  	s0 =	sor.u32 s3, s0;
	s1 =	sshll.u32 s1, $0x11  }
0xbc: {  	s0 =	sor.u32 s1, s0  }
0xbd: {  	s0 =	sadd.s32 $0x8F2B, s0  }
0xbe: {  	[sflag:s0] =	ssyncadd.remote.s32 $0x1  }
0xbf: {  	_ =	sfence.sel $0xFFFF  }
0xc0: {  	[dreg:$0x0] =	wrdreg $0xFFFFFFFF;
	(pc) =	sbr.abs _section_cstart, $3  }
0xc1: {  	[dreg:$0x1] =	wrdreg $0xFFFFFFFF  }
0xc2: {  	_ =	task.clear_ibuf [dreg:s7], $0x2FFFF;
	_ =	strace $0x9FFFFFFF  }
0xc3: {  	(tm) =	ssettm $0x7FFFFFFF  }
tec
execute0_lowered:
.L_overlay_start_1:
0x0: {  	(tag) =	ssettag $0x1  }
0x1: {  	s1 =	rddreg [dreg:$0x0]  }
0x2: {  	s0 =	rddreg [dreg:$0x1];
	s12 =	stileid.u32  }
0x3: {  	s2 =	rddreg [dreg:$0x2];
	s4 =	simm.s32 $0x0;
	s8 =	smul.u32 $0x3E80, s12  }
0x4: {  	s3 =	srdreg.scid;
	s28 =	simm.s32 $0x4;
	s9 =	smul.u32 $0x1B80, s12  }
0x5: {  	s29 =	simm.s32 $0x0;
	[smem:$0x7FF] =	sst s4;
	s10 =	smul.u32 $0x3340, s12  }
0x6: {  	s3 =	sand.u32 $0x1, s3;
	s5 =	sadd.s32 $0xD200, s0;
	s19 =	smul.u32 $0x7D000, s12  }
0x7: {  	s6 =	sadd.s32 $0x2A00, s0;
	s7 =	smul.u32 $0x27100, s3;
	s16 =	ssub.s32 $0x2, s3  }
0x8: {  	_ =	strace $0x8000004A;
	p0 =	seq.s32 s3, $0x0;
	s11 =	sshrl.u32 s16, $0x1  }
0x9: {  	s3 =	sadd.s32 $0x33400, s9;
	s23 =	sshrl.u32 s19, $0x2;
	s19 =	simm.s32 $0x50  }
0xa: {  	s7 =	sadd.s32 s8, s7;
	s17 =	ssub.s32 s16, s11;
	s3 =	smov.u32 @p0 s10  }
0xb: {  	s8 =	simm.s32 $0xA4;
	s0 =	sadd.s32 s7, s0;
	s18 =	sshrl.u32 s3, $0x3  }
0xc: {  	s8 =	simm.s32 @!p0 $0x58;
	s15 =	smax.u32 s17, $0x1;
	s16 =	sadd.s32 $0xF0, s3  }
0xd: {  	p0 =	sgt.u32 s12, $0x9;
	s17 =	simm.s32 $0x80;
	s20 =	sadd.s32 s5, s18  }
0xe: {  	s21 =	sadd.s32 $0xA, s18;
	s9 =	sadd.s32 s6, s18;
	[dreg:$0x6] =	wrdreg s20  }
0xf: {  	s25 =	sadd.s32 $0x17000, s0;
	s26 =	sshrl.u32 s8, $0x1;
	[dreg:$0x7] =	wrdreg s9  }
0x10: {  	s14 =	sadd.s32 $0x65200, s0;
	s30 =	sadd.s32 $0xFFFFFFFE, s8;
	[dreg:$0xb] =	wrdreg s25  }
0x11: {  	s31 =	sadd.s32 $0xFFFFFFFD, s8;
	s18 =	simm.s32 $0x1;
	[dreg:$0xc] =	wrdreg s26  }
0x12: {  	s22 =	sadd.s32 s5, s21;
	s24 =	sadd.s32 s6, s21;
	[dreg:$0x4] =	wrdreg s30  }
0x13: {  	s9 =	sadd.s32 s23, s2;
	[dreg:$0x5] =	wrdreg s31;
	s20 =	simm.s32 $0x200  }
0x14: {  	s21 =	simm.s32 $0x100;
	s23 =	simm.s32 $0x2;
	[dreg:$0x8] =	wrdreg s22  }
0x15: {  	s25 =	simm.s32 $0x3;
	s26 =	simm.s32 $0x5;
	[dreg:$0x9] =	wrdreg s24  }
0x16: {  	[dreg:$0xa] =	wrdreg s9;
	s22 =	simm.s32 $0x180;
	s24 =	simm.s32 $0x2A00  }
.LBB2_1:
0x17: {  	s0 =	rddreg [dreg:$0x6]  }
0x18: {  	[tilespmem:s4], [sflag:$0x1] =	stream.linear.gather [hbm4b:s0+s4], $0x50, $0x38;
	[tilespmem:$0x18AC0] =	vst v63  }
0x19: {  	s8 =	rddreg [dreg:$0x7]  }
0x1a: {  	[tilespmem:s17], [sflag:$0x1] =	stream.linear.gather [hbm4b:s8+s4], $0x50, $0x38;
	[tilespmem:$0x18AC0] =	vst v63  }
0x1b: {  	_ =	swait.ge [sflag:s18], $0x50  }
0x1c: {  	[sflag:s18] =	ssyncset.done $0x0  }
0x1d: {  	[sflag:s18] =	ssyncadd.s32 $0xFFFFFFB0  }
0x1e: {  	_ =	swait.ge [sflag:s18], $0x50  }
0x1f: {  	s0 =	stileid.u32;
	[sflag:s18] =	ssyncset.done $0x0;
	s9 =	rddreg [dreg:$0x8]  }
0x20: {  	s0 =	sshll.u32 @!p0 s0, $0x6;
	s10 =	rddreg [dreg:$0x9];
	[sflag:s18] =	ssyncadd.s32 $0xFFFFFFB0  }
0x21: {  	[tilespmem:s20], [sflag:$0x3] =	stream.indirect.gather [hbm4b:s1+s19], $0x80, s4, s19, $0xb8;
	[tilespmem:$0x18AC0] =	vst v63  }
0x22: {  	s31 =	sor.u32 @!p0 $0x1C05, s0;
	s0 =	rddreg [dreg:$0xa]  }
0x23: {  	[tilespmem:s21], [sflag:$0x2] =	stream.linear.gather [hbm4b:s9+s4], $0x50, $0x38;
	[tilespmem:$0x18AC0] =	vst v63  }
0x24: {  	s30 =	simm.s32 @!p0 $0x5;
	s3 =	rddreg [dreg:$0xb];
	s0 =	sshrl.u32 @!p0 s0, $0x3  }
0x25: {  	[tilespmem:s22], [sflag:$0x2] =	stream.linear.gather [hbm4b:s10+s4], $0x50, $0x38;
	[tilespmem:$0x18AC0] =	vst v63  }
0x26: {  	[spmem:s0], [sflag:s31] =	dma.local @!p0 [hbm:s3], $0x3E80  }
0x27: {  	_ =	swait.ge @!p0 [sflag:s30], $0x3E80  }
0x28: {  	[sflag:s30] =	ssyncset.done @!p0 $0x0  }
0x29: {  	[sflag:s30] =	ssyncadd.s32 @!p0 $0xFFFFC180  }
0x2a: {  	[bflag:$0x0] =	sbarrier.arrive $0xFFFF  }
0x2b: {  	_ =	swait.ge [sflag:s23], $0x50  }
0x2c: {  	[sflag:s23] =	ssyncset.done $0x0  }
0x2d: {  	[sflag:s23] =	ssyncadd.s32 $0xFFFFFFB0  }
0x2e: {  	_ =	swait.ge [sflag:s23], $0x50  }
0x2f: {  	[sflag:s23] =	ssyncset.done $0x0  }
0x30: {  	[sflag:s23] =	ssyncadd.s32 $0xFFFFFFB0  }
0x31: {  	[tilespmem:s24], [sflag:$0x4] =	stream.indirect.gather [hbm4b:s1+s19], $0x80, s21, s19, $0xb8;
	[tilespmem:$0x18AC0] =	vst v63  }
0x32: {  	_ =	swait.ge [sflag:s25], $0x2800  }
0x33: {  	[sflag:s25] =	ssyncset.done $0x0  }
0x34: {  	[sflag:s25] =	ssyncadd.s32 $0xFFFFD800  }
0x35: {  	[spmem:s2] =	stream.indirect.scatter.add.f32 [tilespmem:s20], [sflag:$0x5], $0x80, s17, s19, $0xb8;
	[tilespmem:$0x18AC0] =	vst v63  }
0x36: {  	_ =	swait.ge [sflag:s26], $0x2800  }
0x37: {  	s11 =	rddreg [dreg:$0x4]  }
0x38: {  	p1 =	sle.u32 s11, $0x0  }
0x39: {  	s3 =	sadd.s32 @!p1 $0xFFFFFFB0, s16  }
0x3a: {  	[sflag:s26] =	ssyncset.done $0x0;
	s3 =	sshrl.u32 @!p1 s3, $0x3  }
0x3b: {  	[sflag:s26] =	ssyncadd.s32 $0xFFFFD800;
	s9 =	simm.s32 @!p1 $0x0;
	s7 =	sadd.s32 @!p1 s5, s3  }
0x3c: {  	[tilespmem:s9], [sflag:$0x1] =	stream.linear.gather @!p1 [hbm4b:s7+s9], $0x50, $0x38;
	[tilespmem:$0x18AC0] =	vst v63  }
0x3d: {  	s3 =	sadd.s32 @!p1 s6, s3;
	s7 =	simm.s32 @!p1 $0x80  }
0x3e: {  	[tilespmem:s7], [sflag:$0x1] =	stream.linear.gather @!p1 [hbm4b:s3+s9], $0x50, $0x38;
	[tilespmem:$0x18AC0] =	vst v63  }
0x3f: {  	_ =	swait.ge [sflag:s28], $0x2800  }
0x40: {  	[sflag:s28] =	ssyncset.done $0x0  }
0x41: {  	[sflag:s28] =	ssyncadd.s32 $0xFFFFD800  }
0x42: {  	[spmem:s2] =	stream.indirect.scatter.add.f32 [tilespmem:s24], [sflag:$0x5], $0x80, s22, s19, $0xb8;
	[tilespmem:$0x18AC0] =	vst v63  }
0x43: {  	_ =	swait.ge [sflag:s26], $0x2800  }
0x44: {  	s12 =	rddreg [dreg:$0x5]  }
0x45: {  	[sflag:s26] =	ssyncset.done $0x0;
	p2 =	sle.u32 s12, $0x0  }
0x46: {  	[sflag:s26] =	ssyncadd.s32 $0xFFFFD800;
	s3 =	sshrl.u32 @!p2 s16, $0x3  }
0x47: {  	s7 =	simm.s32 @!p2 $0x100;
	s10 =	simm.s32 @!p2 $0x0;
	s8 =	sadd.s32 @!p2 s5, s3  }
0x48: {  	[tilespmem:s7], [sflag:$0x2] =	stream.linear.gather @!p2 [hbm4b:s8+s10], $0x50, $0x38;
	[tilespmem:$0x18AC0] =	vst v63  }
0x49: {  	s11 =	simm.s32 @!p1 $0x1;
	s3 =	sadd.s32 @!p2 s6, s3;
	s7 =	simm.s32 @!p2 $0x180  }
0x4a: {  	[tilespmem:s7], [sflag:$0x2] =	stream.linear.gather @!p2 [hbm4b:s3+s10], $0x50, $0x38;
	[tilespmem:$0x18AC0] =	vst v63  }
0x4b: {  	_ =	swait.ge @!p1 [sflag:s11], $0x50  }
0x4c: {  	s13 =	rddreg [dreg:$0xc]  }
0x4d: {  	s3 =	sadd.s32 $0xFFFFFFFF, s13  }
0x4e: {  	p2 =	sne.s32 s3, $0x0  }
.Ltmp0:
0x4f: {  	[sflag:s11] =	ssyncset.done @!p1 $0x0;
	(pc) =	sbr.rel @!p2 .LBB2_3-.Ltmp0, $4  }
0x50: {  	[sflag:s11] =	ssyncadd.s32 @!p1 $0xFFFFFFB0  }
0x51: {  	_ =	swait.ge @!p1 [sflag:s11], $0x50  }
0x52: {  	s8 =	sadd.s32 $0xA0, s16;
	s7 =	simm.s32 $0x2;
	[sflag:s11] =	ssyncset.done @!p1 $0x0  }
0x53: {  	s10 =	simm.s32 @!p1 $0x50;
	[sflag:s11] =	ssyncadd.s32 @!p1 $0xFFFFFFB0;
	s11 =	simm.s32 @!p1 $0x200  }
.LBB2_2:
0x54: {  	[tilespmem:s11], [sflag:$0x3] =	stream.indirect.gather @!p1 [hbm4b:s1+s10], $0x80, s9, s10, $0xb8;
	[tilespmem:$0x18AC0] =	vst v63  }
0x55: {  	_ =	swait.ge [sflag:s23], $0x50  }
0x56: {  	[sflag:s23] =	ssyncset.done $0x0  }
0x57: {  	[sflag:s23] =	ssyncadd.s32 $0xFFFFFFB0  }
0x58: {  	_ =	swait.ge [sflag:s23], $0x50  }
0x59: {  	[sflag:s23] =	ssyncset.done $0x0  }
0x5a: {  	[sflag:s23] =	ssyncadd.s32 $0xFFFFFFB0  }
0x5b: {  	[tilespmem:s24], [sflag:$0x4] =	stream.indirect.gather [hbm4b:s1+s19], $0x80, s21, s19, $0xb8;
	[tilespmem:$0x18AC0] =	vst v63  }
0x5c: {  	_ =	swait.ge [sflag:s25], $0x2800  }
0x5d: {  	[sflag:s25] =	ssyncset.done $0x0  }
0x5e: {  	[sflag:s25] =	ssyncadd.s32 $0xFFFFD800  }
0x5f: {  	[spmem:s2] =	stream.indirect.scatter.add.f32 [tilespmem:s20], [sflag:$0x5], $0x80, s17, s19, $0xb8;
	[tilespmem:$0x18AC0] =	vst v63  }
0x60: {  	_ =	swait.ge [sflag:s26], $0x2800  }
0x61: {  	s12 =	rddreg [dreg:$0x4]  }
0x62: {  	p1 =	sge.u32 s7, s12  }
0x63: {  	s9 =	sadd.s32 @!p1 $0xFFFFFFB0, s8  }
0x64: {  	[sflag:s26] =	ssyncset.done $0x0;
	s10 =	sshrl.u32 @!p1 s9, $0x3  }
0x65: {  	[sflag:s26] =	ssyncadd.s32 $0xFFFFD800;
	s9 =	simm.s32 @!p1 $0x0;
	s11 =	sadd.s32 @!p1 s5, s10  }
0x66: {  	[tilespmem:s9], [sflag:$0x1] =	stream.linear.gather @!p1 [hbm4b:s11+s9], $0x50, $0x38;
	[tilespmem:$0x18AC0] =	vst v63  }
0x67: {  	s10 =	sadd.s32 @!p1 s6, s10;
	s11 =	simm.s32 @!p1 $0x80  }
0x68: {  	[tilespmem:s11], [sflag:$0x1] =	stream.linear.gather @!p1 [hbm4b:s10+s9], $0x50, $0x38;
	[tilespmem:$0x18AC0] =	vst v63  }
0x69: {  	_ =	swait.ge [sflag:s28], $0x2800  }
0x6a: {  	[sflag:s28] =	ssyncset.done $0x0  }
0x6b: {  	[sflag:s28] =	ssyncadd.s32 $0xFFFFD800  }
0x6c: {  	[spmem:s2] =	stream.indirect.scatter.add.f32 [tilespmem:s24], [sflag:$0x5], $0x80, s22, s19, $0xb8;
	[tilespmem:$0x18AC0] =	vst v63  }
0x6d: {  	_ =	swait.ge [sflag:s26], $0x2800  }
0x6e: {  	s13 =	rddreg [dreg:$0x5]  }
0x6f: {  	[sflag:s26] =	ssyncset.done $0x0;
	p3 =	sge.u32 s7, s13  }
0x70: {  	s3 =	sadd.s32 $0xFFFFFFFF, s3;
	[sflag:s26] =	ssyncadd.s32 $0xFFFFD800;
	s10 =	sshrl.u32 @!p3 s8, $0x3  }
0x71: {  	s11 =	simm.s32 @!p3 $0x100;
	s13 =	simm.s32 @!p3 $0x0;
	s12 =	sadd.s32 @!p3 s5, s10  }
0x72: {  	[tilespmem:s11], [sflag:$0x2] =	stream.linear.gather @!p3 [hbm4b:s12+s13], $0x50, $0x38;
	[tilespmem:$0x18AC0] =	vst v63  }
0x73: {  	s10 =	sadd.s32 @!p3 s6, s10;
	s11 =	simm.s32 @!p3 $0x180;
	s12 =	simm.s32 @!p1 $0x1  }
0x74: {  	[tilespmem:s11], [sflag:$0x2] =	stream.linear.gather @!p3 [hbm4b:s10+s13], $0x50, $0x38;
	[tilespmem:$0x18AC0] =	vst v63  }
0x75: {  	p2 =	sne.s32 s3, $0x0;
	_ =	swait.ge @!p1 [sflag:s12], $0x50  }
.Ltmp1:
0x76: {  	[sflag:s12] =	ssyncset.done @!p1 $0x0;
	(pc) =	sbr.rel @p2 .LBB2_2-.Ltmp1, $4  }
0x77: {  	[sflag:s12] =	ssyncadd.s32 @!p1 $0xFFFFFFB0  }
0x78: {  	_ =	swait.ge @!p1 [sflag:s12], $0x50  }
0x79: {  	s7 =	sadd.s32 $0x2, s7;
	s8 =	sadd.s32 $0xA0, s8;
	[sflag:s12] =	ssyncset.done @!p1 $0x0  }
0x7a: {  	s10 =	simm.s32 @!p1 $0x50;
	s11 =	simm.s32 @!p1 $0x200;
	[sflag:s12] =	ssyncadd.s32 @!p1 $0xFFFFFFB0  }
.LBB2_3:
0x7b: {  	[tilespmem:s11], [sflag:$0x3] =	stream.indirect.gather @!p1 [hbm4b:s1+s10], $0x80, s9, s10, $0xb8;
	[tilespmem:$0x18AC0] =	vst v63  }
0x7c: {  	s29 =	sadd.s32 $0x1, s29  }
0x7d: {  	p1 =	sne.s32 s29, s15  }
.Ltmp2:
0x7e: {  	[bflag:$0x0] =	sbarrier.arrive $0xFFFF;
	(pc) =	sbr.rel @p1 .LBB2_1-.Ltmp2, $4  }
0x7f: {  	[hbm:s14], [sflag:s31] =	dma.local @!p0 [spmem:s0], $0x3E80  }
0x80: {  	_ =	swait.ge @!p0 [sflag:s30], $0x3E80  }
0x81: {  	[sflag:s30] =	ssyncset.done @!p0 $0x0  }
0x82: {  	[sflag:s30] =	ssyncadd.s32 @!p0 $0xFFFFC180  }
0x83: {  	_ =	sfence.sel $0x180000  }
0x84: {  	[bflag:$0x0] =	sbarrier.arrive $0xFFFF  }
0x85: {  	_ =	strace $0x9000004A  }
0x86: {  	s0 =	stileid.u32;
	[bflag:$0x2] =	sbarrier.arrive $0xFFFF  }
0x87: {  	p0 =	sne.s32 s0, $0x0;
	s0 =	rddreg [dreg:$0x3]  }
0x88: {  	s0 =	sadd.s32 @!p0 $0x100000, s0  }
0x89: {  	[sflag:s0] =	ssyncadd.tile.s32 @!p0 $0x1;
	_ =	shalt  }
.Lfunc_end2:
_tile_overlayer_lowered:
.L_overlay_start_2:
0x8a: {  	(tag) =	ssettag $0x2  }
0x8b: {  	s0 =	rddreg [dreg:$0x0];
	s2 =	stileid.u32  }
0x8c: {  	s1 =	rddreg [dreg:$0x1];
	p0 =	sne.s32 s2, $0x0  }
0x8d: {  	s3 =	rddreg [dreg:$0x2];
	[bflag:$0x3] =	sbarrier.arrive $0xFFFF;
	s2 =	simm.s32 @!p0 $0x1C05  }
0x8e: {  	[timem:s3], [sflag:s2] =	dma.local @!p0 [hbm:s0], s1  }
0x8f: {  	s0 =	simm.s32 @!p0 $0x5  }
0x90: {  	_ =	swait.ge @!p0 [sflag:s0], s1  }
0x91: {  	s1 =	ssub.s32 @!p0 $0x0, s1;
	[sflag:s0] =	ssyncset.done @!p0 $0x0  }
0x92: {  	[sflag:s0] =	ssyncadd.s32 @!p0 s1  }
0x93: {  	[bflag:$0x3] =	sbarrier.arrive $0xFFFF  }
0x94: {  	_ =	shalt  }

// kernel: kernel.16.cloned.1.call-start
scs
__scs_entry_jumppad:
0x0: {  	(pc) =	sbr.rel $0x88, $3  }
0x1: {  	(tag) =	ssettag $0x0;
	lr =	simm.s32 $0x1  }
0x2: {  	[smem:$0x3F99] =	sst lr;
	_ =	strace $0xD0000000  }
0x3: {  	_ = 	snop  }
0x4: {  	_ = 	snop  }
0x5: {  	_ = 	snop  }
0x6: {  	_ = 	snop  }
0x7: {  	_ = 	snop  }
__scs_overlays_trampoline_lowered:
0x8: {  	[smem:$0x3FA8] =	sst s0  }
0x9: {  	[smem:$0x3FA9] =	sst s1  }
0xa: {  	[smem:$0x3FAA] =	sst s2  }
0xb: {  	[smem:$0x3FAB] =	sst s3  }
0xc: {  	[smem:$0x3FAC] =	sst s4  }
0xd: {  	[smem:$0x3FAD] =	sst s5  }
0xe: {  	[smem:$0x3FAE] =	sst s6  }
0xf: {  	[smem:$0x3FAF] =	sst s7  }
0x10: {  	[smem:$0x3FB0] =	sst s8  }
0x11: {  	[smem:$0x3FB1] =	sst s9;
	s0 =	simm.s32 @!p0 $0x0  }
0x12: {  	s1 =	sld [smem:$0x3F97];
	s0 =	simm.s32 @p0 $0x1  }
0x13: {  	[smem:$0x3FB2] =	sst s0;
	s0 =	simm.s32 @!p1 $0x0  }
0x14: {  	s2 =	sld [smem:$0x3F96];
	s0 =	simm.s32 @p1 $0x1  }
0x15: {  	[smem:$0x3FB3] =	sst s0;
	s0 =	simm.s32 @!p2 $0x0  }
0x16: {  	s3 =	sld [smem:$0x3FDB];
	s0 =	simm.s32 @p2 $0x1  }
0x17: {  	s4 =	simm.s32 $0x1BF5;
	[smem:$0x3FB5] =	sst s0  }
0x18: {  	s0 =	sld [smem:$0x3F98];
	_ =	swait.ge [sflag:s4], $0x0  }
0x19: {  	s7 =	sld [smem:$0x3F99]  }
0x1a: {  	s8 =	sadd.s32 $0xFFFFE003, lr  }
0x1b: {  	s9 =	sadd.s32 $0xFFFFFEF7, lr;
	s5 =	simm.s32 $0xFFFFFFFF;
	p2 =	slt.u32 s8, $0xFFFFF086  }
0x1c: {  	p1 =	slt.u32 s9, $0xF7A;
	s5 =	simm.s32 @!p2 $0x0  }
0x1d: {  	s5 =	simm.s32 @p1 $0x1;
	p0 =	seq.s32 s7, s2  }
0x1e: {  	s7 =	smul.u32 @!p0 $0xF7A, s2;
	p2 =	seq.s32 @!p0 s5, $0x0  }
0x1f: {  	s9 =	smul.u32 $0xF7A, s1;
	s8 =	simm.s32 @!p0 $0x1BF5;
	p2 =	por !p2, p0  }
0x20: {  	[sflag:s8] =	ssyncset.s32 @!p0 $0xFFFFF086;
	s6 =	sadd.s32 @!p0 s3, s7;
	s7 =	simm.s32 @!p0 $0x108  }
0x21: {  	s3 =	sadd.s32 s3, s9;
	s6 =	sadd.s32 @!p0 $0x88, s6;
	s7 =	simm.s32 @p2 $0x1082  }
0x22: {  	[simem:s7], [sflag:s8] =	dma.local @!p0 [hbm:s6], $0xF7A  }
0x23: {  	s9 =	sor.u32 $0xD0000000, s2;
	s6 =	simm.s32 $0x108;
	_ =	swait.ge @!p0 [sflag:s8], $0x0  }
0x24: {  	s3 =	sadd.s32 $0x88, s3;
	s6 =	simm.s32 @!p1 $0x1082;
	[sflag:s4] =	ssyncset.s32 $0xFFFFF086  }
0x25: {  	[simem:s6], [sflag:s4] =	dma.local [hbm:s3], $0xF7A  }
0x26: {  	[smem:$0x3F99] =	sst s1;
	(tag) =	ssettag s2;
	_ =	strace s9  }
0x27: {  	s1 =	sld [smem:$0x3FA9]  }
0x28: {  	s2 =	sld [smem:$0x3FAA]  }
0x29: {  	s4 =	sld [smem:$0x3FAC]  }
0x2a: {  	p0 =	seq.s32 s5, $0x0;
	s5 =	sld [smem:$0x3FAD]  }
0x2b: {  	s6 =	sld [smem:$0x3FAE]  }
0x2c: {  	s7 =	sld [smem:$0x3FAF]  }
0x2d: {  	s3 =	simm.s32 $0x108;
	s8 =	sld [smem:$0x3FB0]  }
0x2e: {  	s3 =	simm.s32 @!p0 $0x1082;
	s9 =	sld [smem:$0x3FB1]  }
0x2f: {  	lr =	sadd.s32 s0, s3;
	s0 =	sld [smem:$0x3FA8]  }
0x30: {  	s3 =	sld [smem:$0x3FAB]  }
0x31: {  	[smem:$0x3FB4] =	sst s10  }
0x32: {  	s10 =	sld [smem:$0x3FB2];
	_ =	sdelay $0x3  }
0x33: {  	p0 =	seq.s32 s10, $0x1;
	s10 =	sld [smem:$0x3FB4];
	_ =	sdelay $0x3  }
0x34: {  	[smem:$0x3FB4] =	sst s10  }
0x35: {  	s10 =	sld [smem:$0x3FB3];
	_ =	sdelay $0x3  }
0x36: {  	p1 =	seq.s32 s10, $0x1;
	s10 =	sld [smem:$0x3FB4];
	_ =	sdelay $0x3  }
0x37: {  	[smem:$0x3FB4] =	sst s10  }
0x38: {  	s10 =	sld [smem:$0x3FB5]  }
0x39: {  	_ = 	snop;
	(pc) =	sbr.ind lr, $3  }
0x3a: {  	_ = 	snop  }
0x3b: {  	_ = 	snop  }
0x3c: {  	p2 =	seq.s32 s10, $0x1;
	s10 =	sld [smem:$0x3FB4]  }
0x3d: {  	_ =	shalt  }
0x3e: {  	_ =	shalt  }
0x3f: {  	_ =	shalt  }
0x40: {  	_ =	shalt  }
0x41: {  	_ =	shalt  }
0x42: {  	_ =	shalt  }
0x43: {  	_ =	shalt  }
0x44: {  	_ =	shalt  }
0x45: {  	_ =	shalt  }
0x46: {  	_ =	shalt  }
0x47: {  	_ =	shalt  }
0x48: {  	_ =	shalt  }
0x49: {  	_ =	shalt  }
0x4a: {  	_ =	shalt  }
0x4b: {  	_ =	shalt  }
0x4c: {  	_ =	shalt  }
0x4d: {  	_ =	shalt  }
0x4e: {  	_ =	shalt  }
0x4f: {  	_ =	shalt  }
0x50: {  	_ =	shalt  }
0x51: {  	_ =	shalt  }
0x52: {  	_ =	shalt  }
0x53: {  	_ =	shalt  }
0x54: {  	_ =	shalt  }
0x55: {  	_ =	shalt  }
0x56: {  	_ =	shalt  }
0x57: {  	_ =	shalt  }
0x58: {  	_ =	shalt  }
0x59: {  	_ =	shalt  }
0x5a: {  	_ =	shalt  }
0x5b: {  	_ =	shalt  }
0x5c: {  	_ =	shalt  }
0x5d: {  	_ =	shalt  }
0x5e: {  	_ =	shalt  }
0x5f: {  	_ =	shalt  }
0x60: {  	_ =	shalt  }
0x61: {  	_ =	shalt  }
0x62: {  	_ =	shalt  }
0x63: {  	_ =	shalt  }
0x64: {  	_ =	shalt  }
0x65: {  	_ =	shalt  }
0x66: {  	_ =	shalt  }
0x67: {  	_ =	shalt  }
0x68: {  	_ =	shalt  }
0x69: {  	_ =	shalt  }
0x6a: {  	_ =	shalt  }
0x6b: {  	_ =	shalt  }
0x6c: {  	_ =	shalt  }
0x6d: {  	_ =	shalt  }
0x6e: {  	_ =	shalt  }
0x6f: {  	_ =	shalt  }
0x70: {  	_ =	shalt  }
0x71: {  	_ =	shalt  }
0x72: {  	_ =	shalt  }
0x73: {  	_ =	shalt  }
0x74: {  	_ =	shalt  }
0x75: {  	_ =	shalt  }
0x76: {  	_ =	shalt  }
0x77: {  	_ =	shalt  }
0x78: {  	_ =	shalt  }
0x79: {  	_ =	shalt  }
0x7a: {  	_ =	shalt  }
0x7b: {  	_ =	shalt  }
0x7c: {  	_ =	shalt  }
0x7d: {  	_ =	shalt  }
0x7e: {  	_ =	shalt  }
0x7f: {  	_ =	shalt  }
0x80: {  	_ =	shalt  }
0x81: {  	_ =	shalt  }
0x82: {  	_ =	shalt  }
0x83: {  	_ =	shalt  }
0x84: {  	_ =	shalt  }
0x85: {  	_ =	shalt  }
0x86: {  	_ =	shalt  }
0x87: {  	_ =	shalt  }
.Lfunc_end0:
.L_simem_size_0:
called_computation.2_lowered:
.L_overlay_start_0:
0x88: {  	s2 =	sld [smem:$0x3FD9]  }
0x89: {  	s3 =	sld [smem:$0x3FFE];
	_ =	sdelay $0x1  }
0x8a: {  	s1 =	srdreg.scid  }
0x8b: {  	s0 =	sand.u32 $0x1, s1  }
0x8c: {  	s17 =	sshll.u32 s0, $0xA;
	s2 =	sadd.s32 s3, s2  }
0x8d: {  	s2 =	sadd.s32 s2, s17  }
0x8e: {  	[smem:$0x3FC0] =	sst s2  }
0x8f: {  	_ = 	snop  }
0x90: {  	s2 =	sld [smem:$0x3FD0];
	(tm) =	ssettm $0x1  }
0x91: {  	s18 =	sld [smem:$0x3FFB];
	_ =	sdelay $0x3  }
0x92: {  	_ =	strace s18  }
0x93: {  	s3 =	sld [smem:$0x3FFC];
	_ =	sdelay $0x3  }
0x94: {  	_ =	strace s3  }
0x95: {  	s3 =	sld [smem:$0x3FFD];
	_ =	sdelay $0x3  }
0x96: {  	_ =	strace s3  }
0x97: {  	_ =	strace $0x8FFFFFFF  }
0x98: {  	s19 =	sld [smem:$0x3FDB];
	_ =	sdelay $0x1  }
0x99: {  	s4 =	simm.s32 $_scs_section_size  }
0x9a: {  	s5 =	simm.s32 $_size__tile_overlayer_lowered;
	s6 =	simm.s32 $_tile_overlayer_lowered  }
0x9b: {  	s22 =	simm.s32 $0x1BFF;
	s21 =	sshll.u32 s6, $0x1;
	s3 =	sadd.s32 s4, s19  }
0x9c: {  	s7 =	simm.s32 $0x0;
	s20 =	sshll.u32 s5, $0x1;
	s5 =	sadd.s32 s21, s3  }
0x9d: {  	[timem:s7], [sflag:s22] =	dma.local [hbm:s5], s20  }
0x9e: {  	_ =	swait.ge [sflag:s22], s20  }
0x9f: {  	s4 =	ssub.s32 $0x0, s20;
	[sflag:s22] =	ssyncset.done $0x0  }
0xa0: {  	[sflag:s22] =	ssyncadd.s32 s4;
	_ =	sdelay $0x1  }
0xa1: {  	s23 =	simm.s32 $0x1B8B  }
0xa2: {  	_ =	swait.ge [sflag:s23], $0x1  }
0xa3: {  	[sflag:s23] =	ssyncset.done $0x0  }
0xa4: {  	s25 =	simm.s32 $0x1B8E;
	s24 =	sld [smem:$0x3FFE];
	[sflag:s23] =	ssyncadd.s32 $0xFFFFFFFF  }
0xa5: {  	s26 =	simm.s32 $execute0_lowered;
	[smem:$0x3FD2] =	sst s25  }
0xa6: {  	s5 =	sshll.u32 s26, $0x1;
	_ =	strace $0x8000004C;
	[dreg:$0x1] =	wrdreg $0xFFFFFFFF  }
0xa7: {  	s28 =	simm.s32 $_size_execute0_lowered;
	s3 =	sadd.s32 s3, s5;
	[dreg:$0x0] =	wrdreg $0x0  }
0xa8: {  	s5 =	sshll.u32 s28, $0x1;
	[dreg:$0x2] =	wrdreg s3  }
0xa9: {  	[dreg:$0x3] =	wrdreg s5  }
0xaa: {  	[dreg:$0x4] =	wrdreg $0xC0  }
0xab: {  	_ =	task [dreg:s7], $0x5FFFF  }
0xac: {  	[dreg:$0x1] =	wrdreg $0xFFFFFFFF  }
0xad: {  	[dreg:$0x0] =	wrdreg $0x60  }
0xae: {  	[dreg:$0x2] =	wrdreg s2  }
0xaf: {  	[dreg:$0x3] =	wrdreg s24  }
0xb0: {  	[dreg:$0x4] =	wrdreg $0x52000  }
0xb1: {  	[dreg:$0x5] =	wrdreg $0x9  }
0xb2: {  	_ =	task.clear_ibuf [dreg:s7], $0x6FFFF;
	_ =	strace $0x9000004C  }
0xb3: {  	s29 =	simm.s32 $0x9;
	_ =	strace $0x8000004E  }
0xb4: {  	_ =	swait.ge [sflag:s29], $0x1  }
0xb5: {  	[sflag:s29] =	ssyncadd.s32 $0xFFFFFFFF  }
0xb6: {  	_ =	strace $0x9000004E  }
0xb7: {  	_ =	sfence  }
0xb8: {  	s30 =	sld [smem:$0x0];
	_ =	sdelay $0x2  }
0xb9: {  	s31 =	sshll.u32 s1, $0xD;
	s1 =	sshrl.u32 s1, $0x2  }
0xba: {  	s3 =	sand.u32 $0x4000, s31;
	s1 =	sadd.s32 s1, s30  }
0xbb: {  	s0 =	sor.u32 s3, s0;
	s1 =	sshll.u32 s1, $0x11  }
0xbc: {  	s0 =	sor.u32 s1, s0  }
0xbd: {  	s0 =	sadd.s32 $0x8F2B, s0  }
0xbe: {  	[sflag:s0] =	ssyncadd.remote.s32 $0x1  }
0xbf: {  	_ =	sfence.sel $0xFFFF  }
0xc0: {  	[dreg:$0x0] =	wrdreg $0xFFFFFFFF;
	(pc) =	sbr.abs _section_cstart, $3  }
0xc1: {  	[dreg:$0x1] =	wrdreg $0xFFFFFFFF  }
0xc2: {  	_ =	task.clear_ibuf [dreg:s7], $0x2FFFF;
	_ =	strace $0x9FFFFFFF  }
0xc3: {  	(tm) =	ssettm $0x7FFFFFFF  }
tec
execute0_lowered:
.L_overlay_start_1:
0x0: {  	(tag) =	ssettag $0x1  }
0x1: {  	s1 =	rddreg [dreg:$0x0]  }
0x2: {  	s0 =	rddreg [dreg:$0x1];
	s12 =	stileid.u32  }
0x3: {  	s2 =	rddreg [dreg:$0x2];
	s4 =	simm.s32 $0x0;
	s8 =	smul.u32 $0x3E80, s12  }
0x4: {  	s3 =	srdreg.scid;
	s28 =	simm.s32 $0x4;
	s9 =	smul.u32 $0x1B80, s12  }
0x5: {  	s29 =	simm.s32 $0x0;
	[smem:$0x7FF] =	sst s4;
	s10 =	smul.u32 $0x3340, s12  }
0x6: {  	s3 =	sand.u32 $0x1, s3;
	s5 =	sadd.s32 $0xD200, s0;
	s19 =	smul.u32 $0x7D000, s12  }
0x7: {  	s6 =	sadd.s32 $0x2A00, s0;
	s7 =	smul.u32 $0x27100, s3;
	s16 =	ssub.s32 $0x2, s3  }
0x8: {  	_ =	strace $0x8000004D;
	p0 =	seq.s32 s3, $0x0;
	s11 =	sshrl.u32 s16, $0x1  }
0x9: {  	s3 =	sadd.s32 $0x33400, s9;
	s23 =	sshrl.u32 s19, $0x2;
	s19 =	simm.s32 $0x50  }
0xa: {  	s7 =	sadd.s32 s8, s7;
	s17 =	ssub.s32 s16, s11;
	s3 =	smov.u32 @p0 s10  }
0xb: {  	s8 =	simm.s32 $0xA4;
	s0 =	sadd.s32 s7, s0;
	s18 =	sshrl.u32 s3, $0x3  }
0xc: {  	s8 =	simm.s32 @!p0 $0x58;
	s15 =	smax.u32 s17, $0x1;
	s16 =	sadd.s32 $0xF0, s3  }
0xd: {  	p0 =	sgt.u32 s12, $0x9;
	s17 =	simm.s32 $0x80;
	s20 =	sadd.s32 s5, s18  }
0xe: {  	s21 =	sadd.s32 $0xA, s18;
	s9 =	sadd.s32 s6, s18;
	[dreg:$0x6] =	wrdreg s20  }
0xf: {  	s25 =	sadd.s32 $0x17000, s0;
	s26 =	sshrl.u32 s8, $0x1;
	[dreg:$0x7] =	wrdreg s9  }
0x10: {  	s14 =	sadd.s32 $0x65200, s0;
	s30 =	sadd.s32 $0xFFFFFFFE, s8;
	[dreg:$0xb] =	wrdreg s25  }
0x11: {  	s31 =	sadd.s32 $0xFFFFFFFD, s8;
	s18 =	simm.s32 $0x1;
	[dreg:$0xc] =	wrdreg s26  }
0x12: {  	s22 =	sadd.s32 s5, s21;
	s24 =	sadd.s32 s6, s21;
	[dreg:$0x4] =	wrdreg s30  }
0x13: {  	s9 =	sadd.s32 s23, s2;
	[dreg:$0x5] =	wrdreg s31;
	s20 =	simm.s32 $0x200  }
0x14: {  	s21 =	simm.s32 $0x100;
	s23 =	simm.s32 $0x2;
	[dreg:$0x8] =	wrdreg s22  }
0x15: {  	s25 =	simm.s32 $0x3;
	s26 =	simm.s32 $0x5;
	[dreg:$0x9] =	wrdreg s24  }
0x16: {  	[dreg:$0xa] =	wrdreg s9;
	s22 =	simm.s32 $0x180;
	s24 =	simm.s32 $0x2A00  }
.LBB2_1:
0x17: {  	s0 =	rddreg [dreg:$0x6]  }
0x18: {  	[tilespmem:s4], [sflag:$0x1] =	stream.linear.gather [hbm4b:s0+s4], $0x50, $0x38;
	[tilespmem:$0x18AC0] =	vst v63  }
0x19: {  	s8 =	rddreg [dreg:$0x7]  }
0x1a: {  	[tilespmem:s17], [sflag:$0x1] =	stream.linear.gather [hbm4b:s8+s4], $0x50, $0x38;
	[tilespmem:$0x18AC0] =	vst v63  }
0x1b: {  	_ =	swait.ge [sflag:s18], $0x50  }
0x1c: {  	[sflag:s18] =	ssyncset.done $0x0  }
0x1d: {  	[sflag:s18] =	ssyncadd.s32 $0xFFFFFFB0  }
0x1e: {  	_ =	swait.ge [sflag:s18], $0x50  }
0x1f: {  	s0 =	stileid.u32;
	[sflag:s18] =	ssyncset.done $0x0;
	s9 =	rddreg [dreg:$0x8]  }
0x20: {  	s0 =	sshll.u32 @!p0 s0, $0x6;
	s10 =	rddreg [dreg:$0x9];
	[sflag:s18] =	ssyncadd.s32 $0xFFFFFFB0  }
0x21: {  	[tilespmem:s20], [sflag:$0x3] =	stream.indirect.gather [hbm4b:s1+s19], $0x80, s4, s19, $0xb8;
	[tilespmem:$0x18AC0] =	vst v63  }
0x22: {  	s31 =	sor.u32 @!p0 $0x1C05, s0;
	s0 =	rddreg [dreg:$0xa]  }
0x23: {  	[tilespmem:s21], [sflag:$0x2] =	stream.linear.gather [hbm4b:s9+s4], $0x50, $0x38;
	[tilespmem:$0x18AC0] =	vst v63  }
0x24: {  	s30 =	simm.s32 @!p0 $0x5;
	s3 =	rddreg [dreg:$0xb];
	s0 =	sshrl.u32 @!p0 s0, $0x3  }
0x25: {  	[tilespmem:s22], [sflag:$0x2] =	stream.linear.gather [hbm4b:s10+s4], $0x50, $0x38;
	[tilespmem:$0x18AC0] =	vst v63  }
0x26: {  	[spmem:s0], [sflag:s31] =	dma.local @!p0 [hbm:s3], $0x3E80  }
0x27: {  	_ =	swait.ge @!p0 [sflag:s30], $0x3E80  }
0x28: {  	[sflag:s30] =	ssyncset.done @!p0 $0x0  }
0x29: {  	[sflag:s30] =	ssyncadd.s32 @!p0 $0xFFFFC180  }
0x2a: {  	[bflag:$0x0] =	sbarrier.arrive $0xFFFF  }
0x2b: {  	_ =	swait.ge [sflag:s23], $0x50  }
0x2c: {  	[sflag:s23] =	ssyncset.done $0x0  }
0x2d: {  	[sflag:s23] =	ssyncadd.s32 $0xFFFFFFB0  }
0x2e: {  	_ =	swait.ge [sflag:s23], $0x50  }
0x2f: {  	[sflag:s23] =	ssyncset.done $0x0  }
0x30: {  	[sflag:s23] =	ssyncadd.s32 $0xFFFFFFB0  }
0x31: {  	[tilespmem:s24], [sflag:$0x4] =	stream.indirect.gather [hbm4b:s1+s19], $0x80, s21, s19, $0xb8;
	[tilespmem:$0x18AC0] =	vst v63  }
0x32: {  	_ =	swait.ge [sflag:s25], $0x2800  }
0x33: {  	[sflag:s25] =	ssyncset.done $0x0  }
0x34: {  	[sflag:s25] =	ssyncadd.s32 $0xFFFFD800  }
0x35: {  	[spmem:s2] =	stream.indirect.scatter.add.f32 [tilespmem:s20], [sflag:$0x5], $0x80, s17, s19, $0xb8;
	[tilespmem:$0x18AC0] =	vst v63  }
0x36: {  	_ =	swait.ge [sflag:s26], $0x2800  }
0x37: {  	s11 =	rddreg [dreg:$0x4]  }
0x38: {  	p1 =	sle.u32 s11, $0x0  }
0x39: {  	s3 =	sadd.s32 @!p1 $0xFFFFFFB0, s16  }
0x3a: {  	[sflag:s26] =	ssyncset.done $0x0;
	s3 =	sshrl.u32 @!p1 s3, $0x3  }
0x3b: {  	[sflag:s26] =	ssyncadd.s32 $0xFFFFD800;
	s9 =	simm.s32 @!p1 $0x0;
	s7 =	sadd.s32 @!p1 s5, s3  }
0x3c: {  	[tilespmem:s9], [sflag:$0x1] =	stream.linear.gather @!p1 [hbm4b:s7+s9], $0x50, $0x38;
	[tilespmem:$0x18AC0] =	vst v63  }
0x3d: {  	s3 =	sadd.s32 @!p1 s6, s3;
	s7 =	simm.s32 @!p1 $0x80  }
0x3e: {  	[tilespmem:s7], [sflag:$0x1] =	stream.linear.gather @!p1 [hbm4b:s3+s9], $0x50, $0x38;
	[tilespmem:$0x18AC0] =	vst v63  }
0x3f: {  	_ =	swait.ge [sflag:s28], $0x2800  }
0x40: {  	[sflag:s28] =	ssyncset.done $0x0  }
0x41: {  	[sflag:s28] =	ssyncadd.s32 $0xFFFFD800  }
0x42: {  	[spmem:s2] =	stream.indirect.scatter.add.f32 [tilespmem:s24], [sflag:$0x5], $0x80, s22, s19, $0xb8;
	[tilespmem:$0x18AC0] =	vst v63  }
0x43: {  	_ =	swait.ge [sflag:s26], $0x2800  }
0x44: {  	s12 =	rddreg [dreg:$0x5]  }
0x45: {  	[sflag:s26] =	ssyncset.done $0x0;
	p2 =	sle.u32 s12, $0x0  }
0x46: {  	[sflag:s26] =	ssyncadd.s32 $0xFFFFD800;
	s3 =	sshrl.u32 @!p2 s16, $0x3  }
0x47: {  	s7 =	simm.s32 @!p2 $0x100;
	s10 =	simm.s32 @!p2 $0x0;
	s8 =	sadd.s32 @!p2 s5, s3  }
0x48: {  	[tilespmem:s7], [sflag:$0x2] =	stream.linear.gather @!p2 [hbm4b:s8+s10], $0x50, $0x38;
	[tilespmem:$0x18AC0] =	vst v63  }
0x49: {  	s11 =	simm.s32 @!p1 $0x1;
	s3 =	sadd.s32 @!p2 s6, s3;
	s7 =	simm.s32 @!p2 $0x180  }
0x4a: {  	[tilespmem:s7], [sflag:$0x2] =	stream.linear.gather @!p2 [hbm4b:s3+s10], $0x50, $0x38;
	[tilespmem:$0x18AC0] =	vst v63  }
0x4b: {  	_ =	swait.ge @!p1 [sflag:s11], $0x50  }
0x4c: {  	s13 =	rddreg [dreg:$0xc]  }
0x4d: {  	s3 =	sadd.s32 $0xFFFFFFFF, s13  }
0x4e: {  	p2 =	sne.s32 s3, $0x0  }
.Ltmp0:
0x4f: {  	[sflag:s11] =	ssyncset.done @!p1 $0x0;
	(pc) =	sbr.rel @!p2 .LBB2_3-.Ltmp0, $4  }
0x50: {  	[sflag:s11] =	ssyncadd.s32 @!p1 $0xFFFFFFB0  }
0x51: {  	_ =	swait.ge @!p1 [sflag:s11], $0x50  }
0x52: {  	s8 =	sadd.s32 $0xA0, s16;
	s7 =	simm.s32 $0x2;
	[sflag:s11] =	ssyncset.done @!p1 $0x0  }
0x53: {  	s10 =	simm.s32 @!p1 $0x50;
	[sflag:s11] =	ssyncadd.s32 @!p1 $0xFFFFFFB0;
	s11 =	simm.s32 @!p1 $0x200  }
.LBB2_2:
0x54: {  	[tilespmem:s11], [sflag:$0x3] =	stream.indirect.gather @!p1 [hbm4b:s1+s10], $0x80, s9, s10, $0xb8;
	[tilespmem:$0x18AC0] =	vst v63  }
0x55: {  	_ =	swait.ge [sflag:s23], $0x50  }
0x56: {  	[sflag:s23] =	ssyncset.done $0x0  }
0x57: {  	[sflag:s23] =	ssyncadd.s32 $0xFFFFFFB0  }
0x58: {  	_ =	swait.ge [sflag:s23], $0x50  }
0x59: {  	[sflag:s23] =	ssyncset.done $0x0  }
0x5a: {  	[sflag:s23] =	ssyncadd.s32 $0xFFFFFFB0  }
0x5b: {  	[tilespmem:s24], [sflag:$0x4] =	stream.indirect.gather [hbm4b:s1+s19], $0x80, s21, s19, $0xb8;
	[tilespmem:$0x18AC0] =	vst v63  }
0x5c: {  	_ =	swait.ge [sflag:s25], $0x2800  }
0x5d: {  	[sflag:s25] =	ssyncset.done $0x0  }
0x5e: {  	[sflag:s25] =	ssyncadd.s32 $0xFFFFD800  }
0x5f: {  	[spmem:s2] =	stream.indirect.scatter.add.f32 [tilespmem:s20], [sflag:$0x5], $0x80, s17, s19, $0xb8;
	[tilespmem:$0x18AC0] =	vst v63  }
0x60: {  	_ =	swait.ge [sflag:s26], $0x2800  }
0x61: {  	s12 =	rddreg [dreg:$0x4]  }
0x62: {  	p1 =	sge.u32 s7, s12  }
0x63: {  	s9 =	sadd.s32 @!p1 $0xFFFFFFB0, s8  }
0x64: {  	[sflag:s26] =	ssyncset.done $0x0;
	s10 =	sshrl.u32 @!p1 s9, $0x3  }
0x65: {  	[sflag:s26] =	ssyncadd.s32 $0xFFFFD800;
	s9 =	simm.s32 @!p1 $0x0;
	s11 =	sadd.s32 @!p1 s5, s10  }
0x66: {  	[tilespmem:s9], [sflag:$0x1] =	stream.linear.gather @!p1 [hbm4b:s11+s9], $0x50, $0x38;
	[tilespmem:$0x18AC0] =	vst v63  }
0x67: {  	s10 =	sadd.s32 @!p1 s6, s10;
	s11 =	simm.s32 @!p1 $0x80  }
0x68: {  	[tilespmem:s11], [sflag:$0x1] =	stream.linear.gather @!p1 [hbm4b:s10+s9], $0x50, $0x38;
	[tilespmem:$0x18AC0] =	vst v63  }
0x69: {  	_ =	swait.ge [sflag:s28], $0x2800  }
0x6a: {  	[sflag:s28] =	ssyncset.done $0x0  }
0x6b: {  	[sflag:s28] =	ssyncadd.s32 $0xFFFFD800  }
0x6c: {  	[spmem:s2] =	stream.indirect.scatter.add.f32 [tilespmem:s24], [sflag:$0x5], $0x80, s22, s19, $0xb8;
	[tilespmem:$0x18AC0] =	vst v63  }
0x6d: {  	_ =	swait.ge [sflag:s26], $0x2800  }
0x6e: {  	s13 =	rddreg [dreg:$0x5]  }
0x6f: {  	[sflag:s26] =	ssyncset.done $0x0;
	p3 =	sge.u32 s7, s13  }
0x70: {  	s3 =	sadd.s32 $0xFFFFFFFF, s3;
	[sflag:s26] =	ssyncadd.s32 $0xFFFFD800;
	s10 =	sshrl.u32 @!p3 s8, $0x3  }
0x71: {  	s11 =	simm.s32 @!p3 $0x100;
	s13 =	simm.s32 @!p3 $0x0;
	s12 =	sadd.s32 @!p3 s5, s10  }
0x72: {  	[tilespmem:s11], [sflag:$0x2] =	stream.linear.gather @!p3 [hbm4b:s12+s13], $0x50, $0x38;
	[tilespmem:$0x18AC0] =	vst v63  }
0x73: {  	s10 =	sadd.s32 @!p3 s6, s10;
	s11 =	simm.s32 @!p3 $0x180;
	s12 =	simm.s32 @!p1 $0x1  }
0x74: {  	[tilespmem:s11], [sflag:$0x2] =	stream.linear.gather @!p3 [hbm4b:s10+s13], $0x50, $0x38;
	[tilespmem:$0x18AC0] =	vst v63  }
0x75: {  	p2 =	sne.s32 s3, $0x0;
	_ =	swait.ge @!p1 [sflag:s12], $0x50  }
.Ltmp1:
0x76: {  	[sflag:s12] =	ssyncset.done @!p1 $0x0;
	(pc) =	sbr.rel @p2 .LBB2_2-.Ltmp1, $4  }
0x77: {  	[sflag:s12] =	ssyncadd.s32 @!p1 $0xFFFFFFB0  }
0x78: {  	_ =	swait.ge @!p1 [sflag:s12], $0x50  }
0x79: {  	s7 =	sadd.s32 $0x2, s7;
	s8 =	sadd.s32 $0xA0, s8;
	[sflag:s12] =	ssyncset.done @!p1 $0x0  }
0x7a: {  	s10 =	simm.s32 @!p1 $0x50;
	s11 =	simm.s32 @!p1 $0x200;
	[sflag:s12] =	ssyncadd.s32 @!p1 $0xFFFFFFB0  }
.LBB2_3:
0x7b: {  	[tilespmem:s11], [sflag:$0x3] =	stream.indirect.gather @!p1 [hbm4b:s1+s10], $0x80, s9, s10, $0xb8;
	[tilespmem:$0x18AC0] =	vst v63  }
0x7c: {  	s29 =	sadd.s32 $0x1, s29  }
0x7d: {  	p1 =	sne.s32 s29, s15  }
.Ltmp2:
0x7e: {  	[bflag:$0x0] =	sbarrier.arrive $0xFFFF;
	(pc) =	sbr.rel @p1 .LBB2_1-.Ltmp2, $4  }
0x7f: {  	[hbm:s14], [sflag:s31] =	dma.local @!p0 [spmem:s0], $0x3E80  }
0x80: {  	_ =	swait.ge @!p0 [sflag:s30], $0x3E80  }
0x81: {  	[sflag:s30] =	ssyncset.done @!p0 $0x0  }
0x82: {  	[sflag:s30] =	ssyncadd.s32 @!p0 $0xFFFFC180  }
0x83: {  	_ =	sfence.sel $0x180000  }
0x84: {  	[bflag:$0x0] =	sbarrier.arrive $0xFFFF  }
0x85: {  	_ =	strace $0x9000004D  }
0x86: {  	s0 =	stileid.u32;
	[bflag:$0x2] =	sbarrier.arrive $0xFFFF  }
0x87: {  	p0 =	sne.s32 s0, $0x0;
	s0 =	rddreg [dreg:$0x3]  }
0x88: {  	s0 =	sadd.s32 @!p0 $0x100000, s0  }
0x89: {  	[sflag:s0] =	ssyncadd.tile.s32 @!p0 $0x1;
	_ =	shalt  }
.Lfunc_end2:
_tile_overlayer_lowered:
.L_overlay_start_2:
0x8a: {  	(tag) =	ssettag $0x2  }
0x8b: {  	s0 =	rddreg [dreg:$0x0];
	s2 =	stileid.u32  }
0x8c: {  	s1 =	rddreg [dreg:$0x1];
	p0 =	sne.s32 s2, $0x0  }
0x8d: {  	s3 =	rddreg [dreg:$0x2];
	[bflag:$0x3] =	sbarrier.arrive $0xFFFF;
	s2 =	simm.s32 @!p0 $0x1C05  }
0x8e: {  	[timem:s3], [sflag:s2] =	dma.local @!p0 [hbm:s0], s1  }
0x8f: {  	s0 =	simm.s32 @!p0 $0x5  }
0x90: {  	_ =	swait.ge @!p0 [sflag:s0], s1  }
0x91: {  	s1 =	ssub.s32 @!p0 $0x0, s1;
	[sflag:s0] =	ssyncset.done @!p0 $0x0  }
0x92: {  	[sflag:s0] =	ssyncadd.s32 @!p0 s1  }
0x93: {  	[bflag:$0x3] =	sbarrier.arrive $0xFFFF  }
0x94: {  	_ =	shalt  }

// kernel: kernel.19.cloned.1.call-start
scs
__scs_entry_jumppad:
0x0: {  	(pc) =	sbr.rel $0x88, $3  }
0x1: {  	(tag) =	ssettag $0x0;
	lr =	simm.s32 $0x1  }
0x2: {  	[smem:$0x3F99] =	sst lr;
	_ =	strace $0xD0000000  }
0x3: {  	_ = 	snop  }
0x4: {  	_ = 	snop  }
0x5: {  	_ = 	snop  }
0x6: {  	_ = 	snop  }
0x7: {  	_ = 	snop  }
__scs_overlays_trampoline_lowered:
0x8: {  	[smem:$0x3FA8] =	sst s0  }
0x9: {  	[smem:$0x3FA9] =	sst s1  }
0xa: {  	[smem:$0x3FAA] =	sst s2  }
0xb: {  	[smem:$0x3FAB] =	sst s3  }
0xc: {  	[smem:$0x3FAC] =	sst s4  }
0xd: {  	[smem:$0x3FAD] =	sst s5  }
0xe: {  	[smem:$0x3FAE] =	sst s6  }
0xf: {  	[smem:$0x3FAF] =	sst s7  }
0x10: {  	[smem:$0x3FB0] =	sst s8  }
0x11: {  	[smem:$0x3FB1] =	sst s9;
	s0 =	simm.s32 @!p0 $0x0  }
0x12: {  	s1 =	sld [smem:$0x3F97];
	s0 =	simm.s32 @p0 $0x1  }
0x13: {  	[smem:$0x3FB2] =	sst s0;
	s0 =	simm.s32 @!p1 $0x0  }
0x14: {  	s2 =	sld [smem:$0x3F96];
	s0 =	simm.s32 @p1 $0x1  }
0x15: {  	[smem:$0x3FB3] =	sst s0;
	s0 =	simm.s32 @!p2 $0x0  }
0x16: {  	s3 =	sld [smem:$0x3FDB];
	s0 =	simm.s32 @p2 $0x1  }
0x17: {  	s4 =	simm.s32 $0x1BF5;
	[smem:$0x3FB5] =	sst s0  }
0x18: {  	s0 =	sld [smem:$0x3F98];
	_ =	swait.ge [sflag:s4], $0x0  }
0x19: {  	s7 =	sld [smem:$0x3F99]  }
0x1a: {  	s8 =	sadd.s32 $0xFFFFE003, lr  }
0x1b: {  	s9 =	sadd.s32 $0xFFFFFEF7, lr;
	s5 =	simm.s32 $0xFFFFFFFF;
	p2 =	slt.u32 s8, $0xFFFFF086  }
0x1c: {  	p1 =	slt.u32 s9, $0xF7A;
	s5 =	simm.s32 @!p2 $0x0  }
0x1d: {  	s5 =	simm.s32 @p1 $0x1;
	p0 =	seq.s32 s7, s2  }
0x1e: {  	s7 =	smul.u32 @!p0 $0xF7A, s2;
	p2 =	seq.s32 @!p0 s5, $0x0  }
0x1f: {  	s9 =	smul.u32 $0xF7A, s1;
	s8 =	simm.s32 @!p0 $0x1BF5;
	p2 =	por !p2, p0  }
0x20: {  	[sflag:s8] =	ssyncset.s32 @!p0 $0xFFFFF086;
	s6 =	sadd.s32 @!p0 s3, s7;
	s7 =	simm.s32 @!p0 $0x108  }
0x21: {  	s3 =	sadd.s32 s3, s9;
	s6 =	sadd.s32 @!p0 $0x88, s6;
	s7 =	simm.s32 @p2 $0x1082  }
0x22: {  	[simem:s7], [sflag:s8] =	dma.local @!p0 [hbm:s6], $0xF7A  }
0x23: {  	s9 =	sor.u32 $0xD0000000, s2;
	s6 =	simm.s32 $0x108;
	_ =	swait.ge @!p0 [sflag:s8], $0x0  }
0x24: {  	s3 =	sadd.s32 $0x88, s3;
	s6 =	simm.s32 @!p1 $0x1082;
	[sflag:s4] =	ssyncset.s32 $0xFFFFF086  }
0x25: {  	[simem:s6], [sflag:s4] =	dma.local [hbm:s3], $0xF7A  }
0x26: {  	[smem:$0x3F99] =	sst s1;
	(tag) =	ssettag s2;
	_ =	strace s9  }
0x27: {  	s1 =	sld [smem:$0x3FA9]  }
0x28: {  	s2 =	sld [smem:$0x3FAA]  }
0x29: {  	s4 =	sld [smem:$0x3FAC]  }
0x2a: {  	p0 =	seq.s32 s5, $0x0;
	s5 =	sld [smem:$0x3FAD]  }
0x2b: {  	s6 =	sld [smem:$0x3FAE]  }
0x2c: {  	s7 =	sld [smem:$0x3FAF]  }
0x2d: {  	s3 =	simm.s32 $0x108;
	s8 =	sld [smem:$0x3FB0]  }
0x2e: {  	s3 =	simm.s32 @!p0 $0x1082;
	s9 =	sld [smem:$0x3FB1]  }
0x2f: {  	lr =	sadd.s32 s0, s3;
	s0 =	sld [smem:$0x3FA8]  }
0x30: {  	s3 =	sld [smem:$0x3FAB]  }
0x31: {  	[smem:$0x3FB4] =	sst s10  }
0x32: {  	s10 =	sld [smem:$0x3FB2];
	_ =	sdelay $0x3  }
0x33: {  	p0 =	seq.s32 s10, $0x1;
	s10 =	sld [smem:$0x3FB4];
	_ =	sdelay $0x3  }
0x34: {  	[smem:$0x3FB4] =	sst s10  }
0x35: {  	s10 =	sld [smem:$0x3FB3];
	_ =	sdelay $0x3  }
0x36: {  	p1 =	seq.s32 s10, $0x1;
	s10 =	sld [smem:$0x3FB4];
	_ =	sdelay $0x3  }
0x37: {  	[smem:$0x3FB4] =	sst s10  }
0x38: {  	s10 =	sld [smem:$0x3FB5]  }
0x39: {  	_ = 	snop;
	(pc) =	sbr.ind lr, $3  }
0x3a: {  	_ = 	snop  }
0x3b: {  	_ = 	snop  }
0x3c: {  	p2 =	seq.s32 s10, $0x1;
	s10 =	sld [smem:$0x3FB4]  }
0x3d: {  	_ =	shalt  }
0x3e: {  	_ =	shalt  }
0x3f: {  	_ =	shalt  }
0x40: {  	_ =	shalt  }
0x41: {  	_ =	shalt  }
0x42: {  	_ =	shalt  }
0x43: {  	_ =	shalt  }
0x44: {  	_ =	shalt  }
0x45: {  	_ =	shalt  }
0x46: {  	_ =	shalt  }
0x47: {  	_ =	shalt  }
0x48: {  	_ =	shalt  }
0x49: {  	_ =	shalt  }
0x4a: {  	_ =	shalt  }
0x4b: {  	_ =	shalt  }
0x4c: {  	_ =	shalt  }
0x4d: {  	_ =	shalt  }
0x4e: {  	_ =	shalt  }
0x4f: {  	_ =	shalt  }
0x50: {  	_ =	shalt  }
0x51: {  	_ =	shalt  }
0x52: {  	_ =	shalt  }
0x53: {  	_ =	shalt  }
0x54: {  	_ =	shalt  }
0x55: {  	_ =	shalt  }
0x56: {  	_ =	shalt  }
0x57: {  	_ =	shalt  }
0x58: {  	_ =	shalt  }
0x59: {  	_ =	shalt  }
0x5a: {  	_ =	shalt  }
0x5b: {  	_ =	shalt  }
0x5c: {  	_ =	shalt  }
0x5d: {  	_ =	shalt  }
0x5e: {  	_ =	shalt  }
0x5f: {  	_ =	shalt  }
0x60: {  	_ =	shalt  }
0x61: {  	_ =	shalt  }
0x62: {  	_ =	shalt  }
0x63: {  	_ =	shalt  }
0x64: {  	_ =	shalt  }
0x65: {  	_ =	shalt  }
0x66: {  	_ =	shalt  }
0x67: {  	_ =	shalt  }
0x68: {  	_ =	shalt  }
0x69: {  	_ =	shalt  }
0x6a: {  	_ =	shalt  }
0x6b: {  	_ =	shalt  }
0x6c: {  	_ =	shalt  }
0x6d: {  	_ =	shalt  }
0x6e: {  	_ =	shalt  }
0x6f: {  	_ =	shalt  }
0x70: {  	_ =	shalt  }
0x71: {  	_ =	shalt  }
0x72: {  	_ =	shalt  }
0x73: {  	_ =	shalt  }
0x74: {  	_ =	shalt  }
0x75: {  	_ =	shalt  }
0x76: {  	_ =	shalt  }
0x77: {  	_ =	shalt  }
0x78: {  	_ =	shalt  }
0x79: {  	_ =	shalt  }
0x7a: {  	_ =	shalt  }
0x7b: {  	_ =	shalt  }
0x7c: {  	_ =	shalt  }
0x7d: {  	_ =	shalt  }
0x7e: {  	_ =	shalt  }
0x7f: {  	_ =	shalt  }
0x80: {  	_ =	shalt  }
0x81: {  	_ =	shalt  }
0x82: {  	_ =	shalt  }
0x83: {  	_ =	shalt  }
0x84: {  	_ =	shalt  }
0x85: {  	_ =	shalt  }
0x86: {  	_ =	shalt  }
0x87: {  	_ =	shalt  }
.Lfunc_end0:
.L_simem_size_0:
called_computation.3_lowered:
.L_overlay_start_0:
0x88: {  	s2 =	sld [smem:$0x3FD9]  }
0x89: {  	s3 =	sld [smem:$0x3FFE];
	_ =	sdelay $0x1  }
0x8a: {  	s1 =	srdreg.scid  }
0x8b: {  	s0 =	sand.u32 $0x1, s1  }
0x8c: {  	s17 =	sshll.u32 s0, $0xA;
	s2 =	sadd.s32 s3, s2  }
0x8d: {  	s2 =	sadd.s32 s2, s17  }
0x8e: {  	[smem:$0x3FC0] =	sst s2  }
0x8f: {  	_ = 	snop  }
0x90: {  	s2 =	sld [smem:$0x3FD0];
	(tm) =	ssettm $0x1  }
0x91: {  	s18 =	sld [smem:$0x3FFB];
	_ =	sdelay $0x3  }
0x92: {  	_ =	strace s18  }
0x93: {  	s3 =	sld [smem:$0x3FFC];
	_ =	sdelay $0x3  }
0x94: {  	_ =	strace s3  }
0x95: {  	s3 =	sld [smem:$0x3FFD];
	_ =	sdelay $0x3  }
0x96: {  	_ =	strace s3  }
0x97: {  	_ =	strace $0x8FFFFFFF  }
0x98: {  	s19 =	sld [smem:$0x3FDB];
	_ =	sdelay $0x1  }
0x99: {  	s4 =	simm.s32 $_scs_section_size  }
0x9a: {  	s5 =	simm.s32 $_size__tile_overlayer_lowered;
	s6 =	simm.s32 $_tile_overlayer_lowered  }
0x9b: {  	s22 =	simm.s32 $0x1BFF;
	s21 =	sshll.u32 s6, $0x1;
	s3 =	sadd.s32 s4, s19  }
0x9c: {  	s7 =	simm.s32 $0x0;
	s20 =	sshll.u32 s5, $0x1;
	s5 =	sadd.s32 s21, s3  }
0x9d: {  	[timem:s7], [sflag:s22] =	dma.local [hbm:s5], s20  }
0x9e: {  	_ =	swait.ge [sflag:s22], s20  }
0x9f: {  	s4 =	ssub.s32 $0x0, s20;
	[sflag:s22] =	ssyncset.done $0x0  }
0xa0: {  	[sflag:s22] =	ssyncadd.s32 s4;
	_ =	sdelay $0x1  }
0xa1: {  	s23 =	simm.s32 $0x1B8B  }
0xa2: {  	_ =	swait.ge [sflag:s23], $0x1  }
0xa3: {  	[sflag:s23] =	ssyncset.done $0x0  }
0xa4: {  	s25 =	simm.s32 $0x1B8E;
	s24 =	sld [smem:$0x3FFE];
	[sflag:s23] =	ssyncadd.s32 $0xFFFFFFFF  }
0xa5: {  	s26 =	simm.s32 $execute0_lowered;
	[smem:$0x3FD2] =	sst s25  }
0xa6: {  	s5 =	sshll.u32 s26, $0x1;
	_ =	strace $0x8000004F;
	[dreg:$0x1] =	wrdreg $0xFFFFFFFF  }
0xa7: {  	s28 =	simm.s32 $_size_execute0_lowered;
	s3 =	sadd.s32 s3, s5;
	[dreg:$0x0] =	wrdreg $0x0  }
0xa8: {  	s5 =	sshll.u32 s28, $0x1;
	[dreg:$0x2] =	wrdreg s3  }
0xa9: {  	[dreg:$0x3] =	wrdreg s5  }
0xaa: {  	[dreg:$0x4] =	wrdreg $0xC0  }
0xab: {  	_ =	task [dreg:s7], $0x5FFFF  }
0xac: {  	[dreg:$0x1] =	wrdreg $0xFFFFFFFF  }
0xad: {  	[dreg:$0x0] =	wrdreg $0x60  }
0xae: {  	[dreg:$0x2] =	wrdreg s2  }
0xaf: {  	[dreg:$0x3] =	wrdreg s24  }
0xb0: {  	[dreg:$0x4] =	wrdreg $0x52000  }
0xb1: {  	[dreg:$0x5] =	wrdreg $0x9  }
0xb2: {  	_ =	task.clear_ibuf [dreg:s7], $0x6FFFF;
	_ =	strace $0x9000004F  }
0xb3: {  	s29 =	simm.s32 $0x9;
	_ =	strace $0x80000051  }
0xb4: {  	_ =	swait.ge [sflag:s29], $0x1  }
0xb5: {  	[sflag:s29] =	ssyncadd.s32 $0xFFFFFFFF  }
0xb6: {  	_ =	strace $0x90000051  }
0xb7: {  	_ =	sfence  }
0xb8: {  	s30 =	sld [smem:$0x0];
	_ =	sdelay $0x2  }
0xb9: {  	s31 =	sshll.u32 s1, $0xD;
	s1 =	sshrl.u32 s1, $0x2  }
0xba: {  	s3 =	sand.u32 $0x4000, s31;
	s1 =	sadd.s32 s1, s30  }
0xbb: {  	s0 =	sor.u32 s3, s0;
	s1 =	sshll.u32 s1, $0x11  }
0xbc: {  	s0 =	sor.u32 s1, s0  }
0xbd: {  	s0 =	sadd.s32 $0x8F2B, s0  }
0xbe: {  	[sflag:s0] =	ssyncadd.remote.s32 $0x1  }
0xbf: {  	_ =	sfence.sel $0xFFFF  }
0xc0: {  	[dreg:$0x0] =	wrdreg $0xFFFFFFFF;
	(pc) =	sbr.abs _section_cstart, $3  }
0xc1: {  	[dreg:$0x1] =	wrdreg $0xFFFFFFFF  }
0xc2: {  	_ =	task.clear_ibuf [dreg:s7], $0x2FFFF;
	_ =	strace $0x9FFFFFFF  }
0xc3: {  	(tm) =	ssettm $0x7FFFFFFF  }
tec
execute0_lowered:
.L_overlay_start_1:
0x0: {  	(tag) =	ssettag $0x1  }
0x1: {  	s1 =	rddreg [dreg:$0x0]  }
0x2: {  	s0 =	rddreg [dreg:$0x1];
	s12 =	stileid.u32  }
0x3: {  	s2 =	rddreg [dreg:$0x2];
	s4 =	simm.s32 $0x0;
	s8 =	smul.u32 $0x3E80, s12  }
0x4: {  	s3 =	srdreg.scid;
	s28 =	simm.s32 $0x4;
	s9 =	smul.u32 $0x1B80, s12  }
0x5: {  	s29 =	simm.s32 $0x0;
	[smem:$0x7FF] =	sst s4;
	s10 =	smul.u32 $0x3340, s12  }
0x6: {  	s3 =	sand.u32 $0x1, s3;
	s5 =	sadd.s32 $0xD200, s0;
	s19 =	smul.u32 $0x7D000, s12  }
0x7: {  	s6 =	sadd.s32 $0x2A00, s0;
	s7 =	smul.u32 $0x27100, s3;
	s16 =	ssub.s32 $0x2, s3  }
0x8: {  	_ =	strace $0x80000050;
	p0 =	seq.s32 s3, $0x0;
	s11 =	sshrl.u32 s16, $0x1  }
0x9: {  	s3 =	sadd.s32 $0x33400, s9;
	s23 =	sshrl.u32 s19, $0x2;
	s19 =	simm.s32 $0x50  }
0xa: {  	s7 =	sadd.s32 s8, s7;
	s17 =	ssub.s32 s16, s11;
	s3 =	smov.u32 @p0 s10  }
0xb: {  	s8 =	simm.s32 $0xA4;
	s0 =	sadd.s32 s7, s0;
	s18 =	sshrl.u32 s3, $0x3  }
0xc: {  	s8 =	simm.s32 @!p0 $0x58;
	s15 =	smax.u32 s17, $0x1;
	s16 =	sadd.s32 $0xF0, s3  }
0xd: {  	p0 =	sgt.u32 s12, $0x9;
	s17 =	simm.s32 $0x80;
	s20 =	sadd.s32 s5, s18  }
0xe: {  	s21 =	sadd.s32 $0xA, s18;
	s9 =	sadd.s32 s6, s18;
	[dreg:$0x6] =	wrdreg s20  }
0xf: {  	s25 =	sadd.s32 $0x17000, s0;
	s26 =	sshrl.u32 s8, $0x1;
	[dreg:$0x7] =	wrdreg s9  }
0x10: {  	s14 =	sadd.s32 $0x65200, s0;
	s30 =	sadd.s32 $0xFFFFFFFE, s8;
	[dreg:$0xb] =	wrdreg s25  }
0x11: {  	s31 =	sadd.s32 $0xFFFFFFFD, s8;
	s18 =	simm.s32 $0x1;
	[dreg:$0xc] =	wrdreg s26  }
0x12: {  	s22 =	sadd.s32 s5, s21;
	s24 =	sadd.s32 s6, s21;
	[dreg:$0x4] =	wrdreg s30  }
0x13: {  	s9 =	sadd.s32 s23, s2;
	[dreg:$0x5] =	wrdreg s31;
	s20 =	simm.s32 $0x200  }
0x14: {  	s21 =	simm.s32 $0x100;
	s23 =	simm.s32 $0x2;
	[dreg:$0x8] =	wrdreg s22  }
0x15: {  	s25 =	simm.s32 $0x3;
	s26 =	simm.s32 $0x5;
	[dreg:$0x9] =	wrdreg s24  }
0x16: {  	[dreg:$0xa] =	wrdreg s9;
	s22 =	simm.s32 $0x180;
	s24 =	simm.s32 $0x2A00  }
.LBB2_1:
0x17: {  	s0 =	rddreg [dreg:$0x6]  }
0x18: {  	[tilespmem:s4], [sflag:$0x1] =	stream.linear.gather [hbm4b:s0+s4], $0x50, $0x38;
	[tilespmem:$0x18AC0] =	vst v63  }
0x19: {  	s8 =	rddreg [dreg:$0x7]  }
0x1a: {  	[tilespmem:s17], [sflag:$0x1] =	stream.linear.gather [hbm4b:s8+s4], $0x50, $0x38;
	[tilespmem:$0x18AC0] =	vst v63  }
0x1b: {  	_ =	swait.ge [sflag:s18], $0x50  }
0x1c: {  	[sflag:s18] =	ssyncset.done $0x0  }
0x1d: {  	[sflag:s18] =	ssyncadd.s32 $0xFFFFFFB0  }
0x1e: {  	_ =	swait.ge [sflag:s18], $0x50  }
0x1f: {  	s0 =	stileid.u32;
	[sflag:s18] =	ssyncset.done $0x0;
	s9 =	rddreg [dreg:$0x8]  }
0x20: {  	s0 =	sshll.u32 @!p0 s0, $0x6;
	s10 =	rddreg [dreg:$0x9];
	[sflag:s18] =	ssyncadd.s32 $0xFFFFFFB0  }
0x21: {  	[tilespmem:s20], [sflag:$0x3] =	stream.indirect.gather [hbm4b:s1+s19], $0x80, s4, s19, $0xb8;
	[tilespmem:$0x18AC0] =	vst v63  }
0x22: {  	s31 =	sor.u32 @!p0 $0x1C05, s0;
	s0 =	rddreg [dreg:$0xa]  }
0x23: {  	[tilespmem:s21], [sflag:$0x2] =	stream.linear.gather [hbm4b:s9+s4], $0x50, $0x38;
	[tilespmem:$0x18AC0] =	vst v63  }
0x24: {  	s30 =	simm.s32 @!p0 $0x5;
	s3 =	rddreg [dreg:$0xb];
	s0 =	sshrl.u32 @!p0 s0, $0x3  }
0x25: {  	[tilespmem:s22], [sflag:$0x2] =	stream.linear.gather [hbm4b:s10+s4], $0x50, $0x38;
	[tilespmem:$0x18AC0] =	vst v63  }
0x26: {  	[spmem:s0], [sflag:s31] =	dma.local @!p0 [hbm:s3], $0x3E80  }
0x27: {  	_ =	swait.ge @!p0 [sflag:s30], $0x3E80  }
0x28: {  	[sflag:s30] =	ssyncset.done @!p0 $0x0  }
0x29: {  	[sflag:s30] =	ssyncadd.s32 @!p0 $0xFFFFC180  }
0x2a: {  	[bflag:$0x0] =	sbarrier.arrive $0xFFFF  }
0x2b: {  	_ =	swait.ge [sflag:s23], $0x50  }
0x2c: {  	[sflag:s23] =	ssyncset.done $0x0  }
0x2d: {  	[sflag:s23] =	ssyncadd.s32 $0xFFFFFFB0  }
0x2e: {  	_ =	swait.ge [sflag:s23], $0x50  }
0x2f: {  	[sflag:s23] =	ssyncset.done $0x0  }
0x30: {  	[sflag:s23] =	ssyncadd.s32 $0xFFFFFFB0  }
0x31: {  	[tilespmem:s24], [sflag:$0x4] =	stream.indirect.gather [hbm4b:s1+s19], $0x80, s21, s19, $0xb8;
	[tilespmem:$0x18AC0] =	vst v63  }
0x32: {  	_ =	swait.ge [sflag:s25], $0x2800  }
0x33: {  	[sflag:s25] =	ssyncset.done $0x0  }
0x34: {  	[sflag:s25] =	ssyncadd.s32 $0xFFFFD800  }
0x35: {  	[spmem:s2] =	stream.indirect.scatter.add.f32 [tilespmem:s20], [sflag:$0x5], $0x80, s17, s19, $0xb8;
	[tilespmem:$0x18AC0] =	vst v63  }
0x36: {  	_ =	swait.ge [sflag:s26], $0x2800  }
0x37: {  	s11 =	rddreg [dreg:$0x4]  }
0x38: {  	p1 =	sle.u32 s11, $0x0  }
0x39: {  	s3 =	sadd.s32 @!p1 $0xFFFFFFB0, s16  }
0x3a: {  	[sflag:s26] =	ssyncset.done $0x0;
	s3 =	sshrl.u32 @!p1 s3, $0x3  }
0x3b: {  	[sflag:s26] =	ssyncadd.s32 $0xFFFFD800;
	s9 =	simm.s32 @!p1 $0x0;
	s7 =	sadd.s32 @!p1 s5, s3  }
0x3c: {  	[tilespmem:s9], [sflag:$0x1] =	stream.linear.gather @!p1 [hbm4b:s7+s9], $0x50, $0x38;
	[tilespmem:$0x18AC0] =	vst v63  }
0x3d: {  	s3 =	sadd.s32 @!p1 s6, s3;
	s7 =	simm.s32 @!p1 $0x80  }
0x3e: {  	[tilespmem:s7], [sflag:$0x1] =	stream.linear.gather @!p1 [hbm4b:s3+s9], $0x50, $0x38;
	[tilespmem:$0x18AC0] =	vst v63  }
0x3f: {  	_ =	swait.ge [sflag:s28], $0x2800  }
0x40: {  	[sflag:s28] =	ssyncset.done $0x0  }
0x41: {  	[sflag:s28] =	ssyncadd.s32 $0xFFFFD800  }
0x42: {  	[spmem:s2] =	stream.indirect.scatter.add.f32 [tilespmem:s24], [sflag:$0x5], $0x80, s22, s19, $0xb8;
	[tilespmem:$0x18AC0] =	vst v63  }
0x43: {  	_ =	swait.ge [sflag:s26], $0x2800  }
0x44: {  	s12 =	rddreg [dreg:$0x5]  }
0x45: {  	[sflag:s26] =	ssyncset.done $0x0;
	p2 =	sle.u32 s12, $0x0  }
0x46: {  	[sflag:s26] =	ssyncadd.s32 $0xFFFFD800;
	s3 =	sshrl.u32 @!p2 s16, $0x3  }
0x47: {  	s7 =	simm.s32 @!p2 $0x100;
	s10 =	simm.s32 @!p2 $0x0;
	s8 =	sadd.s32 @!p2 s5, s3  }
0x48: {  	[tilespmem:s7], [sflag:$0x2] =	stream.linear.gather @!p2 [hbm4b:s8+s10], $0x50, $0x38;
	[tilespmem:$0x18AC0] =	vst v63  }
0x49: {  	s11 =	simm.s32 @!p1 $0x1;
	s3 =	sadd.s32 @!p2 s6, s3;
	s7 =	simm.s32 @!p2 $0x180  }
0x4a: {  	[tilespmem:s7], [sflag:$0x2] =	stream.linear.gather @!p2 [hbm4b:s3+s10], $0x50, $0x38;
	[tilespmem:$0x18AC0] =	vst v63  }
0x4b: {  	_ =	swait.ge @!p1 [sflag:s11], $0x50  }
0x4c: {  	s13 =	rddreg [dreg:$0xc]  }
0x4d: {  	s3 =	sadd.s32 $0xFFFFFFFF, s13  }
0x4e: {  	p2 =	sne.s32 s3, $0x0  }
.Ltmp0:
0x4f: {  	[sflag:s11] =	ssyncset.done @!p1 $0x0;
	(pc) =	sbr.rel @!p2 .LBB2_3-.Ltmp0, $4  }
0x50: {  	[sflag:s11] =	ssyncadd.s32 @!p1 $0xFFFFFFB0  }
0x51: {  	_ =	swait.ge @!p1 [sflag:s11], $0x50  }
0x52: {  	s8 =	sadd.s32 $0xA0, s16;
	s7 =	simm.s32 $0x2;
	[sflag:s11] =	ssyncset.done @!p1 $0x0  }
0x53: {  	s10 =	simm.s32 @!p1 $0x50;
	[sflag:s11] =	ssyncadd.s32 @!p1 $0xFFFFFFB0;
	s11 =	simm.s32 @!p1 $0x200  }
.LBB2_2:
0x54: {  	[tilespmem:s11], [sflag:$0x3] =	stream.indirect.gather @!p1 [hbm4b:s1+s10], $0x80, s9, s10, $0xb8;
	[tilespmem:$0x18AC0] =	vst v63  }
0x55: {  	_ =	swait.ge [sflag:s23], $0x50  }
0x56: {  	[sflag:s23] =	ssyncset.done $0x0  }
0x57: {  	[sflag:s23] =	ssyncadd.s32 $0xFFFFFFB0  }
0x58: {  	_ =	swait.ge [sflag:s23], $0x50  }
0x59: {  	[sflag:s23] =	ssyncset.done $0x0  }
0x5a: {  	[sflag:s23] =	ssyncadd.s32 $0xFFFFFFB0  }
0x5b: {  	[tilespmem:s24], [sflag:$0x4] =	stream.indirect.gather [hbm4b:s1+s19], $0x80, s21, s19, $0xb8;
	[tilespmem:$0x18AC0] =	vst v63  }
0x5c: {  	_ =	swait.ge [sflag:s25], $0x2800  }
0x5d: {  	[sflag:s25] =	ssyncset.done $0x0  }
0x5e: {  	[sflag:s25] =	ssyncadd.s32 $0xFFFFD800  }
0x5f: {  	[spmem:s2] =	stream.indirect.scatter.add.f32 [tilespmem:s20], [sflag:$0x5], $0x80, s17, s19, $0xb8;
	[tilespmem:$0x18AC0] =	vst v63  }
0x60: {  	_ =	swait.ge [sflag:s26], $0x2800  }
0x61: {  	s12 =	rddreg [dreg:$0x4]  }
0x62: {  	p1 =	sge.u32 s7, s12  }
0x63: {  	s9 =	sadd.s32 @!p1 $0xFFFFFFB0, s8  }
0x64: {  	[sflag:s26] =	ssyncset.done $0x0;
	s10 =	sshrl.u32 @!p1 s9, $0x3  }
0x65: {  	[sflag:s26] =	ssyncadd.s32 $0xFFFFD800;
	s9 =	simm.s32 @!p1 $0x0;
	s11 =	sadd.s32 @!p1 s5, s10  }
0x66: {  	[tilespmem:s9], [sflag:$0x1] =	stream.linear.gather @!p1 [hbm4b:s11+s9], $0x50, $0x38;
	[tilespmem:$0x18AC0] =	vst v63  }
0x67: {  	s10 =	sadd.s32 @!p1 s6, s10;
	s11 =	simm.s32 @!p1 $0x80  }
0x68: {  	[tilespmem:s11], [sflag:$0x1] =	stream.linear.gather @!p1 [hbm4b:s10+s9], $0x50, $0x38;
	[tilespmem:$0x18AC0] =	vst v63  }
0x69: {  	_ =	swait.ge [sflag:s28], $0x2800  }
0x6a: {  	[sflag:s28] =	ssyncset.done $0x0  }
0x6b: {  	[sflag:s28] =	ssyncadd.s32 $0xFFFFD800  }
0x6c: {  	[spmem:s2] =	stream.indirect.scatter.add.f32 [tilespmem:s24], [sflag:$0x5], $0x80, s22, s19, $0xb8;
	[tilespmem:$0x18AC0] =	vst v63  }
0x6d: {  	_ =	swait.ge [sflag:s26], $0x2800  }
0x6e: {  	s13 =	rddreg [dreg:$0x5]  }
0x6f: {  	[sflag:s26] =	ssyncset.done $0x0;
	p3 =	sge.u32 s7, s13  }
0x70: {  	s3 =	sadd.s32 $0xFFFFFFFF, s3;
	[sflag:s26] =	ssyncadd.s32 $0xFFFFD800;
	s10 =	sshrl.u32 @!p3 s8, $0x3  }
0x71: {  	s11 =	simm.s32 @!p3 $0x100;
	s13 =	simm.s32 @!p3 $0x0;
	s12 =	sadd.s32 @!p3 s5, s10  }
0x72: {  	[tilespmem:s11], [sflag:$0x2] =	stream.linear.gather @!p3 [hbm4b:s12+s13], $0x50, $0x38;
	[tilespmem:$0x18AC0] =	vst v63  }
0x73: {  	s10 =	sadd.s32 @!p3 s6, s10;
	s11 =	simm.s32 @!p3 $0x180;
	s12 =	simm.s32 @!p1 $0x1  }
0x74: {  	[tilespmem:s11], [sflag:$0x2] =	stream.linear.gather @!p3 [hbm4b:s10+s13], $0x50, $0x38;
	[tilespmem:$0x18AC0] =	vst v63  }
0x75: {  	p2 =	sne.s32 s3, $0x0;
	_ =	swait.ge @!p1 [sflag:s12], $0x50  }
.Ltmp1:
0x76: {  	[sflag:s12] =	ssyncset.done @!p1 $0x0;
	(pc) =	sbr.rel @p2 .LBB2_2-.Ltmp1, $4  }
0x77: {  	[sflag:s12] =	ssyncadd.s32 @!p1 $0xFFFFFFB0  }
0x78: {  	_ =	swait.ge @!p1 [sflag:s12], $0x50  }
0x79: {  	s7 =	sadd.s32 $0x2, s7;
	s8 =	sadd.s32 $0xA0, s8;
	[sflag:s12] =	ssyncset.done @!p1 $0x0  }
0x7a: {  	s10 =	simm.s32 @!p1 $0x50;
	s11 =	simm.s32 @!p1 $0x200;
	[sflag:s12] =	ssyncadd.s32 @!p1 $0xFFFFFFB0  }
.LBB2_3:
0x7b: {  	[tilespmem:s11], [sflag:$0x3] =	stream.indirect.gather @!p1 [hbm4b:s1+s10], $0x80, s9, s10, $0xb8;
	[tilespmem:$0x18AC0] =	vst v63  }
0x7c: {  	s29 =	sadd.s32 $0x1, s29  }
0x7d: {  	p1 =	sne.s32 s29, s15  }
.Ltmp2:
0x7e: {  	[bflag:$0x0] =	sbarrier.arrive $0xFFFF;
	(pc) =	sbr.rel @p1 .LBB2_1-.Ltmp2, $4  }
0x7f: {  	[hbm:s14], [sflag:s31] =	dma.local @!p0 [spmem:s0], $0x3E80  }
0x80: {  	_ =	swait.ge @!p0 [sflag:s30], $0x3E80  }
0x81: {  	[sflag:s30] =	ssyncset.done @!p0 $0x0  }
0x82: {  	[sflag:s30] =	ssyncadd.s32 @!p0 $0xFFFFC180  }
0x83: {  	_ =	sfence.sel $0x180000  }
0x84: {  	[bflag:$0x0] =	sbarrier.arrive $0xFFFF  }
0x85: {  	_ =	strace $0x90000050  }
0x86: {  	s0 =	stileid.u32;
	[bflag:$0x2] =	sbarrier.arrive $0xFFFF  }
0x87: {  	p0 =	sne.s32 s0, $0x0;
	s0 =	rddreg [dreg:$0x3]  }
0x88: {  	s0 =	sadd.s32 @!p0 $0x100000, s0  }
0x89: {  	[sflag:s0] =	ssyncadd.tile.s32 @!p0 $0x1;
	_ =	shalt  }
.Lfunc_end2:
_tile_overlayer_lowered:
.L_overlay_start_2:
0x8a: {  	(tag) =	ssettag $0x2  }
0x8b: {  	s0 =	rddreg [dreg:$0x0];
	s2 =	stileid.u32  }
0x8c: {  	s1 =	rddreg [dreg:$0x1];
	p0 =	sne.s32 s2, $0x0  }
0x8d: {  	s3 =	rddreg [dreg:$0x2];
	[bflag:$0x3] =	sbarrier.arrive $0xFFFF;
	s2 =	simm.s32 @!p0 $0x1C05  }
0x8e: {  	[timem:s3], [sflag:s2] =	dma.local @!p0 [hbm:s0], s1  }
0x8f: {  	s0 =	simm.s32 @!p0 $0x5  }
0x90: {  	_ =	swait.ge @!p0 [sflag:s0], s1  }
0x91: {  	s1 =	ssub.s32 @!p0 $0x0, s1;
	[sflag:s0] =	ssyncset.done @!p0 $0x0  }
0x92: {  	[sflag:s0] =	ssyncadd.s32 @!p0 s1  }
0x93: {  	[bflag:$0x3] =	sbarrier.arrive $0xFFFF  }
0x94: {  	_ =	shalt  }

</sc_bundles>
